<compile_context>
chip_gen: v7x
topology: tpu7x:2x2x1
jax: 0.10.2.dev20260603
libtpu: 0.0.44.dev20260713+nightly
codegen_flags: <defaults>
</compile_context>

<pallas_src>
import functools

import jax
import jax.numpy as jnp
import numpy as np
from jax import lax
from jax.experimental import pallas as pl
from jax.experimental.pallas import tpu as pltpu
from jax.experimental.pallas import tpu_sc as plsc

N_NODES = 10000
D_FEAT = 128
HIDDEN = 32
N_EDGES = 320000

NPAD = 10240
NS = 16
CHUNK = 128
NCH = 157
NE_TILE = NCH * CHUNK
EPAD = NS * NE_TILE
ROWS_T = NPAD // NS
NBUF = 6
AHEAD = 3
NROW = NPAD // 16
NGRP = ROWS_T // 16

_f32 = jnp.float32


def _rsqrt16(x):
    i = plsc.bitcast(x, jnp.int32)
    i = 0x5F3759DF - lax.shift_right_logical(i, 1)
    y = plsc.bitcast(i, _f32)
    y = y * (1.5 - 0.5 * x * y * y)
    y = y * (1.5 - 0.5 * x * y * y)
    y = y * (1.5 - 0.5 * x * y * y)
    return y


def _sc_mega(h0, b1, w2, b2b, srcf, dst3):

    @functools.partial(
        pl.kernel,
        out_type=(jax.ShapeDtypeStruct((NPAD,), _f32),
                  jax.ShapeDtypeStruct((NPAD, HIDDEN), _f32)),
        mesh=plsc.VectorSubcoreMesh(core_axis_name="c", subcore_axis_name="s",
                                    num_cores=1),
        compiler_params=pltpu.CompilerParams(use_tc_tiling_on_sc=False,
                                             needs_layout_passes=False),
        scratch_types=[
            pltpu.VMEM((NE_TILE,), jnp.int32),
            pltpu.VMEM((NCH, CHUNK), jnp.int32),
            pltpu.VMEM((NBUF, CHUNK, HIDDEN), _f32),
            pltpu.VMEM((ROWS_T, HIDDEN), _f32),
            pltpu.VMEM((NGRP, 16), _f32),
            pltpu.VMEM((ROWS_T,), _f32),
            pltpu.VMEM((NPAD,), _f32),
            pltpu.VMEM((NROW, 16), _f32),
            pltpu.VMEM((NROW,), jnp.int32),
            pltpu.VMEM((HIDDEN,), _f32),
            pltpu.VMEM((HIDDEN,), _f32),
            pltpu.VMEM((16,), _f32),
            pltpu.VMEM_SHARED((NROW, 16), _f32),
            pltpu.VMEM_SHARED((NPAD, HIDDEN), _f32),
            pltpu.VMEM_SHARED((NPAD,), _f32),
            pltpu.SemaphoreType.DMA,
            pltpu.SemaphoreType.DMA,
            pltpu.SemaphoreType.DMA,
        ],
    )
    def k(h0_hbm, b1_hbm, w2_hbm, b2_hbm, src_hbm, dst_hbm,
          out_hbm, g1_hbm,
          src_v, dst_v, bufs, slab, dv2, sv, g_v, hist, iotab,
          b1v, w2v, b2v, dacc_sh, acc_sh, g2_sh,
          gsem, ssem, hsem):
        sid = lax.axis_index("s")
        r0 = sid * ROWS_T
        hrow0 = sid * NGRP
        one16 = jnp.full((16,), 1.0, dtype=_f32)
        zero16 = jnp.zeros((16,), _f32)
        iota16 = lax.iota(jnp.int32, 16)

        pltpu.make_async_copy(h0_hbm.at[pl.ds(r0, ROWS_T)], slab, hsem).start()
        pltpu.sync_copy(src_hbm.at[sid], src_v)
        pltpu.sync_copy(dst_hbm.at[sid], dst_v)
        pltpu.sync_copy(b1_hbm, b1v)
        pltpu.sync_copy(w2_hbm, w2v)
        pltpu.sync_copy(b2_hbm, b2v)

        def fill_iota(i, carry):
            iotab[pl.ds(i * 16, 16)] = iota16 + i * 16
            return carry

        lax.fori_loop(0, NROW // 16, fill_iota, 0, unroll=4)

        def zero_hist(r, carry):
            hist[r, pl.ds(0, 16)] = zero16
            return carry

        lax.fori_loop(0, NROW, zero_hist, 0, unroll=8)

        def zero_dv(i, carry):
            dv2[i, pl.ds(0, 16)] = zero16
            return carry

        lax.fori_loop(0, NGRP, zero_dv, 0, unroll=4)
        pltpu.sync_copy(dv2, dacc_sh.at[pl.ds(hrow0, NGRP)])
        plsc.subcore_barrier()

        def deg_chunk(j, carry):
            for t in range(CHUNK // 16):
                d16 = dst_v[j, pl.ds(t * 16, 16)]
                r16 = lax.shift_right_logical(d16, 4)
                c16 = jnp.bitwise_and(d16, 15)
                plsc.addupdate_scatter(hist, [r16, c16], one16)
            return carry

        lax.fori_loop(0, NCH, deg_chunk, 0, unroll=False)
        pltpu.sync_copy(hist, dacc_sh.at[iotab], add=True)
        plsc.subcore_barrier()

        pltpu.sync_copy(dacc_sh.at[pl.ds(hrow0, NGRP)], dv2)

        def rsq(i, carry):
            v = dv2[i, pl.ds(0, 16)]
            dv2[i, pl.ds(0, 16)] = _rsqrt16(v + one16)
            return carry

        lax.fori_loop(0, NGRP, rsq, 0, unroll=4)

        pltpu.make_async_copy(h0_hbm.at[pl.ds(r0, ROWS_T)], slab, hsem).wait()
        a = pl.ds(0, 16)
        b = pl.ds(16, 16)

        def scale_rows(i, carry):
            dvec = dv2[i, pl.ds(0, 16)]
            for t in range(16):
                r = i * 16 + t
                s = jnp.full((16,), dvec[t], dtype=_f32)
                slab[r, a] = slab[r, a] * s
                slab[r, b] = slab[r, b] * s
            return carry

        lax.fori_loop(0, NGRP, scale_rows, 0, unroll=False)
        pltpu.sync_copy(slab, g1_hbm.at[pl.ds(r0, ROWS_T)])
        pltpu.sync_copy(slab, acc_sh.at[pl.ds(r0, ROWS_T)])
        plsc.subcore_barrier()

        for p in range(AHEAD):
            pltpu.make_async_copy(
                g1_hbm.at[src_v.at[pl.ds(p * CHUNK, CHUNK)]],
                bufs.at[p], gsem).start()

        def edge_body(j, carry):
            slot = lax.rem(j, NBUF)

            @pl.when(j >= AHEAD)
            def _():
                pltpu.make_async_copy(
                    bufs.at[lax.rem(j - AHEAD, NBUF)],
                    acc_sh.at[dst_v.at[j - AHEAD]], ssem).wait()

            @pl.when(j < NCH - AHEAD)
            def _():
                pltpu.make_async_copy(
                    g1_hbm.at[src_v.at[pl.ds((j + AHEAD) * CHUNK, CHUNK)]],
                    bufs.at[lax.rem(j + AHEAD, NBUF)], gsem).start()

            pltpu.make_async_copy(
                g1_hbm.at[src_v.at[pl.ds(j * CHUNK, CHUNK)]],
                bufs.at[slot], gsem).wait()
            pltpu.make_async_copy(
                bufs.at[slot], acc_sh.at[dst_v.at[j]], ssem).start(add=True)
            return carry

        lax.fori_loop(0, NCH, edge_body, 0, unroll=2)
        for j in range(NCH - AHEAD, NCH):
            pltpu.make_async_copy(
                bufs.at[j % NBUF], acc_sh.at[dst_v.at[j]], ssem).wait()
        plsc.subcore_barrier()

        pltpu.sync_copy(acc_sh.at[pl.ds(r0, ROWS_T)], slab)
        b1a = b1v[a]
        b1b = b1v[b]
        w2a = w2v[a]
        w2b = w2v[b]

        def row_dot(i, carry):
            dvec = dv2[i, pl.ds(0, 16)]
            zvec = zero16
            for t in range(16):
                r = i * 16 + t
                s = jnp.full((16,), dvec[t], dtype=_f32)
                ha = jnp.maximum(slab[r, a] * s + b1a, zero16)
                hb = jnp.maximum(slab[r, b] * s + b1b, zero16)
                z = jnp.sum(ha * w2a + hb * w2b)
                zvec = jnp.where(iota16 == t, z, zvec)
            sv[pl.ds(i * 16, 16)] = zvec * dvec
            return carry

        lax.fori_loop(0, NGRP, row_dot, 0, unroll=False)
        pltpu.sync_copy(sv, g2_sh.at[pl.ds(r0, ROWS_T)])
        lax.fori_loop(0, NROW, zero_hist, 0, unroll=8)
        pltpu.sync_copy(hist.at[pl.ds(0, NGRP)], dacc_sh.at[pl.ds(hrow0, NGRP)])
        plsc.subcore_barrier()

        pltpu.sync_copy(g2_sh, g_v)

        def sc_chunk(j, carry):
            for t in range(CHUNK // 16):
                s16 = src_v[pl.ds(j * CHUNK + t * 16, 16)]
                vals = plsc.load_gather(g_v, [s16])
                d16 = dst_v[j, pl.ds(t * 16, 16)]
                r16 = lax.shift_right_logical(d16, 4)
                c16 = jnp.bitwise_and(d16, 15)
                plsc.addupdate_scatter(hist, [r16, c16], vals)
            return carry

        lax.fori_loop(0, NCH, sc_chunk, 0, unroll=False)
        pltpu.sync_copy(hist, dacc_sh.at[iotab], add=True)
        plsc.subcore_barrier()

        pltpu.sync_copy(dacc_sh.at[pl.ds(hrow0, NGRP)], hist.at[pl.ds(0, NGRP)])
        b2vec = b2v[a]

        def fin(i, carry):
            s = pl.ds(i * 16, 16)
            accv = hist[i, pl.ds(0, 16)]
            dvec = dv2[i, pl.ds(0, 16)]
            sv[s] = (accv + sv[s]) * dvec + b2vec
            return carry

        lax.fori_loop(0, NGRP, fin, 0, unroll=4)
        pltpu.sync_copy(sv, out_hbm.at[pl.ds(r0, ROWS_T)])

    return k(h0, b1, w2, b2b, srcf, dst3)


ROWS_B = 1280


def _tc_h0(x, W1):
    def body(x_ref, w_ref, o_ref):
        o_ref[...] = jnp.dot(x_ref[...], w_ref[...], preferred_element_type=_f32)

    return pl.pallas_call(
        body,
        grid=(NPAD // ROWS_B,),
        in_specs=[pl.BlockSpec((ROWS_B, D_FEAT), lambda i: (i, 0)),
                  pl.BlockSpec((D_FEAT, HIDDEN), lambda i: (0, 0))],
        out_specs=pl.BlockSpec((ROWS_B, HIDDEN), lambda i: (i, 0)),
        out_shape=jax.ShapeDtypeStruct((NPAD, HIDDEN), _f32),
    )(x, W1)


_PAD_IDX = np.asarray(
    N_NODES + np.arange(EPAD - N_EDGES) % (NPAD - N_NODES), dtype=np.int32)


def kernel(x, edge_index, W1, b1, W2, b2):
    ei = edge_index.astype(jnp.int32)
    pad_idx = jnp.asarray(_PAD_IDX)
    src = jnp.concatenate([ei[0], pad_idx])
    dst = jnp.concatenate([ei[1], pad_idx])
    srcf = src.reshape(NS, NE_TILE)
    dst3 = dst.reshape(NS, NCH, CHUNK)
    xp = jnp.pad(x, ((0, NPAD - N_NODES), (0, 0)))
    b2b = jnp.broadcast_to(b2, (16,))
    w2 = W2.reshape(HIDDEN)

    h0 = _tc_h0(xp, W1)
    out, _ = _sc_mega(h0, b1, w2, b2b, srcf, dst3)
    return out[:N_NODES]

# --- scband reference (transcript-rebuilt; emitter-appended) ---
"""Pipeline reference for scband-gcn-8022998909293 (READ-ONLY COPY).

The authoritative reference and input builder live on the scoring server;
editing this copy changes nothing except your own understanding.
"""

import jax, jax.numpy as jnp
import numpy as np

N_NODES = 10000
D_FEAT = 128
HIDDEN = 32
N_EDGES = 320000


def gcn_conv(x, edge_index, W, b):
    num_nodes = x.shape[0]
    src = edge_index[0]
    dst = edge_index[1]
    # add self loops (PyG GCNConv default)
    loop = jnp.arange(num_nodes, dtype=edge_index.dtype)
    src = jnp.concatenate([src, loop], axis=0)
    dst = jnp.concatenate([dst, loop], axis=0)
    edge_weight = jnp.ones(src.shape[0], dtype=x.dtype)
    # symmetric normalization: deg computed over destination nodes
    deg = jnp.zeros((num_nodes,), dtype=x.dtype).at[dst].add(edge_weight)
    deg_inv_sqrt = jnp.where(deg > 0, jax.lax.rsqrt(jnp.where(deg > 0, deg, 1.0)), 0.0)
    norm = deg_inv_sqrt[src] * edge_weight * deg_inv_sqrt[dst]
    # linear transform then propagate
    h = x @ W
    msgs = norm[:, None] * jnp.take(h, src, axis=0)
    out = jnp.zeros((num_nodes, W.shape[1]), dtype=x.dtype).at[dst].add(msgs)
    return out + b


def setup_inputs(seed: int = 0) -> dict:
    key = jax.random.key(seed)
    k_x, k_e, k_w1, k_w2 = jax.random.split(key, 4)
    x = jax.random.normal(k_x, (N_NODES, D_FEAT), dtype=jnp.float32)
    edge_index = jax.random.randint(k_e, (2, N_EDGES), 0, N_NODES, dtype=jnp.int64)
    # glorot-initialized weights, zero biases (PyG GCNConv defaults)
    s1 = float(np.sqrt(6.0 / (D_FEAT + HIDDEN)))
    W1 = jax.random.uniform(k_w1, (D_FEAT, HIDDEN), dtype=jnp.float32, minval=-s1, maxval=s1)
    b1 = jnp.zeros((HIDDEN,), dtype=jnp.float32)
    s2 = float(np.sqrt(6.0 / (HIDDEN + 1)))
    W2 = jax.random.uniform(k_w2, (HIDDEN, 1), dtype=jnp.float32, minval=-s2, maxval=s2)
    b2 = jnp.zeros((1,), dtype=jnp.float32)
    return {"x": x, "edge_index": edge_index, "W1": W1, "b1": b1, "W2": W2, "b2": b2}


def reference(x, edge_index, W1, b1, W2, b2):
    h = jax.nn.relu(gcn_conv(x, edge_index, W1, b1))
    out = gcn_conv(h, edge_index, W2, b2)
    return jnp.squeeze(out, axis=-1)

if __name__ == "__main__":
    import jax
    _d = setup_inputs()
    print(jax.jit(kernel)(*tuple(_d.values())))

</pallas_src>

<mosaic_0001>
#map = affine_map<(d0, d1) -> (0, 0)>
#map1 = affine_map<(d0, d1) -> (0)>
#map2 = affine_map<(d0, d1) -> (0, 0, 0)>
module attributes {stable_mosaic.version = 14 : i64} {
  func.func @k(%arg0: i32, %arg1: i32, %arg2: memref<10240x32xf32, #tpu.memory_space<hbm>>, %arg3: memref<32xf32, #tpu.memory_space<hbm>>, %arg4: memref<32xf32, #tpu.memory_space<hbm>>, %arg5: memref<16xf32, #tpu.memory_space<hbm>>, %arg6: memref<16x20096xi32, #tpu.memory_space<hbm>>, %arg7: memref<16x157x128xi32, #tpu.memory_space<hbm>>, %arg8: memref<10240xf32, #tpu.memory_space<hbm>>, %arg9: memref<10240x32xf32, #tpu.memory_space<hbm>>, %arg10: memref<20096xi32, #tpu.memory_space<vmem>>, %arg11: memref<157x128xi32, #tpu.memory_space<vmem>>, %arg12: memref<6x128x32xf32, #tpu.memory_space<vmem>>, %arg13: memref<640x32xf32, #tpu.memory_space<vmem>>, %arg14: memref<40x16xf32, #tpu.memory_space<vmem>>, %arg15: memref<640xf32, #tpu.memory_space<vmem>>, %arg16: memref<10240xf32, #tpu.memory_space<vmem>>, %arg17: memref<640x16xf32, #tpu.memory_space<vmem>>, %arg18: memref<640xi32, #tpu.memory_space<vmem>>, %arg19: memref<32xf32, #tpu.memory_space<vmem>>, %arg20: memref<32xf32, #tpu.memory_space<vmem>>, %arg21: memref<16xf32, #tpu.memory_space<vmem>>, %arg22: memref<640x16xf32, #tpu.memory_space<vmem_shared>>, %arg23: memref<10240x32xf32, #tpu.memory_space<vmem_shared>>, %arg24: memref<10240xf32, #tpu.memory_space<vmem_shared>>, %arg25: memref<!tpu.dma_semaphore, #tpu.memory_space<semaphore_mem>>, %arg26: memref<!tpu.dma_semaphore, #tpu.memory_space<semaphore_mem>>, %arg27: memref<!tpu.dma_semaphore, #tpu.memory_space<semaphore_mem>>) attributes {dimension_semantics = [#tpu.dimension_semantics<core_parallel>, #tpu.dimension_semantics<subcore_parallel>], iteration_bounds = array<i64: 1, 16>, scalar_prefetch = 0 : i64, scratch_operands = 18 : i64, tpu.core_type = #tpu.core_type<sc_vector_subcore>, window_params = [{transform_indices = #map}, {transform_indices = #map1}, {transform_indices = #map1}, {transform_indices = #map1}, {transform_indices = #map}, {transform_indices = #map2}, {transform_indices = #map1}, {transform_indices = #map}]} {
    %mul3A = arith.constant 640 : i32
    %mul3A_0 = arith.muli %arg1, %mul3A : i32
    %mul3A_1 = arith.constant 40 : i32
    %mul3A_2 = arith.muli %arg1, %mul3A_1 : i32
    %broadcast_in_dim3A = arith.constant 1.000000e+00 : f32
    %broadcast_in_dim3A_3 = vector.broadcast %broadcast_in_dim3A : f32 to vector<16xf32>
    %broadcast_in_dim3A_4 = arith.constant 0.000000e+00 : f32
    %broadcast_in_dim3A_5 = vector.broadcast %broadcast_in_dim3A_4 : f32 to vector<16xf32>
    %iota3A = tpu.iota {dimensions = array<i32: 0>} : vector<16xi32>
    %dma_start3A = arith.constant 0 : i32
    %dma_start3A_6 = tpu.memref_slice %arg2[%mul3A_0, %dma_start3A] : memref<10240x32xf32, #tpu.memory_space<hbm>> -> memref<640x32xf32, #tpu.memory_space<hbm>>
    %dma_start3A_7 = arith.constant 0 : i32
    %dma_start3A_8 = tpu.memref_slice %arg2[%mul3A_0, %dma_start3A_7] : memref<10240x32xf32, #tpu.memory_space<hbm>> -> memref<640x32xf32, #tpu.memory_space<hbm>>
    tpu.enqueue_dma source(%dma_start3A_8 : memref<640x32xf32, #tpu.memory_space<hbm>>) target(%arg13 : memref<640x32xf32, #tpu.memory_space<vmem>>) target_semaphore(%arg27 : memref<!tpu.dma_semaphore, #tpu.memory_space<semaphore_mem>>)
    "tpu.region"() ({
      %run_scoped3A = tpu.sem_alloc : memref<!tpu.dma_semaphore, #tpu.memory_space<semaphore_mem>>
      %dma_start3A_186 = arith.constant 0 : i32
      %dma_start3A_187 = tpu.memref_slice %arg6[%arg1, %dma_start3A_186] : memref<16x20096xi32, #tpu.memory_space<hbm>> -> memref<1x20096xi32, #tpu.memory_space<hbm>>
      %dma_start3A_188 = tpu.memref_squeeze %dma_start3A_187 : memref<1x20096xi32, #tpu.memory_space<hbm>> -> memref<20096xi32, #tpu.memory_space<hbm>>
      %dma_start3A_189 = arith.constant 0 : i32
      %dma_start3A_190 = tpu.memref_slice %arg6[%arg1, %dma_start3A_189] : memref<16x20096xi32, #tpu.memory_space<hbm>> -> memref<1x20096xi32, #tpu.memory_space<hbm>>
      %dma_start3A_191 = tpu.memref_squeeze %dma_start3A_190 : memref<1x20096xi32, #tpu.memory_space<hbm>> -> memref<20096xi32, #tpu.memory_space<hbm>>
      tpu.enqueue_dma source(%dma_start3A_191 : memref<20096xi32, #tpu.memory_space<hbm>>) target(%arg10 : memref<20096xi32, #tpu.memory_space<vmem>>) target_semaphore(%run_scoped3A : memref<!tpu.dma_semaphore, #tpu.memory_space<semaphore_mem>>)
      %dma_wait3A_192 = arith.constant 0 : i32
      %dma_wait3A_193 = tpu.memref_slice %arg6[%arg1, %dma_wait3A_192] : memref<16x20096xi32, #tpu.memory_space<hbm>> -> memref<1x20096xi32, #tpu.memory_space<hbm>>
      %dma_wait3A_194 = tpu.memref_squeeze %dma_wait3A_193 : memref<1x20096xi32, #tpu.memory_space<hbm>> -> memref<20096xi32, #tpu.memory_space<hbm>>
      %dma_wait3A_195 = arith.constant 0 : i32
      %dma_wait3A_196 = tpu.memref_slice %arg6[%arg1, %dma_wait3A_195] : memref<16x20096xi32, #tpu.memory_space<hbm>> -> memref<1x20096xi32, #tpu.memory_space<hbm>>
      %dma_wait3A_197 = tpu.memref_squeeze %dma_wait3A_196 : memref<1x20096xi32, #tpu.memory_space<hbm>> -> memref<20096xi32, #tpu.memory_space<hbm>>
      tpu.wait_dma2 semaphore(%run_scoped3A : memref<!tpu.dma_semaphore, #tpu.memory_space<semaphore_mem>>) src(%dma_wait3A_197 : memref<20096xi32, #tpu.memory_space<hbm>>) dst(%arg10 : memref<20096xi32, #tpu.memory_space<vmem>>)
      tpu.yield
    }) : () -> ()
    "tpu.region"() ({
      %run_scoped3A = tpu.sem_alloc : memref<!tpu.dma_semaphore, #tpu.memory_space<semaphore_mem>>
      %dma_start3A_186 = arith.constant 0 : i32
      %dma_start3A_187 = arith.constant 0 : i32
      %dma_start3A_188 = tpu.memref_slice %arg7[%arg1, %dma_start3A_186, %dma_start3A_187] : memref<16x157x128xi32, #tpu.memory_space<hbm>> -> memref<1x157x128xi32, #tpu.memory_space<hbm>>
      %dma_start3A_189 = tpu.memref_squeeze %dma_start3A_188 : memref<1x157x128xi32, #tpu.memory_space<hbm>> -> memref<157x128xi32, #tpu.memory_space<hbm>>
      %dma_start3A_190 = arith.constant 0 : i32
      %dma_start3A_191 = arith.constant 0 : i32
      %dma_start3A_192 = tpu.memref_slice %arg7[%arg1, %dma_start3A_190, %dma_start3A_191] : memref<16x157x128xi32, #tpu.memory_space<hbm>> -> memref<1x157x128xi32, #tpu.memory_space<hbm>>
      %dma_start3A_193 = tpu.memref_squeeze %dma_start3A_192 : memref<1x157x128xi32, #tpu.memory_space<hbm>> -> memref<157x128xi32, #tpu.memory_space<hbm>>
      tpu.enqueue_dma source(%dma_start3A_193 : memref<157x128xi32, #tpu.memory_space<hbm>>) target(%arg11 : memref<157x128xi32, #tpu.memory_space<vmem>>) target_semaphore(%run_scoped3A : memref<!tpu.dma_semaphore, #tpu.memory_space<semaphore_mem>>)
      %dma_wait3A_194 = arith.constant 0 : i32
      %dma_wait3A_195 = arith.constant 0 : i32
      %dma_wait3A_196 = tpu.memref_slice %arg7[%arg1, %dma_wait3A_194, %dma_wait3A_195] : memref<16x157x128xi32, #tpu.memory_space<hbm>> -> memref<1x157x128xi32, #tpu.memory_space<hbm>>
      %dma_wait3A_197 = tpu.memref_squeeze %dma_wait3A_196 : memref<1x157x128xi32, #tpu.memory_space<hbm>> -> memref<157x128xi32, #tpu.memory_space<hbm>>
      %dma_wait3A_198 = arith.constant 0 : i32
      %dma_wait3A_199 = arith.constant 0 : i32
      %dma_wait3A_200 = tpu.memref_slice %arg7[%arg1, %dma_wait3A_198, %dma_wait3A_199] : memref<16x157x128xi32, #tpu.memory_space<hbm>> -> memref<1x157x128xi32, #tpu.memory_space<hbm>>
      %dma_wait3A_201 = tpu.memref_squeeze %dma_wait3A_200 : memref<1x157x128xi32, #tpu.memory_space<hbm>> -> memref<157x128xi32, #tpu.memory_space<hbm>>
      tpu.wait_dma2 semaphore(%run_scoped3A : memref<!tpu.dma_semaphore, #tpu.memory_space<semaphore_mem>>) src(%dma_wait3A_201 : memref<157x128xi32, #tpu.memory_space<hbm>>) dst(%arg11 : memref<157x128xi32, #tpu.memory_space<vmem>>)
      tpu.yield
    }) : () -> ()
    "tpu.region"() ({
      %run_scoped3A = tpu.sem_alloc : memref<!tpu.dma_semaphore, #tpu.memory_space<semaphore_mem>>
      tpu.enqueue_dma source(%arg3 : memref<32xf32, #tpu.memory_space<hbm>>) target(%arg19 : memref<32xf32, #tpu.memory_space<vmem>>) target_semaphore(%run_scoped3A : memref<!tpu.dma_semaphore, #tpu.memory_space<semaphore_mem>>)
      tpu.wait_dma2 semaphore(%run_scoped3A : memref<!tpu.dma_semaphore, #tpu.memory_space<semaphore_mem>>) src(%arg3 : memref<32xf32, #tpu.memory_space<hbm>>) dst(%arg19 : memref<32xf32, #tpu.memory_space<vmem>>)
      tpu.yield
    }) : () -> ()
    "tpu.region"() ({
      %run_scoped3A = tpu.sem_alloc : memref<!tpu.dma_semaphore, #tpu.memory_space<semaphore_mem>>
      tpu.enqueue_dma source(%arg4 : memref<32xf32, #tpu.memory_space<hbm>>) target(%arg20 : memref<32xf32, #tpu.memory_space<vmem>>) target_semaphore(%run_scoped3A : memref<!tpu.dma_semaphore, #tpu.memory_space<semaphore_mem>>)
      tpu.wait_dma2 semaphore(%run_scoped3A : memref<!tpu.dma_semaphore, #tpu.memory_space<semaphore_mem>>) src(%arg4 : memref<32xf32, #tpu.memory_space<hbm>>) dst(%arg20 : memref<32xf32, #tpu.memory_space<vmem>>)
      tpu.yield
    }) : () -> ()
    "tpu.region"() ({
      %run_scoped3A = tpu.sem_alloc : memref<!tpu.dma_semaphore, #tpu.memory_space<semaphore_mem>>
      tpu.enqueue_dma source(%arg5 : memref<16xf32, #tpu.memory_space<hbm>>) target(%arg21 : memref<16xf32, #tpu.memory_space<vmem>>) target_semaphore(%run_scoped3A : memref<!tpu.dma_semaphore, #tpu.memory_space<semaphore_mem>>)
      tpu.wait_dma2 semaphore(%run_scoped3A : memref<!tpu.dma_semaphore, #tpu.memory_space<semaphore_mem>>) src(%arg5 : memref<16xf32, #tpu.memory_space<hbm>>) dst(%arg21 : memref<16xf32, #tpu.memory_space<vmem>>)
      tpu.yield
    }) : () -> ()
    %scan3A = arith.constant 0 : i32
    %scan3A_9 = arith.constant 0 : i32
    %scan3A_10 = arith.constant 40 : i32
    %scan3A_11 = arith.addi %scan3A_9, %scan3A_10 : i32
    %scan3A_12 = arith.constant 4 : i32
    scf.for %scan3A_186 = %scan3A_9 to %scan3A_11 step %scan3A_12  : i32 {
      %mul3A_187 = arith.constant 16 : i32
      %mul3A_188 = arith.muli %scan3A_186, %mul3A_187 : i32
      %add3A = vector.broadcast %mul3A_188 : i32 to vector<16xi32>
      %add3A_189 = arith.addi %iota3A, %add3A : vector<16xi32>
      %mul3A_190 = arith.constant 16 : i32
      %mul3A_191 = arith.muli %scan3A_186, %mul3A_190 : i32
      %swap3A = arith.index_cast %mul3A_191 : i32 to index
      %swap3A_192 = tpu.vector_load %arg18[%swap3A] {strides = array<i32>} : memref<640xi32, #tpu.memory_space<vmem>>, vector<16xi32>,
      tpu.vector_store %arg18[%swap3A], %add3A_189 {strides = array<i32>} : memref<640xi32, #tpu.memory_space<vmem>>, vector<16xi32>,
      %scan3A_193 = arith.constant 1 : i32
      %scan3A_194 = arith.addi %scan3A_186, %scan3A_193 : i32
      %mul3A_195 = arith.constant 16 : i32
      %mul3A_196 = arith.muli %scan3A_194, %mul3A_195 : i32
      %add3A_197 = vector.broadcast %mul3A_196 : i32 to vector<16xi32>
      %add3A_198 = arith.addi %iota3A, %add3A_197 : vector<16xi32>
      %mul3A_199 = arith.constant 16 : i32
      %mul3A_200 = arith.muli %scan3A_194, %mul3A_199 : i32
      %swap3A_201 = arith.index_cast %mul3A_200 : i32 to index
      %swap3A_202 = tpu.vector_load %arg18[%swap3A_201] {strides = array<i32>} : memref<640xi32, #tpu.memory_space<vmem>>, vector<16xi32>,
      tpu.vector_store %arg18[%swap3A_201], %add3A_198 {strides = array<i32>} : memref<640xi32, #tpu.memory_space<vmem>>, vector<16xi32>,
      %scan3A_203 = arith.constant 2 : i32
      %scan3A_204 = arith.addi %scan3A_186, %scan3A_203 : i32
      %mul3A_205 = arith.constant 16 : i32
      %mul3A_206 = arith.muli %scan3A_204, %mul3A_205 : i32
      %add3A_207 = vector.broadcast %mul3A_206 : i32 to vector<16xi32>
      %add3A_208 = arith.addi %iota3A, %add3A_207 : vector<16xi32>
      %mul3A_209 = arith.constant 16 : i32
      %mul3A_210 = arith.muli %scan3A_204, %mul3A_209 : i32
      %swap3A_211 = arith.index_cast %mul3A_210 : i32 to index
      %swap3A_212 = tpu.vector_load %arg18[%swap3A_211] {strides = array<i32>} : memref<640xi32, #tpu.memory_space<vmem>>, vector<16xi32>,
      tpu.vector_store %arg18[%swap3A_211], %add3A_208 {strides = array<i32>} : memref<640xi32, #tpu.memory_space<vmem>>, vector<16xi32>,
      %scan3A_213 = arith.constant 3 : i32
      %scan3A_214 = arith.addi %scan3A_186, %scan3A_213 : i32
      %mul3A_215 = arith.constant 16 : i32
      %mul3A_216 = arith.muli %scan3A_214, %mul3A_215 : i32
      %add3A_217 = vector.broadcast %mul3A_216 : i32 to vector<16xi32>
      %add3A_218 = arith.addi %iota3A, %add3A_217 : vector<16xi32>
      %mul3A_219 = arith.constant 16 : i32
      %mul3A_220 = arith.muli %scan3A_214, %mul3A_219 : i32
      %swap3A_221 = arith.index_cast %mul3A_220 : i32 to index
      %swap3A_222 = tpu.vector_load %arg18[%swap3A_221] {strides = array<i32>} : memref<640xi32, #tpu.memory_space<vmem>>, vector<16xi32>,
      tpu.vector_store %arg18[%swap3A_221], %add3A_218 {strides = array<i32>} : memref<640xi32, #tpu.memory_space<vmem>>, vector<16xi32>,
    }
    %scan3A_13 = arith.constant 40 : i32
    %scan3A_14 = arith.constant 0 : i32
    %scan3A_15 = arith.constant 0 : i32
    %scan3A_16 = arith.constant 640 : i32
    %scan3A_17 = arith.addi %scan3A_15, %scan3A_16 : i32
    %scan3A_18 = arith.constant 8 : i32
    scf.for %scan3A_186 = %scan3A_15 to %scan3A_17 step %scan3A_18  : i32 {
      %swap3A = arith.index_cast %scan3A_186 : i32 to index
      %swap3A_187 = arith.constant 0 : index
      %swap3A_188 = tpu.vector_load %arg17[%swap3A, %swap3A_187] {strides = array<i32>} : memref<640x16xf32, #tpu.memory_space<vmem>>, vector<16xf32>,
      tpu.vector_store %arg17[%swap3A, %swap3A_187], %broadcast_in_dim3A_5 {strides = array<i32>} : memref<640x16xf32, #tpu.memory_space<vmem>>, vector<16xf32>,
      %scan3A_189 = arith.constant 1 : i32
      %scan3A_190 = arith.addi %scan3A_186, %scan3A_189 : i32
      %swap3A_191 = arith.index_cast %scan3A_190 : i32 to index
      %swap3A_192 = arith.constant 0 : index
      %swap3A_193 = tpu.vector_load %arg17[%swap3A_191, %swap3A_192] {strides = array<i32>} : memref<640x16xf32, #tpu.memory_space<vmem>>, vector<16xf32>,
      tpu.vector_store %arg17[%swap3A_191, %swap3A_192], %broadcast_in_dim3A_5 {strides = array<i32>} : memref<640x16xf32, #tpu.memory_space<vmem>>, vector<16xf32>,
      %scan3A_194 = arith.constant 2 : i32
      %scan3A_195 = arith.addi %scan3A_186, %scan3A_194 : i32
      %swap3A_196 = arith.index_cast %scan3A_195 : i32 to index
      %swap3A_197 = arith.constant 0 : index
      %swap3A_198 = tpu.vector_load %arg17[%swap3A_196, %swap3A_197] {strides = array<i32>} : memref<640x16xf32, #tpu.memory_space<vmem>>, vector<16xf32>,
      tpu.vector_store %arg17[%swap3A_196, %swap3A_197], %broadcast_in_dim3A_5 {strides = array<i32>} : memref<640x16xf32, #tpu.memory_space<vmem>>, vector<16xf32>,
      %scan3A_199 = arith.constant 3 : i32
      %scan3A_200 = arith.addi %scan3A_186, %scan3A_199 : i32
      %swap3A_201 = arith.index_cast %scan3A_200 : i32 to index
      %swap3A_202 = arith.constant 0 : index
      %swap3A_203 = tpu.vector_load %arg17[%swap3A_201, %swap3A_202] {strides = array<i32>} : memref<640x16xf32, #tpu.memory_space<vmem>>, vector<16xf32>,
      tpu.vector_store %arg17[%swap3A_201, %swap3A_202], %broadcast_in_dim3A_5 {strides = array<i32>} : memref<640x16xf32, #tpu.memory_space<vmem>>, vector<16xf32>,
      %scan3A_204 = arith.constant 4 : i32
      %scan3A_205 = arith.addi %scan3A_186, %scan3A_204 : i32
      %swap3A_206 = arith.index_cast %scan3A_205 : i32 to index
      %swap3A_207 = arith.constant 0 : index
      %swap3A_208 = tpu.vector_load %arg17[%swap3A_206, %swap3A_207] {strides = array<i32>} : memref<640x16xf32, #tpu.memory_space<vmem>>, vector<16xf32>,
      tpu.vector_store %arg17[%swap3A_206, %swap3A_207], %broadcast_in_dim3A_5 {strides = array<i32>} : memref<640x16xf32, #tpu.memory_space<vmem>>, vector<16xf32>,
      %scan3A_209 = arith.constant 5 : i32
      %scan3A_210 = arith.addi %scan3A_186, %scan3A_209 : i32
      %swap3A_211 = arith.index_cast %scan3A_210 : i32 to index
      %swap3A_212 = arith.constant 0 : index
      %swap3A_213 = tpu.vector_load %arg17[%swap3A_211, %swap3A_212] {strides = array<i32>} : memref<640x16xf32, #tpu.memory_space<vmem>>, vector<16xf32>,
      tpu.vector_store %arg17[%swap3A_211, %swap3A_212], %broadcast_in_dim3A_5 {strides = array<i32>} : memref<640x16xf32, #tpu.memory_space<vmem>>, vector<16xf32>,
      %scan3A_214 = arith.constant 6 : i32
      %scan3A_215 = arith.addi %scan3A_186, %scan3A_214 : i32
      %swap3A_216 = arith.index_cast %scan3A_215 : i32 to index
      %swap3A_217 = arith.constant 0 : index
      %swap3A_218 = tpu.vector_load %arg17[%swap3A_216, %swap3A_217] {strides = array<i32>} : memref<640x16xf32, #tpu.memory_space<vmem>>, vector<16xf32>,
      tpu.vector_store %arg17[%swap3A_216, %swap3A_217], %broadcast_in_dim3A_5 {strides = array<i32>} : memref<640x16xf32, #tpu.memory_space<vmem>>, vector<16xf32>,
      %scan3A_219 = arith.constant 7 : i32
      %scan3A_220 = arith.addi %scan3A_186, %scan3A_219 : i32
      %swap3A_221 = arith.index_cast %scan3A_220 : i32 to index
      %swap3A_222 = arith.constant 0 : index
      %swap3A_223 = tpu.vector_load %arg17[%swap3A_221, %swap3A_222] {strides = array<i32>} : memref<640x16xf32, #tpu.memory_space<vmem>>, vector<16xf32>,
      tpu.vector_store %arg17[%swap3A_221, %swap3A_222], %broadcast_in_dim3A_5 {strides = array<i32>} : memref<640x16xf32, #tpu.memory_space<vmem>>, vector<16xf32>,
    }
    %scan3A_19 = arith.constant 640 : i32
    %scan3A_20 = arith.constant 0 : i32
    %scan3A_21 = arith.constant 0 : i32
    %scan3A_22 = arith.constant 40 : i32
    %scan3A_23 = arith.addi %scan3A_21, %scan3A_22 : i32
    %scan3A_24 = arith.constant 4 : i32
    scf.for %scan3A_186 = %scan3A_21 to %scan3A_23 step %scan3A_24  : i32 {
      %swap3A = arith.index_cast %scan3A_186 : i32 to index
      %swap3A_187 = arith.constant 0 : index
      %swap3A_188 = tpu.vector_load %arg14[%swap3A, %swap3A_187] {strides = array<i32>} : memref<40x16xf32, #tpu.memory_space<vmem>>, vector<16xf32>,
      tpu.vector_store %arg14[%swap3A, %swap3A_187], %broadcast_in_dim3A_5 {strides = array<i32>} : memref<40x16xf32, #tpu.memory_space<vmem>>, vector<16xf32>,
      %scan3A_189 = arith.constant 1 : i32
      %scan3A_190 = arith.addi %scan3A_186, %scan3A_189 : i32
      %swap3A_191 = arith.index_cast %scan3A_190 : i32 to index
      %swap3A_192 = arith.constant 0 : index
      %swap3A_193 = tpu.vector_load %arg14[%swap3A_191, %swap3A_192] {strides = array<i32>} : memref<40x16xf32, #tpu.memory_space<vmem>>, vector<16xf32>,
      tpu.vector_store %arg14[%swap3A_191, %swap3A_192], %broadcast_in_dim3A_5 {strides = array<i32>} : memref<40x16xf32, #tpu.memory_space<vmem>>, vector<16xf32>,
      %scan3A_194 = arith.constant 2 : i32
      %scan3A_195 = arith.addi %scan3A_186, %scan3A_194 : i32
      %swap3A_196 = arith.index_cast %scan3A_195 : i32 to index
      %swap3A_197 = arith.constant 0 : index
      %swap3A_198 = tpu.vector_load %arg14[%swap3A_196, %swap3A_197] {strides = array<i32>} : memref<40x16xf32, #tpu.memory_space<vmem>>, vector<16xf32>,
      tpu.vector_store %arg14[%swap3A_196, %swap3A_197], %broadcast_in_dim3A_5 {strides = array<i32>} : memref<40x16xf32, #tpu.memory_space<vmem>>, vector<16xf32>,
      %scan3A_199 = arith.constant 3 : i32
      %scan3A_200 = arith.addi %scan3A_186, %scan3A_199 : i32
      %swap3A_201 = arith.index_cast %scan3A_200 : i32 to index
      %swap3A_202 = arith.constant 0 : index
      %swap3A_203 = tpu.vector_load %arg14[%swap3A_201, %swap3A_202] {strides = array<i32>} : memref<40x16xf32, #tpu.memory_space<vmem>>, vector<16xf32>,
      tpu.vector_store %arg14[%swap3A_201, %swap3A_202], %broadcast_in_dim3A_5 {strides = array<i32>} : memref<40x16xf32, #tpu.memory_space<vmem>>, vector<16xf32>,
    }
    %scan3A_25 = arith.constant 40 : i32
    "tpu.region"() ({
      %run_scoped3A = tpu.sem_alloc : memref<!tpu.dma_semaphore, #tpu.memory_space<semaphore_mem>>
      %dma_start3A_186 = arith.constant 0 : i32
      %dma_start3A_187 = tpu.memref_slice %arg22[%mul3A_2, %dma_start3A_186] : memref<640x16xf32, #tpu.memory_space<vmem_shared>> -> memref<40x16xf32, #tpu.memory_space<vmem_shared>>
      %dma_start3A_188 = arith.constant 0 : i32
      %dma_start3A_189 = tpu.memref_slice %arg22[%mul3A_2, %dma_start3A_188] : memref<640x16xf32, #tpu.memory_space<vmem_shared>> -> memref<40x16xf32, #tpu.memory_space<vmem_shared>>
      tpu.enqueue_dma source(%arg14 : memref<40x16xf32, #tpu.memory_space<vmem>>) target(%dma_start3A_189 : memref<40x16xf32, #tpu.memory_space<vmem_shared>>) target_semaphore(%run_scoped3A : memref<!tpu.dma_semaphore, #tpu.memory_space<semaphore_mem>>)
      %dma_wait3A_190 = arith.constant 0 : i32
      %dma_wait3A_191 = tpu.memref_slice %arg22[%mul3A_2, %dma_wait3A_190] : memref<640x16xf32, #tpu.memory_space<vmem_shared>> -> memref<40x16xf32, #tpu.memory_space<vmem_shared>>
      %dma_wait3A_192 = arith.constant 0 : i32
      %dma_wait3A_193 = tpu.memref_slice %arg22[%mul3A_2, %dma_wait3A_192] : memref<640x16xf32, #tpu.memory_space<vmem_shared>> -> memref<40x16xf32, #tpu.memory_space<vmem_shared>>
      tpu.wait_dma2 semaphore(%run_scoped3A : memref<!tpu.dma_semaphore, #tpu.memory_space<semaphore_mem>>) src(%arg14 : memref<40x16xf32, #tpu.memory_space<vmem>>) dst(%dma_wait3A_193 : memref<40x16xf32, #tpu.memory_space<vmem_shared>>)
      tpu.yield
    }) : () -> ()
    %barrier3A = arith.constant 0 : index
    tpu.barrier barrier_id(%barrier3A)
    %scan3A_26 = arith.constant 0 : i32
    %scan3A_27 = arith.constant 0 : i32
    %scan3A_28 = arith.constant 157 : i32
    %scan3A_29 = arith.addi %scan3A_27, %scan3A_28 : i32
    %scan3A_30 = arith.constant 1 : i32
    scf.for %scan3A_186 = %scan3A_27 to %scan3A_29 step %scan3A_30  : i32 {
      %get3A_187 = arith.index_cast %scan3A_186 : i32 to index
      %get3A_188 = arith.constant 0 : index
      %get3A_189 = tpu.vector_load %arg11[%get3A_187, %get3A_188] {strides = array<i32>} : memref<157x128xi32, #tpu.memory_space<vmem>>, vector<16xi32>,
      %shift_right_logical3A = arith.constant 4 : i32
      %shift_right_logical3A_190 = vector.broadcast %shift_right_logical3A : i32 to vector<16xi32>
      %shift_right_logical3A_191 = arith.shrui %get3A_189, %shift_right_logical3A_190 : vector<16xi32>
      %and3A = arith.constant 15 : i32
      %and3A_192 = vector.broadcast %and3A : i32 to vector<16xi32>
      %and3A_193 = arith.andi %get3A_189, %and3A_192 : vector<16xi32>
      tpu.vector_store_idx %arg17[%shift_right_logical3A_191, %and3A_193], %broadcast_in_dim3A_3 {add = true} : memref<640x16xf32, #tpu.memory_space<vmem>>[vector<16xi32>, vector<16xi32>], vector<16xf32>,
      %get3A_194 = arith.index_cast %scan3A_186 : i32 to index
      %get3A_195 = arith.constant 16 : index
      %get3A_196 = tpu.vector_load %arg11[%get3A_194, %get3A_195] {strides = array<i32>} : memref<157x128xi32, #tpu.memory_space<vmem>>, vector<16xi32>,
      %shift_right_logical3A_197 = arith.constant 4 : i32
      %shift_right_logical3A_198 = vector.broadcast %shift_right_logical3A_197 : i32 to vector<16xi32>
      %shift_right_logical3A_199 = arith.shrui %get3A_196, %shift_right_logical3A_198 : vector<16xi32>
      %and3A_200 = arith.constant 15 : i32
      %and3A_201 = vector.broadcast %and3A_200 : i32 to vector<16xi32>
      %and3A_202 = arith.andi %get3A_196, %and3A_201 : vector<16xi32>
      tpu.vector_store_idx %arg17[%shift_right_logical3A_199, %and3A_202], %broadcast_in_dim3A_3 {add = true} : memref<640x16xf32, #tpu.memory_space<vmem>>[vector<16xi32>, vector<16xi32>], vector<16xf32>,
      %get3A_203 = arith.index_cast %scan3A_186 : i32 to index
      %get3A_204 = arith.constant 32 : index
      %get3A_205 = tpu.vector_load %arg11[%get3A_203, %get3A_204] {strides = array<i32>} : memref<157x128xi32, #tpu.memory_space<vmem>>, vector<16xi32>,
      %shift_right_logical3A_206 = arith.constant 4 : i32
      %shift_right_logical3A_207 = vector.broadcast %shift_right_logical3A_206 : i32 to vector<16xi32>
      %shift_right_logical3A_208 = arith.shrui %get3A_205, %shift_right_logical3A_207 : vector<16xi32>
      %and3A_209 = arith.constant 15 : i32
      %and3A_210 = vector.broadcast %and3A_209 : i32 to vector<16xi32>
      %and3A_211 = arith.andi %get3A_205, %and3A_210 : vector<16xi32>
      tpu.vector_store_idx %arg17[%shift_right_logical3A_208, %and3A_211], %broadcast_in_dim3A_3 {add = true} : memref<640x16xf32, #tpu.memory_space<vmem>>[vector<16xi32>, vector<16xi32>], vector<16xf32>,
      %get3A_212 = arith.index_cast %scan3A_186 : i32 to index
      %get3A_213 = arith.constant 48 : index
      %get3A_214 = tpu.vector_load %arg11[%get3A_212, %get3A_213] {strides = array<i32>} : memref<157x128xi32, #tpu.memory_space<vmem>>, vector<16xi32>,
      %shift_right_logical3A_215 = arith.constant 4 : i32
      %shift_right_logical3A_216 = vector.broadcast %shift_right_logical3A_215 : i32 to vector<16xi32>
      %shift_right_logical3A_217 = arith.shrui %get3A_214, %shift_right_logical3A_216 : vector<16xi32>
      %and3A_218 = arith.constant 15 : i32
      %and3A_219 = vector.broadcast %and3A_218 : i32 to vector<16xi32>
      %and3A_220 = arith.andi %get3A_214, %and3A_219 : vector<16xi32>
      tpu.vector_store_idx %arg17[%shift_right_logical3A_217, %and3A_220], %broadcast_in_dim3A_3 {add = true} : memref<640x16xf32, #tpu.memory_space<vmem>>[vector<16xi32>, vector<16xi32>], vector<16xf32>,
      %get3A_221 = arith.index_cast %scan3A_186 : i32 to index
      %get3A_222 = arith.constant 64 : index
      %get3A_223 = tpu.vector_load %arg11[%get3A_221, %get3A_222] {strides = array<i32>} : memref<157x128xi32, #tpu.memory_space<vmem>>, vector<16xi32>,
      %shift_right_logical3A_224 = arith.constant 4 : i32
      %shift_right_logical3A_225 = vector.broadcast %shift_right_logical3A_224 : i32 to vector<16xi32>
      %shift_right_logical3A_226 = arith.shrui %get3A_223, %shift_right_logical3A_225 : vector<16xi32>
      %and3A_227 = arith.constant 15 : i32
      %and3A_228 = vector.broadcast %and3A_227 : i32 to vector<16xi32>
      %and3A_229 = arith.andi %get3A_223, %and3A_228 : vector<16xi32>
      tpu.vector_store_idx %arg17[%shift_right_logical3A_226, %and3A_229], %broadcast_in_dim3A_3 {add = true} : memref<640x16xf32, #tpu.memory_space<vmem>>[vector<16xi32>, vector<16xi32>], vector<16xf32>,
      %get3A_230 = arith.index_cast %scan3A_186 : i32 to index
      %get3A_231 = arith.constant 80 : index
      %get3A_232 = tpu.vector_load %arg11[%get3A_230, %get3A_231] {strides = array<i32>} : memref<157x128xi32, #tpu.memory_space<vmem>>, vector<16xi32>,
      %shift_right_logical3A_233 = arith.constant 4 : i32
      %shift_right_logical3A_234 = vector.broadcast %shift_right_logical3A_233 : i32 to vector<16xi32>
      %shift_right_logical3A_235 = arith.shrui %get3A_232, %shift_right_logical3A_234 : vector<16xi32>
      %and3A_236 = arith.constant 15 : i32
      %and3A_237 = vector.broadcast %and3A_236 : i32 to vector<16xi32>
      %and3A_238 = arith.andi %get3A_232, %and3A_237 : vector<16xi32>
      tpu.vector_store_idx %arg17[%shift_right_logical3A_235, %and3A_238], %broadcast_in_dim3A_3 {add = true} : memref<640x16xf32, #tpu.memory_space<vmem>>[vector<16xi32>, vector<16xi32>], vector<16xf32>,
      %get3A_239 = arith.index_cast %scan3A_186 : i32 to index
      %get3A_240 = arith.constant 96 : index
      %get3A_241 = tpu.vector_load %arg11[%get3A_239, %get3A_240] {strides = array<i32>} : memref<157x128xi32, #tpu.memory_space<vmem>>, vector<16xi32>,
      %shift_right_logical3A_242 = arith.constant 4 : i32
      %shift_right_logical3A_243 = vector.broadcast %shift_right_logical3A_242 : i32 to vector<16xi32>
      %shift_right_logical3A_244 = arith.shrui %get3A_241, %shift_right_logical3A_243 : vector<16xi32>
      %and3A_245 = arith.constant 15 : i32
      %and3A_246 = vector.broadcast %and3A_245 : i32 to vector<16xi32>
      %and3A_247 = arith.andi %get3A_241, %and3A_246 : vector<16xi32>
      tpu.vector_store_idx %arg17[%shift_right_logical3A_244, %and3A_247], %broadcast_in_dim3A_3 {add = true} : memref<640x16xf32, #tpu.memory_space<vmem>>[vector<16xi32>, vector<16xi32>], vector<16xf32>,
      %get3A_248 = arith.index_cast %scan3A_186 : i32 to index
      %get3A_249 = arith.constant 112 : index
      %get3A_250 = tpu.vector_load %arg11[%get3A_248, %get3A_249] {strides = array<i32>} : memref<157x128xi32, #tpu.memory_space<vmem>>, vector<16xi32>,
      %shift_right_logical3A_251 = arith.constant 4 : i32
      %shift_right_logical3A_252 = vector.broadcast %shift_right_logical3A_251 : i32 to vector<16xi32>
      %shift_right_logical3A_253 = arith.shrui %get3A_250, %shift_right_logical3A_252 : vector<16xi32>
      %and3A_254 = arith.constant 15 : i32
      %and3A_255 = vector.broadcast %and3A_254 : i32 to vector<16xi32>
      %and3A_256 = arith.andi %get3A_250, %and3A_255 : vector<16xi32>
      tpu.vector_store_idx %arg17[%shift_right_logical3A_253, %and3A_256], %broadcast_in_dim3A_3 {add = true} : memref<640x16xf32, #tpu.memory_space<vmem>>[vector<16xi32>, vector<16xi32>], vector<16xf32>,
    }
    %scan3A_31 = arith.constant 157 : i32
    "tpu.region"() ({
      %run_scoped3A = tpu.sem_alloc : memref<!tpu.dma_semaphore, #tpu.memory_space<semaphore_mem>>
      %dma_start3A_186 = arith.constant 0 : i32
      %dma_start3A_187 = arith.constant 0 : i32
      %dma_start3A_188 = tpu.memref_slice %arg22[%dma_start3A_186, %dma_start3A_187] : memref<640x16xf32, #tpu.memory_space<vmem_shared>> -> memref<640x16xf32, #tpu.memory_space<vmem_shared>>
      tpu.enqueue_indirect_dma source(%arg17 : memref<640x16xf32, #tpu.memory_space<vmem>>) target(%dma_start3A_188 : memref<640x16xf32, #tpu.memory_space<vmem_shared>>) offsets(%arg18 : memref<640xi32, #tpu.memory_space<vmem>>) semaphore(%run_scoped3A : memref<!tpu.dma_semaphore, #tpu.memory_space<semaphore_mem>>) {add = true}
      %dma_wait3A_189 = arith.constant 0 : i32
      %dma_wait3A_190 = arith.constant 0 : i32
      %dma_wait3A_191 = tpu.memref_slice %arg22[%dma_wait3A_189, %dma_wait3A_190] : memref<640x16xf32, #tpu.memory_space<vmem_shared>> -> memref<640x16xf32, #tpu.memory_space<vmem_shared>>
      tpu.wait_indirect_dma semaphore(%run_scoped3A : memref<!tpu.dma_semaphore, #tpu.memory_space<semaphore_mem>>) src(%arg17 : memref<640x16xf32, #tpu.memory_space<vmem>>) dst(%dma_wait3A_191 : memref<640x16xf32, #tpu.memory_space<vmem_shared>>)
      tpu.yield
    }) : () -> ()
    %barrier3A_32 = arith.constant 0 : index
    tpu.barrier barrier_id(%barrier3A_32)
    "tpu.region"() ({
      %run_scoped3A = tpu.sem_alloc : memref<!tpu.dma_semaphore, #tpu.memory_space<semaphore_mem>>
      %dma_start3A_186 = arith.constant 0 : i32
      %dma_start3A_187 = tpu.memref_slice %arg22[%mul3A_2, %dma_start3A_186] : memref<640x16xf32, #tpu.memory_space<vmem_shared>> -> memref<40x16xf32, #tpu.memory_space<vmem_shared>>
      %dma_start3A_188 = arith.constant 0 : i32
      %dma_start3A_189 = tpu.memref_slice %arg22[%mul3A_2, %dma_start3A_188] : memref<640x16xf32, #tpu.memory_space<vmem_shared>> -> memref<40x16xf32, #tpu.memory_space<vmem_shared>>
      tpu.enqueue_dma source(%dma_start3A_189 : memref<40x16xf32, #tpu.memory_space<vmem_shared>>) target(%arg14 : memref<40x16xf32, #tpu.memory_space<vmem>>) target_semaphore(%run_scoped3A : memref<!tpu.dma_semaphore, #tpu.memory_space<semaphore_mem>>)
      %dma_wait3A_190 = arith.constant 0 : i32
      %dma_wait3A_191 = tpu.memref_slice %arg22[%mul3A_2, %dma_wait3A_190] : memref<640x16xf32, #tpu.memory_space<vmem_shared>> -> memref<40x16xf32, #tpu.memory_space<vmem_shared>>
      %dma_wait3A_192 = arith.constant 0 : i32
      %dma_wait3A_193 = tpu.memref_slice %arg22[%mul3A_2, %dma_wait3A_192] : memref<640x16xf32, #tpu.memory_space<vmem_shared>> -> memref<40x16xf32, #tpu.memory_space<vmem_shared>>
      tpu.wait_dma2 semaphore(%run_scoped3A : memref<!tpu.dma_semaphore, #tpu.memory_space<semaphore_mem>>) src(%dma_wait3A_193 : memref<40x16xf32, #tpu.memory_space<vmem_shared>>) dst(%arg14 : memref<40x16xf32, #tpu.memory_space<vmem>>)
      tpu.yield
    }) : () -> ()
    %scan3A_33 = arith.constant 0 : i32
    %scan3A_34 = arith.constant 0 : i32
    %scan3A_35 = arith.constant 40 : i32
    %scan3A_36 = arith.addi %scan3A_34, %scan3A_35 : i32
    %scan3A_37 = arith.constant 4 : i32
    scf.for %scan3A_186 = %scan3A_34 to %scan3A_36 step %scan3A_37  : i32 {
      %get3A_187 = arith.index_cast %scan3A_186 : i32 to index
      %get3A_188 = arith.constant 0 : index
      %get3A_189 = tpu.vector_load %arg14[%get3A_187, %get3A_188] {strides = array<i32>} : memref<40x16xf32, #tpu.memory_space<vmem>>, vector<16xf32>,
      %add3A = arith.addf %get3A_189, %broadcast_in_dim3A_3 : vector<16xf32>
      %bitcast3A = vector.bitcast %add3A : vector<16xf32> to vector<16xi32>
      %shift_right_logical3A = arith.constant 1 : i32
      %shift_right_logical3A_190 = vector.broadcast %shift_right_logical3A : i32 to vector<16xi32>
      %shift_right_logical3A_191 = arith.shrui %bitcast3A, %shift_right_logical3A_190 : vector<16xi32>
      %sub3A = arith.constant 1597463007 : i32
      %sub3A_192 = vector.broadcast %sub3A : i32 to vector<16xi32>
      %sub3A_193 = arith.subi %sub3A_192, %shift_right_logical3A_191 : vector<16xi32>
      %bitcast3A_194 = vector.bitcast %sub3A_193 : vector<16xi32> to vector<16xf32>
      %mul3A_195 = arith.constant 5.000000e-01 : f32
      %mul3A_196 = vector.broadcast %mul3A_195 : f32 to vector<16xf32>
      %mul3A_197 = arith.mulf %mul3A_196, %add3A : vector<16xf32>
      %mul3A_198 = arith.mulf %mul3A_197, %bitcast3A_194 : vector<16xf32>
      %mul3A_199 = arith.mulf %mul3A_198, %bitcast3A_194 : vector<16xf32>
      %sub3A_200 = arith.constant 1.500000e+00 : f32
      %sub3A_201 = vector.broadcast %sub3A_200 : f32 to vector<16xf32>
      %sub3A_202 = arith.subf %sub3A_201, %mul3A_199 : vector<16xf32>
      %mul3A_203 = arith.mulf %bitcast3A_194, %sub3A_202 : vector<16xf32>
      %mul3A_204 = arith.constant 5.000000e-01 : f32
      %mul3A_205 = vector.broadcast %mul3A_204 : f32 to vector<16xf32>
      %mul3A_206 = arith.mulf %mul3A_205, %add3A : vector<16xf32>
      %mul3A_207 = arith.mulf %mul3A_206, %mul3A_203 : vector<16xf32>
      %mul3A_208 = arith.mulf %mul3A_207, %mul3A_203 : vector<16xf32>
      %sub3A_209 = arith.constant 1.500000e+00 : f32
      %sub3A_210 = vector.broadcast %sub3A_209 : f32 to vector<16xf32>
      %sub3A_211 = arith.subf %sub3A_210, %mul3A_208 : vector<16xf32>
      %mul3A_212 = arith.mulf %mul3A_203, %sub3A_211 : vector<16xf32>
      %mul3A_213 = arith.constant 5.000000e-01 : f32
      %mul3A_214 = vector.broadcast %mul3A_213 : f32 to vector<16xf32>
      %mul3A_215 = arith.mulf %mul3A_214, %add3A : vector<16xf32>
      %mul3A_216 = arith.mulf %mul3A_215, %mul3A_212 : vector<16xf32>
      %mul3A_217 = arith.mulf %mul3A_216, %mul3A_212 : vector<16xf32>
      %sub3A_218 = arith.constant 1.500000e+00 : f32
      %sub3A_219 = vector.broadcast %sub3A_218 : f32 to vector<16xf32>
      %sub3A_220 = arith.subf %sub3A_219, %mul3A_217 : vector<16xf32>
      %mul3A_221 = arith.mulf %mul3A_212, %sub3A_220 : vector<16xf32>
      %swap3A = arith.index_cast %scan3A_186 : i32 to index
      %swap3A_222 = arith.constant 0 : index
      %swap3A_223 = tpu.vector_load %arg14[%swap3A, %swap3A_222] {strides = array<i32>} : memref<40x16xf32, #tpu.memory_space<vmem>>, vector<16xf32>,
      tpu.vector_store %arg14[%swap3A, %swap3A_222], %mul3A_221 {strides = array<i32>} : memref<40x16xf32, #tpu.memory_space<vmem>>, vector<16xf32>,
      %scan3A_224 = arith.constant 1 : i32
      %scan3A_225 = arith.addi %scan3A_186, %scan3A_224 : i32
      %get3A_226 = arith.index_cast %scan3A_225 : i32 to index
      %get3A_227 = arith.constant 0 : index
      %get3A_228 = tpu.vector_load %arg14[%get3A_226, %get3A_227] {strides = array<i32>} : memref<40x16xf32, #tpu.memory_space<vmem>>, vector<16xf32>,
      %add3A_229 = arith.addf %get3A_228, %broadcast_in_dim3A_3 : vector<16xf32>
      %bitcast3A_230 = vector.bitcast %add3A_229 : vector<16xf32> to vector<16xi32>
      %shift_right_logical3A_231 = arith.constant 1 : i32
      %shift_right_logical3A_232 = vector.broadcast %shift_right_logical3A_231 : i32 to vector<16xi32>
      %shift_right_logical3A_233 = arith.shrui %bitcast3A_230, %shift_right_logical3A_232 : vector<16xi32>
      %sub3A_234 = arith.constant 1597463007 : i32
      %sub3A_235 = vector.broadcast %sub3A_234 : i32 to vector<16xi32>
      %sub3A_236 = arith.subi %sub3A_235, %shift_right_logical3A_233 : vector<16xi32>
      %bitcast3A_237 = vector.bitcast %sub3A_236 : vector<16xi32> to vector<16xf32>
      %mul3A_238 = arith.constant 5.000000e-01 : f32
      %mul3A_239 = vector.broadcast %mul3A_238 : f32 to vector<16xf32>
      %mul3A_240 = arith.mulf %mul3A_239, %add3A_229 : vector<16xf32>
      %mul3A_241 = arith.mulf %mul3A_240, %bitcast3A_237 : vector<16xf32>
      %mul3A_242 = arith.mulf %mul3A_241, %bitcast3A_237 : vector<16xf32>
      %sub3A_243 = arith.constant 1.500000e+00 : f32
      %sub3A_244 = vector.broadcast %sub3A_243 : f32 to vector<16xf32>
      %sub3A_245 = arith.subf %sub3A_244, %mul3A_242 : vector<16xf32>
      %mul3A_246 = arith.mulf %bitcast3A_237, %sub3A_245 : vector<16xf32>
      %mul3A_247 = arith.constant 5.000000e-01 : f32
      %mul3A_248 = vector.broadcast %mul3A_247 : f32 to vector<16xf32>
      %mul3A_249 = arith.mulf %mul3A_248, %add3A_229 : vector<16xf32>
      %mul3A_250 = arith.mulf %mul3A_249, %mul3A_246 : vector<16xf32>
      %mul3A_251 = arith.mulf %mul3A_250, %mul3A_246 : vector<16xf32>
      %sub3A_252 = arith.constant 1.500000e+00 : f32
      %sub3A_253 = vector.broadcast %sub3A_252 : f32 to vector<16xf32>
      %sub3A_254 = arith.subf %sub3A_253, %mul3A_251 : vector<16xf32>
      %mul3A_255 = arith.mulf %mul3A_246, %sub3A_254 : vector<16xf32>
      %mul3A_256 = arith.constant 5.000000e-01 : f32
      %mul3A_257 = vector.broadcast %mul3A_256 : f32 to vector<16xf32>
      %mul3A_258 = arith.mulf %mul3A_257, %add3A_229 : vector<16xf32>
      %mul3A_259 = arith.mulf %mul3A_258, %mul3A_255 : vector<16xf32>
      %mul3A_260 = arith.mulf %mul3A_259, %mul3A_255 : vector<16xf32>
      %sub3A_261 = arith.constant 1.500000e+00 : f32
      %sub3A_262 = vector.broadcast %sub3A_261 : f32 to vector<16xf32>
      %sub3A_263 = arith.subf %sub3A_262, %mul3A_260 : vector<16xf32>
      %mul3A_264 = arith.mulf %mul3A_255, %sub3A_263 : vector<16xf32>
      %swap3A_265 = arith.index_cast %scan3A_225 : i32 to index
      %swap3A_266 = arith.constant 0 : index
      %swap3A_267 = tpu.vector_load %arg14[%swap3A_265, %swap3A_266] {strides = array<i32>} : memref<40x16xf32, #tpu.memory_space<vmem>>, vector<16xf32>,
      tpu.vector_store %arg14[%swap3A_265, %swap3A_266], %mul3A_264 {strides = array<i32>} : memref<40x16xf32, #tpu.memory_space<vmem>>, vector<16xf32>,
      %scan3A_268 = arith.constant 2 : i32
      %scan3A_269 = arith.addi %scan3A_186, %scan3A_268 : i32
      %get3A_270 = arith.index_cast %scan3A_269 : i32 to index
      %get3A_271 = arith.constant 0 : index
      %get3A_272 = tpu.vector_load %arg14[%get3A_270, %get3A_271] {strides = array<i32>} : memref<40x16xf32, #tpu.memory_space<vmem>>, vector<16xf32>,
      %add3A_273 = arith.addf %get3A_272, %broadcast_in_dim3A_3 : vector<16xf32>
      %bitcast3A_274 = vector.bitcast %add3A_273 : vector<16xf32> to vector<16xi32>
      %shift_right_logical3A_275 = arith.constant 1 : i32
      %shift_right_logical3A_276 = vector.broadcast %shift_right_logical3A_275 : i32 to vector<16xi32>
      %shift_right_logical3A_277 = arith.shrui %bitcast3A_274, %shift_right_logical3A_276 : vector<16xi32>
      %sub3A_278 = arith.constant 1597463007 : i32
      %sub3A_279 = vector.broadcast %sub3A_278 : i32 to vector<16xi32>
      %sub3A_280 = arith.subi %sub3A_279, %shift_right_logical3A_277 : vector<16xi32>
      %bitcast3A_281 = vector.bitcast %sub3A_280 : vector<16xi32> to vector<16xf32>
      %mul3A_282 = arith.constant 5.000000e-01 : f32
      %mul3A_283 = vector.broadcast %mul3A_282 : f32 to vector<16xf32>
      %mul3A_284 = arith.mulf %mul3A_283, %add3A_273 : vector<16xf32>
      %mul3A_285 = arith.mulf %mul3A_284, %bitcast3A_281 : vector<16xf32>
      %mul3A_286 = arith.mulf %mul3A_285, %bitcast3A_281 : vector<16xf32>
      %sub3A_287 = arith.constant 1.500000e+00 : f32
      %sub3A_288 = vector.broadcast %sub3A_287 : f32 to vector<16xf32>
      %sub3A_289 = arith.subf %sub3A_288, %mul3A_286 : vector<16xf32>
      %mul3A_290 = arith.mulf %bitcast3A_281, %sub3A_289 : vector<16xf32>
      %mul3A_291 = arith.constant 5.000000e-01 : f32
      %mul3A_292 = vector.broadcast %mul3A_291 : f32 to vector<16xf32>
      %mul3A_293 = arith.mulf %mul3A_292, %add3A_273 : vector<16xf32>
      %mul3A_294 = arith.mulf %mul3A_293, %mul3A_290 : vector<16xf32>
      %mul3A_295 = arith.mulf %mul3A_294, %mul3A_290 : vector<16xf32>
      %sub3A_296 = arith.constant 1.500000e+00 : f32
      %sub3A_297 = vector.broadcast %sub3A_296 : f32 to vector<16xf32>
      %sub3A_298 = arith.subf %sub3A_297, %mul3A_295 : vector<16xf32>
      %mul3A_299 = arith.mulf %mul3A_290, %sub3A_298 : vector<16xf32>
      %mul3A_300 = arith.constant 5.000000e-01 : f32
      %mul3A_301 = vector.broadcast %mul3A_300 : f32 to vector<16xf32>
      %mul3A_302 = arith.mulf %mul3A_301, %add3A_273 : vector<16xf32>
      %mul3A_303 = arith.mulf %mul3A_302, %mul3A_299 : vector<16xf32>
      %mul3A_304 = arith.mulf %mul3A_303, %mul3A_299 : vector<16xf32>
      %sub3A_305 = arith.constant 1.500000e+00 : f32
      %sub3A_306 = vector.broadcast %sub3A_305 : f32 to vector<16xf32>
      %sub3A_307 = arith.subf %sub3A_306, %mul3A_304 : vector<16xf32>
      %mul3A_308 = arith.mulf %mul3A_299, %sub3A_307 : vector<16xf32>
      %swap3A_309 = arith.index_cast %scan3A_269 : i32 to index
      %swap3A_310 = arith.constant 0 : index
      %swap3A_311 = tpu.vector_load %arg14[%swap3A_309, %swap3A_310] {strides = array<i32>} : memref<40x16xf32, #tpu.memory_space<vmem>>, vector<16xf32>,
      tpu.vector_store %arg14[%swap3A_309, %swap3A_310], %mul3A_308 {strides = array<i32>} : memref<40x16xf32, #tpu.memory_space<vmem>>, vector<16xf32>,
      %scan3A_312 = arith.constant 3 : i32
      %scan3A_313 = arith.addi %scan3A_186, %scan3A_312 : i32
      %get3A_314 = arith.index_cast %scan3A_313 : i32 to index
      %get3A_315 = arith.constant 0 : index
      %get3A_316 = tpu.vector_load %arg14[%get3A_314, %get3A_315] {strides = array<i32>} : memref<40x16xf32, #tpu.memory_space<vmem>>, vector<16xf32>,
      %add3A_317 = arith.addf %get3A_316, %broadcast_in_dim3A_3 : vector<16xf32>
      %bitcast3A_318 = vector.bitcast %add3A_317 : vector<16xf32> to vector<16xi32>
      %shift_right_logical3A_319 = arith.constant 1 : i32
      %shift_right_logical3A_320 = vector.broadcast %shift_right_logical3A_319 : i32 to vector<16xi32>
      %shift_right_logical3A_321 = arith.shrui %bitcast3A_318, %shift_right_logical3A_320 : vector<16xi32>
      %sub3A_322 = arith.constant 1597463007 : i32
      %sub3A_323 = vector.broadcast %sub3A_322 : i32 to vector<16xi32>
      %sub3A_324 = arith.subi %sub3A_323, %shift_right_logical3A_321 : vector<16xi32>
      %bitcast3A_325 = vector.bitcast %sub3A_324 : vector<16xi32> to vector<16xf32>
      %mul3A_326 = arith.constant 5.000000e-01 : f32
      %mul3A_327 = vector.broadcast %mul3A_326 : f32 to vector<16xf32>
      %mul3A_328 = arith.mulf %mul3A_327, %add3A_317 : vector<16xf32>
      %mul3A_329 = arith.mulf %mul3A_328, %bitcast3A_325 : vector<16xf32>
      %mul3A_330 = arith.mulf %mul3A_329, %bitcast3A_325 : vector<16xf32>
      %sub3A_331 = arith.constant 1.500000e+00 : f32
      %sub3A_332 = vector.broadcast %sub3A_331 : f32 to vector<16xf32>
      %sub3A_333 = arith.subf %sub3A_332, %mul3A_330 : vector<16xf32>
      %mul3A_334 = arith.mulf %bitcast3A_325, %sub3A_333 : vector<16xf32>
      %mul3A_335 = arith.constant 5.000000e-01 : f32
      %mul3A_336 = vector.broadcast %mul3A_335 : f32 to vector<16xf32>
      %mul3A_337 = arith.mulf %mul3A_336, %add3A_317 : vector<16xf32>
      %mul3A_338 = arith.mulf %mul3A_337, %mul3A_334 : vector<16xf32>
      %mul3A_339 = arith.mulf %mul3A_338, %mul3A_334 : vector<16xf32>
      %sub3A_340 = arith.constant 1.500000e+00 : f32
      %sub3A_341 = vector.broadcast %sub3A_340 : f32 to vector<16xf32>
      %sub3A_342 = arith.subf %sub3A_341, %mul3A_339 : vector<16xf32>
      %mul3A_343 = arith.mulf %mul3A_334, %sub3A_342 : vector<16xf32>
      %mul3A_344 = arith.constant 5.000000e-01 : f32
      %mul3A_345 = vector.broadcast %mul3A_344 : f32 to vector<16xf32>
      %mul3A_346 = arith.mulf %mul3A_345, %add3A_317 : vector<16xf32>
      %mul3A_347 = arith.mulf %mul3A_346, %mul3A_343 : vector<16xf32>
      %mul3A_348 = arith.mulf %mul3A_347, %mul3A_343 : vector<16xf32>
      %sub3A_349 = arith.constant 1.500000e+00 : f32
      %sub3A_350 = vector.broadcast %sub3A_349 : f32 to vector<16xf32>
      %sub3A_351 = arith.subf %sub3A_350, %mul3A_348 : vector<16xf32>
      %mul3A_352 = arith.mulf %mul3A_343, %sub3A_351 : vector<16xf32>
      %swap3A_353 = arith.index_cast %scan3A_313 : i32 to index
      %swap3A_354 = arith.constant 0 : index
      %swap3A_355 = tpu.vector_load %arg14[%swap3A_353, %swap3A_354] {strides = array<i32>} : memref<40x16xf32, #tpu.memory_space<vmem>>, vector<16xf32>,
      tpu.vector_store %arg14[%swap3A_353, %swap3A_354], %mul3A_352 {strides = array<i32>} : memref<40x16xf32, #tpu.memory_space<vmem>>, vector<16xf32>,
    }
    %scan3A_38 = arith.constant 40 : i32
    %dma_wait3A = arith.constant 0 : i32
    %dma_wait3A_39 = tpu.memref_slice %arg2[%mul3A_0, %dma_wait3A] : memref<10240x32xf32, #tpu.memory_space<hbm>> -> memref<640x32xf32, #tpu.memory_space<hbm>>
    %dma_wait3A_40 = arith.constant 0 : i32
    %dma_wait3A_41 = tpu.memref_slice %arg2[%mul3A_0, %dma_wait3A_40] : memref<10240x32xf32, #tpu.memory_space<hbm>> -> memref<640x32xf32, #tpu.memory_space<hbm>>
    tpu.wait_dma2 semaphore(%arg27 : memref<!tpu.dma_semaphore, #tpu.memory_space<semaphore_mem>>) src(%dma_wait3A_41 : memref<640x32xf32, #tpu.memory_space<hbm>>) dst(%arg13 : memref<640x32xf32, #tpu.memory_space<vmem>>)
    %scan3A_42 = arith.constant 0 : i32
    %scan3A_43 = arith.constant 0 : i32
    %scan3A_44 = arith.constant 40 : i32
    %scan3A_45 = arith.addi %scan3A_43, %scan3A_44 : i32
    %scan3A_46 = arith.constant 1 : i32
    scf.for %scan3A_186 = %scan3A_43 to %scan3A_45 step %scan3A_46  : i32 {
      %get3A_187 = arith.index_cast %scan3A_186 : i32 to index
      %get3A_188 = arith.constant 0 : index
      %get3A_189 = tpu.vector_load %arg14[%get3A_187, %get3A_188] {strides = array<i32>} : memref<40x16xf32, #tpu.memory_space<vmem>>, vector<16xf32>,
      %mul3A_190 = arith.constant 16 : i32
      %mul3A_191 = arith.muli %scan3A_186, %mul3A_190 : i32
      %add3A = arith.constant 0 : i32
      %add3A_192 = arith.addi %mul3A_191, %add3A : i32
      %slice3A = vector.extract_strided_slice %get3A_189 {offsets = [0], sizes = [1], strides = [1]} : vector<16xf32> to vector<1xf32>
      %squeeze3A = vector.extract %slice3A[0] : f32 from vector<1xf32>
      %broadcast_in_dim3A_193 = vector.broadcast %squeeze3A : f32 to vector<16xf32>
      %get3A_194 = arith.index_cast %add3A_192 : i32 to index
      %get3A_195 = arith.constant 0 : index
      %get3A_196 = tpu.vector_load %arg13[%get3A_194, %get3A_195] {strides = array<i32>} : memref<640x32xf32, #tpu.memory_space<vmem>>, vector<16xf32>,
      %mul3A_197 = arith.mulf %get3A_196, %broadcast_in_dim3A_193 : vector<16xf32>
      %swap3A = arith.index_cast %add3A_192 : i32 to index
      %swap3A_198 = arith.constant 0 : index
      %swap3A_199 = tpu.vector_load %arg13[%swap3A, %swap3A_198] {strides = array<i32>} : memref<640x32xf32, #tpu.memory_space<vmem>>, vector<16xf32>,
      tpu.vector_store %arg13[%swap3A, %swap3A_198], %mul3A_197 {strides = array<i32>} : memref<640x32xf32, #tpu.memory_space<vmem>>, vector<16xf32>,
      %get3A_200 = arith.index_cast %add3A_192 : i32 to index
      %get3A_201 = arith.constant 16 : index
      %get3A_202 = tpu.vector_load %arg13[%get3A_200, %get3A_201] {strides = array<i32>} : memref<640x32xf32, #tpu.memory_space<vmem>>, vector<16xf32>,
      %mul3A_203 = arith.mulf %get3A_202, %broadcast_in_dim3A_193 : vector<16xf32>
      %swap3A_204 = arith.index_cast %add3A_192 : i32 to index
      %swap3A_205 = arith.constant 16 : index
      %swap3A_206 = tpu.vector_load %arg13[%swap3A_204, %swap3A_205] {strides = array<i32>} : memref<640x32xf32, #tpu.memory_space<vmem>>, vector<16xf32>,
      tpu.vector_store %arg13[%swap3A_204, %swap3A_205], %mul3A_203 {strides = array<i32>} : memref<640x32xf32, #tpu.memory_space<vmem>>, vector<16xf32>,
      %mul3A_207 = arith.constant 16 : i32
      %mul3A_208 = arith.muli %scan3A_186, %mul3A_207 : i32
      %add3A_209 = arith.constant 1 : i32
      %add3A_210 = arith.addi %mul3A_208, %add3A_209 : i32
      %slice3A_211 = vector.extract_strided_slice %get3A_189 {offsets = [1], sizes = [1], strides = [1]} : vector<16xf32> to vector<1xf32>
      %squeeze3A_212 = vector.extract %slice3A_211[0] : f32 from vector<1xf32>
      %broadcast_in_dim3A_213 = vector.broadcast %squeeze3A_212 : f32 to vector<16xf32>
      %get3A_214 = arith.index_cast %add3A_210 : i32 to index
      %get3A_215 = arith.constant 0 : index
      %get3A_216 = tpu.vector_load %arg13[%get3A_214, %get3A_215] {strides = array<i32>} : memref<640x32xf32, #tpu.memory_space<vmem>>, vector<16xf32>,
      %mul3A_217 = arith.mulf %get3A_216, %broadcast_in_dim3A_213 : vector<16xf32>
      %swap3A_218 = arith.index_cast %add3A_210 : i32 to index
      %swap3A_219 = arith.constant 0 : index
      %swap3A_220 = tpu.vector_load %arg13[%swap3A_218, %swap3A_219] {strides = array<i32>} : memref<640x32xf32, #tpu.memory_space<vmem>>, vector<16xf32>,
      tpu.vector_store %arg13[%swap3A_218, %swap3A_219], %mul3A_217 {strides = array<i32>} : memref<640x32xf32, #tpu.memory_space<vmem>>, vector<16xf32>,
      %get3A_221 = arith.index_cast %add3A_210 : i32 to index
      %get3A_222 = arith.constant 16 : index
      %get3A_223 = tpu.vector_load %arg13[%get3A_221, %get3A_222] {strides = array<i32>} : memref<640x32xf32, #tpu.memory_space<vmem>>, vector<16xf32>,
      %mul3A_224 = arith.mulf %get3A_223, %broadcast_in_dim3A_213 : vector<16xf32>
      %swap3A_225 = arith.index_cast %add3A_210 : i32 to index
      %swap3A_226 = arith.constant 16 : index
      %swap3A_227 = tpu.vector_load %arg13[%swap3A_225, %swap3A_226] {strides = array<i32>} : memref<640x32xf32, #tpu.memory_space<vmem>>, vector<16xf32>,
      tpu.vector_store %arg13[%swap3A_225, %swap3A_226], %mul3A_224 {strides = array<i32>} : memref<640x32xf32, #tpu.memory_space<vmem>>, vector<16xf32>,
      %mul3A_228 = arith.constant 16 : i32
      %mul3A_229 = arith.muli %scan3A_186, %mul3A_228 : i32
      %add3A_230 = arith.constant 2 : i32
      %add3A_231 = arith.addi %mul3A_229, %add3A_230 : i32
      %slice3A_232 = vector.extract_strided_slice %get3A_189 {offsets = [2], sizes = [1], strides = [1]} : vector<16xf32> to vector<1xf32>
      %squeeze3A_233 = vector.extract %slice3A_232[0] : f32 from vector<1xf32>
      %broadcast_in_dim3A_234 = vector.broadcast %squeeze3A_233 : f32 to vector<16xf32>
      %get3A_235 = arith.index_cast %add3A_231 : i32 to index
      %get3A_236 = arith.constant 0 : index
      %get3A_237 = tpu.vector_load %arg13[%get3A_235, %get3A_236] {strides = array<i32>} : memref<640x32xf32, #tpu.memory_space<vmem>>, vector<16xf32>,
      %mul3A_238 = arith.mulf %get3A_237, %broadcast_in_dim3A_234 : vector<16xf32>
      %swap3A_239 = arith.index_cast %add3A_231 : i32 to index
      %swap3A_240 = arith.constant 0 : index
      %swap3A_241 = tpu.vector_load %arg13[%swap3A_239, %swap3A_240] {strides = array<i32>} : memref<640x32xf32, #tpu.memory_space<vmem>>, vector<16xf32>,
      tpu.vector_store %arg13[%swap3A_239, %swap3A_240], %mul3A_238 {strides = array<i32>} : memref<640x32xf32, #tpu.memory_space<vmem>>, vector<16xf32>,
      %get3A_242 = arith.index_cast %add3A_231 : i32 to index
      %get3A_243 = arith.constant 16 : index
      %get3A_244 = tpu.vector_load %arg13[%get3A_242, %get3A_243] {strides = array<i32>} : memref<640x32xf32, #tpu.memory_space<vmem>>, vector<16xf32>,
      %mul3A_245 = arith.mulf %get3A_244, %broadcast_in_dim3A_234 : vector<16xf32>
      %swap3A_246 = arith.index_cast %add3A_231 : i32 to index
      %swap3A_247 = arith.constant 16 : index
      %swap3A_248 = tpu.vector_load %arg13[%swap3A_246, %swap3A_247] {strides = array<i32>} : memref<640x32xf32, #tpu.memory_space<vmem>>, vector<16xf32>,
      tpu.vector_store %arg13[%swap3A_246, %swap3A_247], %mul3A_245 {strides = array<i32>} : memref<640x32xf32, #tpu.memory_space<vmem>>, vector<16xf32>,
      %mul3A_249 = arith.constant 16 : i32
      %mul3A_250 = arith.muli %scan3A_186, %mul3A_249 : i32
      %add3A_251 = arith.constant 3 : i32
      %add3A_252 = arith.addi %mul3A_250, %add3A_251 : i32
      %slice3A_253 = vector.extract_strided_slice %get3A_189 {offsets = [3], sizes = [1], strides = [1]} : vector<16xf32> to vector<1xf32>
      %squeeze3A_254 = vector.extract %slice3A_253[0] : f32 from vector<1xf32>
      %broadcast_in_dim3A_255 = vector.broadcast %squeeze3A_254 : f32 to vector<16xf32>
      %get3A_256 = arith.index_cast %add3A_252 : i32 to index
      %get3A_257 = arith.constant 0 : index
      %get3A_258 = tpu.vector_load %arg13[%get3A_256, %get3A_257] {strides = array<i32>} : memref<640x32xf32, #tpu.memory_space<vmem>>, vector<16xf32>,
      %mul3A_259 = arith.mulf %get3A_258, %broadcast_in_dim3A_255 : vector<16xf32>
      %swap3A_260 = arith.index_cast %add3A_252 : i32 to index
      %swap3A_261 = arith.constant 0 : index
      %swap3A_262 = tpu.vector_load %arg13[%swap3A_260, %swap3A_261] {strides = array<i32>} : memref<640x32xf32, #tpu.memory_space<vmem>>, vector<16xf32>,
      tpu.vector_store %arg13[%swap3A_260, %swap3A_261], %mul3A_259 {strides = array<i32>} : memref<640x32xf32, #tpu.memory_space<vmem>>, vector<16xf32>,
      %get3A_263 = arith.index_cast %add3A_252 : i32 to index
      %get3A_264 = arith.constant 16 : index
      %get3A_265 = tpu.vector_load %arg13[%get3A_263, %get3A_264] {strides = array<i32>} : memref<640x32xf32, #tpu.memory_space<vmem>>, vector<16xf32>,
      %mul3A_266 = arith.mulf %get3A_265, %broadcast_in_dim3A_255 : vector<16xf32>
      %swap3A_267 = arith.index_cast %add3A_252 : i32 to index
      %swap3A_268 = arith.constant 16 : index
      %swap3A_269 = tpu.vector_load %arg13[%swap3A_267, %swap3A_268] {strides = array<i32>} : memref<640x32xf32, #tpu.memory_space<vmem>>, vector<16xf32>,
      tpu.vector_store %arg13[%swap3A_267, %swap3A_268], %mul3A_266 {strides = array<i32>} : memref<640x32xf32, #tpu.memory_space<vmem>>, vector<16xf32>,
      %mul3A_270 = arith.constant 16 : i32
      %mul3A_271 = arith.muli %scan3A_186, %mul3A_270 : i32
      %add3A_272 = arith.constant 4 : i32
      %add3A_273 = arith.addi %mul3A_271, %add3A_272 : i32
      %slice3A_274 = vector.extract_strided_slice %get3A_189 {offsets = [4], sizes = [1], strides = [1]} : vector<16xf32> to vector<1xf32>
      %squeeze3A_275 = vector.extract %slice3A_274[0] : f32 from vector<1xf32>
      %broadcast_in_dim3A_276 = vector.broadcast %squeeze3A_275 : f32 to vector<16xf32>
      %get3A_277 = arith.index_cast %add3A_273 : i32 to index
      %get3A_278 = arith.constant 0 : index
      %get3A_279 = tpu.vector_load %arg13[%get3A_277, %get3A_278] {strides = array<i32>} : memref<640x32xf32, #tpu.memory_space<vmem>>, vector<16xf32>,
      %mul3A_280 = arith.mulf %get3A_279, %broadcast_in_dim3A_276 : vector<16xf32>
      %swap3A_281 = arith.index_cast %add3A_273 : i32 to index
      %swap3A_282 = arith.constant 0 : index
      %swap3A_283 = tpu.vector_load %arg13[%swap3A_281, %swap3A_282] {strides = array<i32>} : memref<640x32xf32, #tpu.memory_space<vmem>>, vector<16xf32>,
      tpu.vector_store %arg13[%swap3A_281, %swap3A_282], %mul3A_280 {strides = array<i32>} : memref<640x32xf32, #tpu.memory_space<vmem>>, vector<16xf32>,
      %get3A_284 = arith.index_cast %add3A_273 : i32 to index
      %get3A_285 = arith.constant 16 : index
      %get3A_286 = tpu.vector_load %arg13[%get3A_284, %get3A_285] {strides = array<i32>} : memref<640x32xf32, #tpu.memory_space<vmem>>, vector<16xf32>,
      %mul3A_287 = arith.mulf %get3A_286, %broadcast_in_dim3A_276 : vector<16xf32>
      %swap3A_288 = arith.index_cast %add3A_273 : i32 to index
      %swap3A_289 = arith.constant 16 : index
      %swap3A_290 = tpu.vector_load %arg13[%swap3A_288, %swap3A_289] {strides = array<i32>} : memref<640x32xf32, #tpu.memory_space<vmem>>, vector<16xf32>,
      tpu.vector_store %arg13[%swap3A_288, %swap3A_289], %mul3A_287 {strides = array<i32>} : memref<640x32xf32, #tpu.memory_space<vmem>>, vector<16xf32>,
      %mul3A_291 = arith.constant 16 : i32
      %mul3A_292 = arith.muli %scan3A_186, %mul3A_291 : i32
      %add3A_293 = arith.constant 5 : i32
      %add3A_294 = arith.addi %mul3A_292, %add3A_293 : i32
      %slice3A_295 = vector.extract_strided_slice %get3A_189 {offsets = [5], sizes = [1], strides = [1]} : vector<16xf32> to vector<1xf32>
      %squeeze3A_296 = vector.extract %slice3A_295[0] : f32 from vector<1xf32>
      %broadcast_in_dim3A_297 = vector.broadcast %squeeze3A_296 : f32 to vector<16xf32>
      %get3A_298 = arith.index_cast %add3A_294 : i32 to index
      %get3A_299 = arith.constant 0 : index
      %get3A_300 = tpu.vector_load %arg13[%get3A_298, %get3A_299] {strides = array<i32>} : memref<640x32xf32, #tpu.memory_space<vmem>>, vector<16xf32>,
      %mul3A_301 = arith.mulf %get3A_300, %broadcast_in_dim3A_297 : vector<16xf32>
      %swap3A_302 = arith.index_cast %add3A_294 : i32 to index
      %swap3A_303 = arith.constant 0 : index
      %swap3A_304 = tpu.vector_load %arg13[%swap3A_302, %swap3A_303] {strides = array<i32>} : memref<640x32xf32, #tpu.memory_space<vmem>>, vector<16xf32>,
      tpu.vector_store %arg13[%swap3A_302, %swap3A_303], %mul3A_301 {strides = array<i32>} : memref<640x32xf32, #tpu.memory_space<vmem>>, vector<16xf32>,
      %get3A_305 = arith.index_cast %add3A_294 : i32 to index
      %get3A_306 = arith.constant 16 : index
      %get3A_307 = tpu.vector_load %arg13[%get3A_305, %get3A_306] {strides = array<i32>} : memref<640x32xf32, #tpu.memory_space<vmem>>, vector<16xf32>,
      %mul3A_308 = arith.mulf %get3A_307, %broadcast_in_dim3A_297 : vector<16xf32>
      %swap3A_309 = arith.index_cast %add3A_294 : i32 to index
      %swap3A_310 = arith.constant 16 : index
      %swap3A_311 = tpu.vector_load %arg13[%swap3A_309, %swap3A_310] {strides = array<i32>} : memref<640x32xf32, #tpu.memory_space<vmem>>, vector<16xf32>,
      tpu.vector_store %arg13[%swap3A_309, %swap3A_310], %mul3A_308 {strides = array<i32>} : memref<640x32xf32, #tpu.memory_space<vmem>>, vector<16xf32>,
      %mul3A_312 = arith.constant 16 : i32
      %mul3A_313 = arith.muli %scan3A_186, %mul3A_312 : i32
      %add3A_314 = arith.constant 6 : i32
      %add3A_315 = arith.addi %mul3A_313, %add3A_314 : i32
      %slice3A_316 = vector.extract_strided_slice %get3A_189 {offsets = [6], sizes = [1], strides = [1]} : vector<16xf32> to vector<1xf32>
      %squeeze3A_317 = vector.extract %slice3A_316[0] : f32 from vector<1xf32>
      %broadcast_in_dim3A_318 = vector.broadcast %squeeze3A_317 : f32 to vector<16xf32>
      %get3A_319 = arith.index_cast %add3A_315 : i32 to index
      %get3A_320 = arith.constant 0 : index
      %get3A_321 = tpu.vector_load %arg13[%get3A_319, %get3A_320] {strides = array<i32>} : memref<640x32xf32, #tpu.memory_space<vmem>>, vector<16xf32>,
      %mul3A_322 = arith.mulf %get3A_321, %broadcast_in_dim3A_318 : vector<16xf32>
      %swap3A_323 = arith.index_cast %add3A_315 : i32 to index
      %swap3A_324 = arith.constant 0 : index
      %swap3A_325 = tpu.vector_load %arg13[%swap3A_323, %swap3A_324] {strides = array<i32>} : memref<640x32xf32, #tpu.memory_space<vmem>>, vector<16xf32>,
      tpu.vector_store %arg13[%swap3A_323, %swap3A_324], %mul3A_322 {strides = array<i32>} : memref<640x32xf32, #tpu.memory_space<vmem>>, vector<16xf32>,
      %get3A_326 = arith.index_cast %add3A_315 : i32 to index
      %get3A_327 = arith.constant 16 : index
      %get3A_328 = tpu.vector_load %arg13[%get3A_326, %get3A_327] {strides = array<i32>} : memref<640x32xf32, #tpu.memory_space<vmem>>, vector<16xf32>,
      %mul3A_329 = arith.mulf %get3A_328, %broadcast_in_dim3A_318 : vector<16xf32>
      %swap3A_330 = arith.index_cast %add3A_315 : i32 to index
      %swap3A_331 = arith.constant 16 : index
      %swap3A_332 = tpu.vector_load %arg13[%swap3A_330, %swap3A_331] {strides = array<i32>} : memref<640x32xf32, #tpu.memory_space<vmem>>, vector<16xf32>,
      tpu.vector_store %arg13[%swap3A_330, %swap3A_331], %mul3A_329 {strides = array<i32>} : memref<640x32xf32, #tpu.memory_space<vmem>>, vector<16xf32>,
      %mul3A_333 = arith.constant 16 : i32
      %mul3A_334 = arith.muli %scan3A_186, %mul3A_333 : i32
      %add3A_335 = arith.constant 7 : i32
      %add3A_336 = arith.addi %mul3A_334, %add3A_335 : i32
      %slice3A_337 = vector.extract_strided_slice %get3A_189 {offsets = [7], sizes = [1], strides = [1]} : vector<16xf32> to vector<1xf32>
      %squeeze3A_338 = vector.extract %slice3A_337[0] : f32 from vector<1xf32>
      %broadcast_in_dim3A_339 = vector.broadcast %squeeze3A_338 : f32 to vector<16xf32>
      %get3A_340 = arith.index_cast %add3A_336 : i32 to index
      %get3A_341 = arith.constant 0 : index
      %get3A_342 = tpu.vector_load %arg13[%get3A_340, %get3A_341] {strides = array<i32>} : memref<640x32xf32, #tpu.memory_space<vmem>>, vector<16xf32>,
      %mul3A_343 = arith.mulf %get3A_342, %broadcast_in_dim3A_339 : vector<16xf32>
      %swap3A_344 = arith.index_cast %add3A_336 : i32 to index
      %swap3A_345 = arith.constant 0 : index
      %swap3A_346 = tpu.vector_load %arg13[%swap3A_344, %swap3A_345] {strides = array<i32>} : memref<640x32xf32, #tpu.memory_space<vmem>>, vector<16xf32>,
      tpu.vector_store %arg13[%swap3A_344, %swap3A_345], %mul3A_343 {strides = array<i32>} : memref<640x32xf32, #tpu.memory_space<vmem>>, vector<16xf32>,
      %get3A_347 = arith.index_cast %add3A_336 : i32 to index
      %get3A_348 = arith.constant 16 : index
      %get3A_349 = tpu.vector_load %arg13[%get3A_347, %get3A_348] {strides = array<i32>} : memref<640x32xf32, #tpu.memory_space<vmem>>, vector<16xf32>,
      %mul3A_350 = arith.mulf %get3A_349, %broadcast_in_dim3A_339 : vector<16xf32>
      %swap3A_351 = arith.index_cast %add3A_336 : i32 to index
      %swap3A_352 = arith.constant 16 : index
      %swap3A_353 = tpu.vector_load %arg13[%swap3A_351, %swap3A_352] {strides = array<i32>} : memref<640x32xf32, #tpu.memory_space<vmem>>, vector<16xf32>,
      tpu.vector_store %arg13[%swap3A_351, %swap3A_352], %mul3A_350 {strides = array<i32>} : memref<640x32xf32, #tpu.memory_space<vmem>>, vector<16xf32>,
      %mul3A_354 = arith.constant 16 : i32
      %mul3A_355 = arith.muli %scan3A_186, %mul3A_354 : i32
      %add3A_356 = arith.constant 8 : i32
      %add3A_357 = arith.addi %mul3A_355, %add3A_356 : i32
      %slice3A_358 = vector.extract_strided_slice %get3A_189 {offsets = [8], sizes = [1], strides = [1]} : vector<16xf32> to vector<1xf32>
      %squeeze3A_359 = vector.extract %slice3A_358[0] : f32 from vector<1xf32>
      %broadcast_in_dim3A_360 = vector.broadcast %squeeze3A_359 : f32 to vector<16xf32>
      %get3A_361 = arith.index_cast %add3A_357 : i32 to index
      %get3A_362 = arith.constant 0 : index
      %get3A_363 = tpu.vector_load %arg13[%get3A_361, %get3A_362] {strides = array<i32>} : memref<640x32xf32, #tpu.memory_space<vmem>>, vector<16xf32>,
      %mul3A_364 = arith.mulf %get3A_363, %broadcast_in_dim3A_360 : vector<16xf32>
      %swap3A_365 = arith.index_cast %add3A_357 : i32 to index
      %swap3A_366 = arith.constant 0 : index
      %swap3A_367 = tpu.vector_load %arg13[%swap3A_365, %swap3A_366] {strides = array<i32>} : memref<640x32xf32, #tpu.memory_space<vmem>>, vector<16xf32>,
      tpu.vector_store %arg13[%swap3A_365, %swap3A_366], %mul3A_364 {strides = array<i32>} : memref<640x32xf32, #tpu.memory_space<vmem>>, vector<16xf32>,
      %get3A_368 = arith.index_cast %add3A_357 : i32 to index
      %get3A_369 = arith.constant 16 : index
      %get3A_370 = tpu.vector_load %arg13[%get3A_368, %get3A_369] {strides = array<i32>} : memref<640x32xf32, #tpu.memory_space<vmem>>, vector<16xf32>,
      %mul3A_371 = arith.mulf %get3A_370, %broadcast_in_dim3A_360 : vector<16xf32>
      %swap3A_372 = arith.index_cast %add3A_357 : i32 to index
      %swap3A_373 = arith.constant 16 : index
      %swap3A_374 = tpu.vector_load %arg13[%swap3A_372, %swap3A_373] {strides = array<i32>} : memref<640x32xf32, #tpu.memory_space<vmem>>, vector<16xf32>,
      tpu.vector_store %arg13[%swap3A_372, %swap3A_373], %mul3A_371 {strides = array<i32>} : memref<640x32xf32, #tpu.memory_space<vmem>>, vector<16xf32>,
      %mul3A_375 = arith.constant 16 : i32
      %mul3A_376 = arith.muli %scan3A_186, %mul3A_375 : i32
      %add3A_377 = arith.constant 9 : i32
      %add3A_378 = arith.addi %mul3A_376, %add3A_377 : i32
      %slice3A_379 = vector.extract_strided_slice %get3A_189 {offsets = [9], sizes = [1], strides = [1]} : vector<16xf32> to vector<1xf32>
      %squeeze3A_380 = vector.extract %slice3A_379[0] : f32 from vector<1xf32>
      %broadcast_in_dim3A_381 = vector.broadcast %squeeze3A_380 : f32 to vector<16xf32>
      %get3A_382 = arith.index_cast %add3A_378 : i32 to index
      %get3A_383 = arith.constant 0 : index
      %get3A_384 = tpu.vector_load %arg13[%get3A_382, %get3A_383] {strides = array<i32>} : memref<640x32xf32, #tpu.memory_space<vmem>>, vector<16xf32>,
      %mul3A_385 = arith.mulf %get3A_384, %broadcast_in_dim3A_381 : vector<16xf32>
      %swap3A_386 = arith.index_cast %add3A_378 : i32 to index
      %swap3A_387 = arith.constant 0 : index
      %swap3A_388 = tpu.vector_load %arg13[%swap3A_386, %swap3A_387] {strides = array<i32>} : memref<640x32xf32, #tpu.memory_space<vmem>>, vector<16xf32>,
      tpu.vector_store %arg13[%swap3A_386, %swap3A_387], %mul3A_385 {strides = array<i32>} : memref<640x32xf32, #tpu.memory_space<vmem>>, vector<16xf32>,
      %get3A_389 = arith.index_cast %add3A_378 : i32 to index
      %get3A_390 = arith.constant 16 : index
      %get3A_391 = tpu.vector_load %arg13[%get3A_389, %get3A_390] {strides = array<i32>} : memref<640x32xf32, #tpu.memory_space<vmem>>, vector<16xf32>,
      %mul3A_392 = arith.mulf %get3A_391, %broadcast_in_dim3A_381 : vector<16xf32>
      %swap3A_393 = arith.index_cast %add3A_378 : i32 to index
      %swap3A_394 = arith.constant 16 : index
      %swap3A_395 = tpu.vector_load %arg13[%swap3A_393, %swap3A_394] {strides = array<i32>} : memref<640x32xf32, #tpu.memory_space<vmem>>, vector<16xf32>,
      tpu.vector_store %arg13[%swap3A_393, %swap3A_394], %mul3A_392 {strides = array<i32>} : memref<640x32xf32, #tpu.memory_space<vmem>>, vector<16xf32>,
      %mul3A_396 = arith.constant 16 : i32
      %mul3A_397 = arith.muli %scan3A_186, %mul3A_396 : i32
      %add3A_398 = arith.constant 10 : i32
      %add3A_399 = arith.addi %mul3A_397, %add3A_398 : i32
      %slice3A_400 = vector.extract_strided_slice %get3A_189 {offsets = [10], sizes = [1], strides = [1]} : vector<16xf32> to vector<1xf32>
      %squeeze3A_401 = vector.extract %slice3A_400[0] : f32 from vector<1xf32>
      %broadcast_in_dim3A_402 = vector.broadcast %squeeze3A_401 : f32 to vector<16xf32>
      %get3A_403 = arith.index_cast %add3A_399 : i32 to index
      %get3A_404 = arith.constant 0 : index
      %get3A_405 = tpu.vector_load %arg13[%get3A_403, %get3A_404] {strides = array<i32>} : memref<640x32xf32, #tpu.memory_space<vmem>>, vector<16xf32>,
      %mul3A_406 = arith.mulf %get3A_405, %broadcast_in_dim3A_402 : vector<16xf32>
      %swap3A_407 = arith.index_cast %add3A_399 : i32 to index
      %swap3A_408 = arith.constant 0 : index
      %swap3A_409 = tpu.vector_load %arg13[%swap3A_407, %swap3A_408] {strides = array<i32>} : memref<640x32xf32, #tpu.memory_space<vmem>>, vector<16xf32>,
      tpu.vector_store %arg13[%swap3A_407, %swap3A_408], %mul3A_406 {strides = array<i32>} : memref<640x32xf32, #tpu.memory_space<vmem>>, vector<16xf32>,
      %get3A_410 = arith.index_cast %add3A_399 : i32 to index
      %get3A_411 = arith.constant 16 : index
      %get3A_412 = tpu.vector_load %arg13[%get3A_410, %get3A_411] {strides = array<i32>} : memref<640x32xf32, #tpu.memory_space<vmem>>, vector<16xf32>,
      %mul3A_413 = arith.mulf %get3A_412, %broadcast_in_dim3A_402 : vector<16xf32>
      %swap3A_414 = arith.index_cast %add3A_399 : i32 to index
      %swap3A_415 = arith.constant 16 : index
      %swap3A_416 = tpu.vector_load %arg13[%swap3A_414, %swap3A_415] {strides = array<i32>} : memref<640x32xf32, #tpu.memory_space<vmem>>, vector<16xf32>,
      tpu.vector_store %arg13[%swap3A_414, %swap3A_415], %mul3A_413 {strides = array<i32>} : memref<640x32xf32, #tpu.memory_space<vmem>>, vector<16xf32>,
      %mul3A_417 = arith.constant 16 : i32
      %mul3A_418 = arith.muli %scan3A_186, %mul3A_417 : i32
      %add3A_419 = arith.constant 11 : i32
      %add3A_420 = arith.addi %mul3A_418, %add3A_419 : i32
      %slice3A_421 = vector.extract_strided_slice %get3A_189 {offsets = [11], sizes = [1], strides = [1]} : vector<16xf32> to vector<1xf32>
      %squeeze3A_422 = vector.extract %slice3A_421[0] : f32 from vector<1xf32>
      %broadcast_in_dim3A_423 = vector.broadcast %squeeze3A_422 : f32 to vector<16xf32>
      %get3A_424 = arith.index_cast %add3A_420 : i32 to index
      %get3A_425 = arith.constant 0 : index
      %get3A_426 = tpu.vector_load %arg13[%get3A_424, %get3A_425] {strides = array<i32>} : memref<640x32xf32, #tpu.memory_space<vmem>>, vector<16xf32>,
      %mul3A_427 = arith.mulf %get3A_426, %broadcast_in_dim3A_423 : vector<16xf32>
      %swap3A_428 = arith.index_cast %add3A_420 : i32 to index
      %swap3A_429 = arith.constant 0 : index
      %swap3A_430 = tpu.vector_load %arg13[%swap3A_428, %swap3A_429] {strides = array<i32>} : memref<640x32xf32, #tpu.memory_space<vmem>>, vector<16xf32>,
      tpu.vector_store %arg13[%swap3A_428, %swap3A_429], %mul3A_427 {strides = array<i32>} : memref<640x32xf32, #tpu.memory_space<vmem>>, vector<16xf32>,
      %get3A_431 = arith.index_cast %add3A_420 : i32 to index
      %get3A_432 = arith.constant 16 : index
      %get3A_433 = tpu.vector_load %arg13[%get3A_431, %get3A_432] {strides = array<i32>} : memref<640x32xf32, #tpu.memory_space<vmem>>, vector<16xf32>,
      %mul3A_434 = arith.mulf %get3A_433, %broadcast_in_dim3A_423 : vector<16xf32>
      %swap3A_435 = arith.index_cast %add3A_420 : i32 to index
      %swap3A_436 = arith.constant 16 : index
      %swap3A_437 = tpu.vector_load %arg13[%swap3A_435, %swap3A_436] {strides = array<i32>} : memref<640x32xf32, #tpu.memory_space<vmem>>, vector<16xf32>,
      tpu.vector_store %arg13[%swap3A_435, %swap3A_436], %mul3A_434 {strides = array<i32>} : memref<640x32xf32, #tpu.memory_space<vmem>>, vector<16xf32>,
      %mul3A_438 = arith.constant 16 : i32
      %mul3A_439 = arith.muli %scan3A_186, %mul3A_438 : i32
      %add3A_440 = arith.constant 12 : i32
      %add3A_441 = arith.addi %mul3A_439, %add3A_440 : i32
      %slice3A_442 = vector.extract_strided_slice %get3A_189 {offsets = [12], sizes = [1], strides = [1]} : vector<16xf32> to vector<1xf32>
      %squeeze3A_443 = vector.extract %slice3A_442[0] : f32 from vector<1xf32>
      %broadcast_in_dim3A_444 = vector.broadcast %squeeze3A_443 : f32 to vector<16xf32>
      %get3A_445 = arith.index_cast %add3A_441 : i32 to index
      %get3A_446 = arith.constant 0 : index
      %get3A_447 = tpu.vector_load %arg13[%get3A_445, %get3A_446] {strides = array<i32>} : memref<640x32xf32, #tpu.memory_space<vmem>>, vector<16xf32>,
      %mul3A_448 = arith.mulf %get3A_447, %broadcast_in_dim3A_444 : vector<16xf32>
      %swap3A_449 = arith.index_cast %add3A_441 : i32 to index
      %swap3A_450 = arith.constant 0 : index
      %swap3A_451 = tpu.vector_load %arg13[%swap3A_449, %swap3A_450] {strides = array<i32>} : memref<640x32xf32, #tpu.memory_space<vmem>>, vector<16xf32>,
      tpu.vector_store %arg13[%swap3A_449, %swap3A_450], %mul3A_448 {strides = array<i32>} : memref<640x32xf32, #tpu.memory_space<vmem>>, vector<16xf32>,
      %get3A_452 = arith.index_cast %add3A_441 : i32 to index
      %get3A_453 = arith.constant 16 : index
      %get3A_454 = tpu.vector_load %arg13[%get3A_452, %get3A_453] {strides = array<i32>} : memref<640x32xf32, #tpu.memory_space<vmem>>, vector<16xf32>,
      %mul3A_455 = arith.mulf %get3A_454, %broadcast_in_dim3A_444 : vector<16xf32>
      %swap3A_456 = arith.index_cast %add3A_441 : i32 to index
      %swap3A_457 = arith.constant 16 : index
      %swap3A_458 = tpu.vector_load %arg13[%swap3A_456, %swap3A_457] {strides = array<i32>} : memref<640x32xf32, #tpu.memory_space<vmem>>, vector<16xf32>,
      tpu.vector_store %arg13[%swap3A_456, %swap3A_457], %mul3A_455 {strides = array<i32>} : memref<640x32xf32, #tpu.memory_space<vmem>>, vector<16xf32>,
      %mul3A_459 = arith.constant 16 : i32
      %mul3A_460 = arith.muli %scan3A_186, %mul3A_459 : i32
      %add3A_461 = arith.constant 13 : i32
      %add3A_462 = arith.addi %mul3A_460, %add3A_461 : i32
      %slice3A_463 = vector.extract_strided_slice %get3A_189 {offsets = [13], sizes = [1], strides = [1]} : vector<16xf32> to vector<1xf32>
      %squeeze3A_464 = vector.extract %slice3A_463[0] : f32 from vector<1xf32>
      %broadcast_in_dim3A_465 = vector.broadcast %squeeze3A_464 : f32 to vector<16xf32>
      %get3A_466 = arith.index_cast %add3A_462 : i32 to index
      %get3A_467 = arith.constant 0 : index
      %get3A_468 = tpu.vector_load %arg13[%get3A_466, %get3A_467] {strides = array<i32>} : memref<640x32xf32, #tpu.memory_space<vmem>>, vector<16xf32>,
      %mul3A_469 = arith.mulf %get3A_468, %broadcast_in_dim3A_465 : vector<16xf32>
      %swap3A_470 = arith.index_cast %add3A_462 : i32 to index
      %swap3A_471 = arith.constant 0 : index
      %swap3A_472 = tpu.vector_load %arg13[%swap3A_470, %swap3A_471] {strides = array<i32>} : memref<640x32xf32, #tpu.memory_space<vmem>>, vector<16xf32>,
      tpu.vector_store %arg13[%swap3A_470, %swap3A_471], %mul3A_469 {strides = array<i32>} : memref<640x32xf32, #tpu.memory_space<vmem>>, vector<16xf32>,
      %get3A_473 = arith.index_cast %add3A_462 : i32 to index
      %get3A_474 = arith.constant 16 : index
      %get3A_475 = tpu.vector_load %arg13[%get3A_473, %get3A_474] {strides = array<i32>} : memref<640x32xf32, #tpu.memory_space<vmem>>, vector<16xf32>,
      %mul3A_476 = arith.mulf %get3A_475, %broadcast_in_dim3A_465 : vector<16xf32>
      %swap3A_477 = arith.index_cast %add3A_462 : i32 to index
      %swap3A_478 = arith.constant 16 : index
      %swap3A_479 = tpu.vector_load %arg13[%swap3A_477, %swap3A_478] {strides = array<i32>} : memref<640x32xf32, #tpu.memory_space<vmem>>, vector<16xf32>,
      tpu.vector_store %arg13[%swap3A_477, %swap3A_478], %mul3A_476 {strides = array<i32>} : memref<640x32xf32, #tpu.memory_space<vmem>>, vector<16xf32>,
      %mul3A_480 = arith.constant 16 : i32
      %mul3A_481 = arith.muli %scan3A_186, %mul3A_480 : i32
      %add3A_482 = arith.constant 14 : i32
      %add3A_483 = arith.addi %mul3A_481, %add3A_482 : i32
      %slice3A_484 = vector.extract_strided_slice %get3A_189 {offsets = [14], sizes = [1], strides = [1]} : vector<16xf32> to vector<1xf32>
      %squeeze3A_485 = vector.extract %slice3A_484[0] : f32 from vector<1xf32>
      %broadcast_in_dim3A_486 = vector.broadcast %squeeze3A_485 : f32 to vector<16xf32>
      %get3A_487 = arith.index_cast %add3A_483 : i32 to index
      %get3A_488 = arith.constant 0 : index
      %get3A_489 = tpu.vector_load %arg13[%get3A_487, %get3A_488] {strides = array<i32>} : memref<640x32xf32, #tpu.memory_space<vmem>>, vector<16xf32>,
      %mul3A_490 = arith.mulf %get3A_489, %broadcast_in_dim3A_486 : vector<16xf32>
      %swap3A_491 = arith.index_cast %add3A_483 : i32 to index
      %swap3A_492 = arith.constant 0 : index
      %swap3A_493 = tpu.vector_load %arg13[%swap3A_491, %swap3A_492] {strides = array<i32>} : memref<640x32xf32, #tpu.memory_space<vmem>>, vector<16xf32>,
      tpu.vector_store %arg13[%swap3A_491, %swap3A_492], %mul3A_490 {strides = array<i32>} : memref<640x32xf32, #tpu.memory_space<vmem>>, vector<16xf32>,
      %get3A_494 = arith.index_cast %add3A_483 : i32 to index
      %get3A_495 = arith.constant 16 : index
      %get3A_496 = tpu.vector_load %arg13[%get3A_494, %get3A_495] {strides = array<i32>} : memref<640x32xf32, #tpu.memory_space<vmem>>, vector<16xf32>,
      %mul3A_497 = arith.mulf %get3A_496, %broadcast_in_dim3A_486 : vector<16xf32>
      %swap3A_498 = arith.index_cast %add3A_483 : i32 to index
      %swap3A_499 = arith.constant 16 : index
      %swap3A_500 = tpu.vector_load %arg13[%swap3A_498, %swap3A_499] {strides = array<i32>} : memref<640x32xf32, #tpu.memory_space<vmem>>, vector<16xf32>,
      tpu.vector_store %arg13[%swap3A_498, %swap3A_499], %mul3A_497 {strides = array<i32>} : memref<640x32xf32, #tpu.memory_space<vmem>>, vector<16xf32>,
      %mul3A_501 = arith.constant 16 : i32
      %mul3A_502 = arith.muli %scan3A_186, %mul3A_501 : i32
      %add3A_503 = arith.constant 15 : i32
      %add3A_504 = arith.addi %mul3A_502, %add3A_503 : i32
      %slice3A_505 = vector.extract_strided_slice %get3A_189 {offsets = [15], sizes = [1], strides = [1]} : vector<16xf32> to vector<1xf32>
      %squeeze3A_506 = vector.extract %slice3A_505[0] : f32 from vector<1xf32>
      %broadcast_in_dim3A_507 = vector.broadcast %squeeze3A_506 : f32 to vector<16xf32>
      %get3A_508 = arith.index_cast %add3A_504 : i32 to index
      %get3A_509 = arith.constant 0 : index
      %get3A_510 = tpu.vector_load %arg13[%get3A_508, %get3A_509] {strides = array<i32>} : memref<640x32xf32, #tpu.memory_space<vmem>>, vector<16xf32>,
      %mul3A_511 = arith.mulf %get3A_510, %broadcast_in_dim3A_507 : vector<16xf32>
      %swap3A_512 = arith.index_cast %add3A_504 : i32 to index
      %swap3A_513 = arith.constant 0 : index
      %swap3A_514 = tpu.vector_load %arg13[%swap3A_512, %swap3A_513] {strides = array<i32>} : memref<640x32xf32, #tpu.memory_space<vmem>>, vector<16xf32>,
      tpu.vector_store %arg13[%swap3A_512, %swap3A_513], %mul3A_511 {strides = array<i32>} : memref<640x32xf32, #tpu.memory_space<vmem>>, vector<16xf32>,
      %get3A_515 = arith.index_cast %add3A_504 : i32 to index
      %get3A_516 = arith.constant 16 : index
      %get3A_517 = tpu.vector_load %arg13[%get3A_515, %get3A_516] {strides = array<i32>} : memref<640x32xf32, #tpu.memory_space<vmem>>, vector<16xf32>,
      %mul3A_518 = arith.mulf %get3A_517, %broadcast_in_dim3A_507 : vector<16xf32>
      %swap3A_519 = arith.index_cast %add3A_504 : i32 to index
      %swap3A_520 = arith.constant 16 : index
      %swap3A_521 = tpu.vector_load %arg13[%swap3A_519, %swap3A_520] {strides = array<i32>} : memref<640x32xf32, #tpu.memory_space<vmem>>, vector<16xf32>,
      tpu.vector_store %arg13[%swap3A_519, %swap3A_520], %mul3A_518 {strides = array<i32>} : memref<640x32xf32, #tpu.memory_space<vmem>>, vector<16xf32>,
    }
    %scan3A_47 = arith.constant 40 : i32
    "tpu.region"() ({
      %run_scoped3A = tpu.sem_alloc : memref<!tpu.dma_semaphore, #tpu.memory_space<semaphore_mem>>
      %dma_start3A_186 = arith.constant 0 : i32
      %dma_start3A_187 = tpu.memref_slice %arg9[%mul3A_0, %dma_start3A_186] : memref<10240x32xf32, #tpu.memory_space<hbm>> -> memref<640x32xf32, #tpu.memory_space<hbm>>
      %dma_start3A_188 = arith.constant 0 : i32
      %dma_start3A_189 = tpu.memref_slice %arg9[%mul3A_0, %dma_start3A_188] : memref<10240x32xf32, #tpu.memory_space<hbm>> -> memref<640x32xf32, #tpu.memory_space<hbm>>
      tpu.enqueue_dma source(%arg13 : memref<640x32xf32, #tpu.memory_space<vmem>>) target(%dma_start3A_189 : memref<640x32xf32, #tpu.memory_space<hbm>>) target_semaphore(%run_scoped3A : memref<!tpu.dma_semaphore, #tpu.memory_space<semaphore_mem>>)
      %dma_wait3A_190 = arith.constant 0 : i32
      %dma_wait3A_191 = tpu.memref_slice %arg9[%mul3A_0, %dma_wait3A_190] : memref<10240x32xf32, #tpu.memory_space<hbm>> -> memref<640x32xf32, #tpu.memory_space<hbm>>
      %dma_wait3A_192 = arith.constant 0 : i32
      %dma_wait3A_193 = tpu.memref_slice %arg9[%mul3A_0, %dma_wait3A_192] : memref<10240x32xf32, #tpu.memory_space<hbm>> -> memref<640x32xf32, #tpu.memory_space<hbm>>
      tpu.wait_dma2 semaphore(%run_scoped3A : memref<!tpu.dma_semaphore, #tpu.memory_space<semaphore_mem>>) src(%arg13 : memref<640x32xf32, #tpu.memory_space<vmem>>) dst(%dma_wait3A_193 : memref<640x32xf32, #tpu.memory_space<hbm>>)
      tpu.yield
    }) : () -> ()
    "tpu.region"() ({
      %run_scoped3A = tpu.sem_alloc : memref<!tpu.dma_semaphore, #tpu.memory_space<semaphore_mem>>
      %dma_start3A_186 = arith.constant 0 : i32
      %dma_start3A_187 = tpu.memref_slice %arg23[%mul3A_0, %dma_start3A_186] : memref<10240x32xf32, #tpu.memory_space<vmem_shared>> -> memref<640x32xf32, #tpu.memory_space<vmem_shared>>
      %dma_start3A_188 = arith.constant 0 : i32
      %dma_start3A_189 = tpu.memref_slice %arg23[%mul3A_0, %dma_start3A_188] : memref<10240x32xf32, #tpu.memory_space<vmem_shared>> -> memref<640x32xf32, #tpu.memory_space<vmem_shared>>
      tpu.enqueue_dma source(%arg13 : memref<640x32xf32, #tpu.memory_space<vmem>>) target(%dma_start3A_189 : memref<640x32xf32, #tpu.memory_space<vmem_shared>>) target_semaphore(%run_scoped3A : memref<!tpu.dma_semaphore, #tpu.memory_space<semaphore_mem>>)
      %dma_wait3A_190 = arith.constant 0 : i32
      %dma_wait3A_191 = tpu.memref_slice %arg23[%mul3A_0, %dma_wait3A_190] : memref<10240x32xf32, #tpu.memory_space<vmem_shared>> -> memref<640x32xf32, #tpu.memory_space<vmem_shared>>
      %dma_wait3A_192 = arith.constant 0 : i32
      %dma_wait3A_193 = tpu.memref_slice %arg23[%mul3A_0, %dma_wait3A_192] : memref<10240x32xf32, #tpu.memory_space<vmem_shared>> -> memref<640x32xf32, #tpu.memory_space<vmem_shared>>
      tpu.wait_dma2 semaphore(%run_scoped3A : memref<!tpu.dma_semaphore, #tpu.memory_space<semaphore_mem>>) src(%arg13 : memref<640x32xf32, #tpu.memory_space<vmem>>) dst(%dma_wait3A_193 : memref<640x32xf32, #tpu.memory_space<vmem_shared>>)
      tpu.yield
    }) : () -> ()
    %barrier3A_48 = arith.constant 0 : index
    tpu.barrier barrier_id(%barrier3A_48)
    %dma_start3A_49 = arith.constant 0 : i32
    %dma_start3A_50 = arith.constant 0 : i32
    %dma_start3A_51 = arith.constant 0 : i32
    %dma_start3A_52 = tpu.memref_slice %arg12[%dma_start3A_49, %dma_start3A_50, %dma_start3A_51] : memref<6x128x32xf32, #tpu.memory_space<vmem>> -> memref<1x128x32xf32, #tpu.memory_space<vmem>>
    %dma_start3A_53 = tpu.memref_squeeze %dma_start3A_52 : memref<1x128x32xf32, #tpu.memory_space<vmem>> -> memref<128x32xf32, #tpu.memory_space<vmem>>
    %dma_start3A_54 = arith.constant 0 : i32
    %dma_start3A_55 = tpu.memref_slice %arg10[%dma_start3A_54] : memref<20096xi32, #tpu.memory_space<vmem>> -> memref<128xi32, #tpu.memory_space<vmem>>
    %dma_start3A_56 = arith.constant 0 : i32
    %dma_start3A_57 = arith.constant 0 : i32
    %dma_start3A_58 = tpu.memref_slice %arg9[%dma_start3A_56, %dma_start3A_57] : memref<10240x32xf32, #tpu.memory_space<hbm>> -> memref<10240x32xf32, #tpu.memory_space<hbm>>
    tpu.enqueue_indirect_dma source(%dma_start3A_58 : memref<10240x32xf32, #tpu.memory_space<hbm>>) target(%dma_start3A_53 : memref<128x32xf32, #tpu.memory_space<vmem>>) offsets(%dma_start3A_55 : memref<128xi32, #tpu.memory_space<vmem>>) semaphore(%arg25 : memref<!tpu.dma_semaphore, #tpu.memory_space<semaphore_mem>>)
    %dma_start3A_59 = arith.constant 1 : i32
    %dma_start3A_60 = arith.constant 0 : i32
    %dma_start3A_61 = arith.constant 0 : i32
    %dma_start3A_62 = tpu.memref_slice %arg12[%dma_start3A_59, %dma_start3A_60, %dma_start3A_61] : memref<6x128x32xf32, #tpu.memory_space<vmem>> -> memref<1x128x32xf32, #tpu.memory_space<vmem>>
    %dma_start3A_63 = tpu.memref_squeeze %dma_start3A_62 : memref<1x128x32xf32, #tpu.memory_space<vmem>> -> memref<128x32xf32, #tpu.memory_space<vmem>>
    %dma_start3A_64 = arith.constant 128 : i32
    %dma_start3A_65 = tpu.memref_slice %arg10[%dma_start3A_64] : memref<20096xi32, #tpu.memory_space<vmem>> -> memref<128xi32, #tpu.memory_space<vmem>>
    %dma_start3A_66 = arith.constant 0 : i32
    %dma_start3A_67 = arith.constant 0 : i32
    %dma_start3A_68 = tpu.memref_slice %arg9[%dma_start3A_66, %dma_start3A_67] : memref<10240x32xf32, #tpu.memory_space<hbm>> -> memref<10240x32xf32, #tpu.memory_space<hbm>>
    tpu.enqueue_indirect_dma source(%dma_start3A_68 : memref<10240x32xf32, #tpu.memory_space<hbm>>) target(%dma_start3A_63 : memref<128x32xf32, #tpu.memory_space<vmem>>) offsets(%dma_start3A_65 : memref<128xi32, #tpu.memory_space<vmem>>) semaphore(%arg25 : memref<!tpu.dma_semaphore, #tpu.memory_space<semaphore_mem>>)
    %dma_start3A_69 = arith.constant 2 : i32
    %dma_start3A_70 = arith.constant 0 : i32
    %dma_start3A_71 = arith.constant 0 : i32
    %dma_start3A_72 = tpu.memref_slice %arg12[%dma_start3A_69, %dma_start3A_70, %dma_start3A_71] : memref<6x128x32xf32, #tpu.memory_space<vmem>> -> memref<1x128x32xf32, #tpu.memory_space<vmem>>
    %dma_start3A_73 = tpu.memref_squeeze %dma_start3A_72 : memref<1x128x32xf32, #tpu.memory_space<vmem>> -> memref<128x32xf32, #tpu.memory_space<vmem>>
    %dma_start3A_74 = arith.constant 256 : i32
    %dma_start3A_75 = tpu.memref_slice %arg10[%dma_start3A_74] : memref<20096xi32, #tpu.memory_space<vmem>> -> memref<128xi32, #tpu.memory_space<vmem>>
    %dma_start3A_76 = arith.constant 0 : i32
    %dma_start3A_77 = arith.constant 0 : i32
    %dma_start3A_78 = tpu.memref_slice %arg9[%dma_start3A_76, %dma_start3A_77] : memref<10240x32xf32, #tpu.memory_space<hbm>> -> memref<10240x32xf32, #tpu.memory_space<hbm>>
    tpu.enqueue_indirect_dma source(%dma_start3A_78 : memref<10240x32xf32, #tpu.memory_space<hbm>>) target(%dma_start3A_73 : memref<128x32xf32, #tpu.memory_space<vmem>>) offsets(%dma_start3A_75 : memref<128xi32, #tpu.memory_space<vmem>>) semaphore(%arg25 : memref<!tpu.dma_semaphore, #tpu.memory_space<semaphore_mem>>)
    %scan3A_79 = arith.constant 0 : i32
    %scan3A_80 = arith.constant 0 : i32
    %scan3A_81 = arith.constant 156 : i32
    %scan3A_82 = arith.addi %scan3A_80, %scan3A_81 : i32
    %scan3A_83 = arith.constant 2 : i32
    scf.for %scan3A_186 = %scan3A_80 to %scan3A_82 step %scan3A_83  : i32 {
      %rem3A_187 = arith.constant 6 : i32
      %rem3A_188 = arith.remsi %scan3A_186, %rem3A_187 : i32
      %ge3A_189 = arith.constant 3 : i32
      %ge3A_190 = arith.cmpi sge, %scan3A_186, %ge3A_189 : i32
      %convert_element_type3A_191 = arith.extui %ge3A_190 : i1 to i32
      %cond3A_192 = arith.constant 0 : i32
      %cond3A_193 = arith.cmpi ne, %convert_element_type3A_191, %cond3A_192 : i32
      scf.if %cond3A_193 {
        %sub3A = arith.constant 3 : i32
        %sub3A_253 = arith.subi %scan3A_186, %sub3A : i32
        %rem3A_254 = arith.constant 6 : i32
        %rem3A_255 = arith.remsi %sub3A_253, %rem3A_254 : i32
        %sub3A_256 = arith.constant 3 : i32
        %sub3A_257 = arith.subi %scan3A_186, %sub3A_256 : i32
        %dma_wait3A_258 = arith.constant 0 : i32
        %dma_wait3A_259 = arith.constant 0 : i32
        %dma_wait3A_260 = tpu.memref_slice %arg12[%rem3A_255, %dma_wait3A_258, %dma_wait3A_259] : memref<6x128x32xf32, #tpu.memory_space<vmem>> -> memref<1x128x32xf32, #tpu.memory_space<vmem>>
        %dma_wait3A_261 = tpu.memref_squeeze %dma_wait3A_260 : memref<1x128x32xf32, #tpu.memory_space<vmem>> -> memref<128x32xf32, #tpu.memory_space<vmem>>
        %dma_wait3A_262 = arith.constant 0 : i32
        %dma_wait3A_263 = tpu.memref_slice %arg11[%sub3A_257, %dma_wait3A_262] : memref<157x128xi32, #tpu.memory_space<vmem>> -> memref<1x128xi32, #tpu.memory_space<vmem>>
        %dma_wait3A_264 = tpu.memref_squeeze %dma_wait3A_263 : memref<1x128xi32, #tpu.memory_space<vmem>> -> memref<128xi32, #tpu.memory_space<vmem>>
        %dma_wait3A_265 = arith.constant 0 : i32
        %dma_wait3A_266 = arith.constant 0 : i32
        %dma_wait3A_267 = tpu.memref_slice %arg23[%dma_wait3A_265, %dma_wait3A_266] : memref<10240x32xf32, #tpu.memory_space<vmem_shared>> -> memref<10240x32xf32, #tpu.memory_space<vmem_shared>>
        tpu.wait_indirect_dma semaphore(%arg26 : memref<!tpu.dma_semaphore, #tpu.memory_space<semaphore_mem>>) src(%dma_wait3A_261 : memref<128x32xf32, #tpu.memory_space<vmem>>) dst(%dma_wait3A_267 : memref<10240x32xf32, #tpu.memory_space<vmem_shared>>)
      } else {
      }
      %lt3A_194 = arith.constant 154 : i32
      %lt3A_195 = arith.cmpi slt, %scan3A_186, %lt3A_194 : i32
      %convert_element_type3A_196 = arith.extui %lt3A_195 : i1 to i32
      %cond3A_197 = arith.constant 0 : i32
      %cond3A_198 = arith.cmpi ne, %convert_element_type3A_196, %cond3A_197 : i32
      scf.if %cond3A_198 {
        %add3A = arith.constant 3 : i32
        %add3A_253 = arith.addi %scan3A_186, %add3A : i32
        %mul3A_254 = arith.constant 128 : i32
        %mul3A_255 = arith.muli %add3A_253, %mul3A_254 : i32
        %add3A_256 = arith.constant 3 : i32
        %add3A_257 = arith.addi %scan3A_186, %add3A_256 : i32
        %rem3A_258 = arith.constant 6 : i32
        %rem3A_259 = arith.remsi %add3A_257, %rem3A_258 : i32
        %dma_start3A_260 = arith.constant 0 : i32
        %dma_start3A_261 = arith.constant 0 : i32
        %dma_start3A_262 = tpu.memref_slice %arg12[%rem3A_259, %dma_start3A_260, %dma_start3A_261] : memref<6x128x32xf32, #tpu.memory_space<vmem>> -> memref<1x128x32xf32, #tpu.memory_space<vmem>>
        %dma_start3A_263 = tpu.memref_squeeze %dma_start3A_262 : memref<1x128x32xf32, #tpu.memory_space<vmem>> -> memref<128x32xf32, #tpu.memory_space<vmem>>
        %dma_start3A_264 = tpu.memref_slice %arg10[%mul3A_255] : memref<20096xi32, #tpu.memory_space<vmem>> -> memref<128xi32, #tpu.memory_space<vmem>>
        %dma_start3A_265 = arith.constant 0 : i32
        %dma_start3A_266 = arith.constant 0 : i32
        %dma_start3A_267 = tpu.memref_slice %arg9[%dma_start3A_265, %dma_start3A_266] : memref<10240x32xf32, #tpu.memory_space<hbm>> -> memref<10240x32xf32, #tpu.memory_space<hbm>>
        tpu.enqueue_indirect_dma source(%dma_start3A_267 : memref<10240x32xf32, #tpu.memory_space<hbm>>) target(%dma_start3A_263 : memref<128x32xf32, #tpu.memory_space<vmem>>) offsets(%dma_start3A_264 : memref<128xi32, #tpu.memory_space<vmem>>) semaphore(%arg25 : memref<!tpu.dma_semaphore, #tpu.memory_space<semaphore_mem>>)
      } else {
      }
      %mul3A_199 = arith.constant 128 : i32
      %mul3A_200 = arith.muli %scan3A_186, %mul3A_199 : i32
      %dma_wait3A_201 = arith.constant 0 : i32
      %dma_wait3A_202 = arith.constant 0 : i32
      %dma_wait3A_203 = tpu.memref_slice %arg12[%rem3A_188, %dma_wait3A_201, %dma_wait3A_202] : memref<6x128x32xf32, #tpu.memory_space<vmem>> -> memref<1x128x32xf32, #tpu.memory_space<vmem>>
      %dma_wait3A_204 = tpu.memref_squeeze %dma_wait3A_203 : memref<1x128x32xf32, #tpu.memory_space<vmem>> -> memref<128x32xf32, #tpu.memory_space<vmem>>
      %dma_wait3A_205 = tpu.memref_slice %arg10[%mul3A_200] : memref<20096xi32, #tpu.memory_space<vmem>> -> memref<128xi32, #tpu.memory_space<vmem>>
      %dma_wait3A_206 = arith.constant 0 : i32
      %dma_wait3A_207 = arith.constant 0 : i32
      %dma_wait3A_208 = tpu.memref_slice %arg9[%dma_wait3A_206, %dma_wait3A_207] : memref<10240x32xf32, #tpu.memory_space<hbm>> -> memref<10240x32xf32, #tpu.memory_space<hbm>>
      tpu.wait_indirect_dma semaphore(%arg25 : memref<!tpu.dma_semaphore, #tpu.memory_space<semaphore_mem>>) src(%dma_wait3A_208 : memref<10240x32xf32, #tpu.memory_space<hbm>>) dst(%dma_wait3A_204 : memref<128x32xf32, #tpu.memory_space<vmem>>)
      %dma_start3A_209 = arith.constant 0 : i32
      %dma_start3A_210 = arith.constant 0 : i32
      %dma_start3A_211 = tpu.memref_slice %arg12[%rem3A_188, %dma_start3A_209, %dma_start3A_210] : memref<6x128x32xf32, #tpu.memory_space<vmem>> -> memref<1x128x32xf32, #tpu.memory_space<vmem>>
      %dma_start3A_212 = tpu.memref_squeeze %dma_start3A_211 : memref<1x128x32xf32, #tpu.memory_space<vmem>> -> memref<128x32xf32, #tpu.memory_space<vmem>>
      %dma_start3A_213 = arith.constant 0 : i32
      %dma_start3A_214 = tpu.memref_slice %arg11[%scan3A_186, %dma_start3A_213] : memref<157x128xi32, #tpu.memory_space<vmem>> -> memref<1x128xi32, #tpu.memory_space<vmem>>
      %dma_start3A_215 = tpu.memref_squeeze %dma_start3A_214 : memref<1x128xi32, #tpu.memory_space<vmem>> -> memref<128xi32, #tpu.memory_space<vmem>>
      %dma_start3A_216 = arith.constant 0 : i32
      %dma_start3A_217 = arith.constant 0 : i32
      %dma_start3A_218 = tpu.memref_slice %arg23[%dma_start3A_216, %dma_start3A_217] : memref<10240x32xf32, #tpu.memory_space<vmem_shared>> -> memref<10240x32xf32, #tpu.memory_space<vmem_shared>>
      tpu.enqueue_indirect_dma source(%dma_start3A_212 : memref<128x32xf32, #tpu.memory_space<vmem>>) target(%dma_start3A_218 : memref<10240x32xf32, #tpu.memory_space<vmem_shared>>) offsets(%dma_start3A_215 : memref<128xi32, #tpu.memory_space<vmem>>) semaphore(%arg26 : memref<!tpu.dma_semaphore, #tpu.memory_space<semaphore_mem>>) {add = true}
      %scan3A_219 = arith.constant 1 : i32
      %scan3A_220 = arith.addi %scan3A_186, %scan3A_219 : i32
      %rem3A_221 = arith.constant 6 : i32
      %rem3A_222 = arith.remsi %scan3A_220, %rem3A_221 : i32
      %ge3A_223 = arith.constant 3 : i32
      %ge3A_224 = arith.cmpi sge, %scan3A_220, %ge3A_223 : i32
      %convert_element_type3A_225 = arith.extui %ge3A_224 : i1 to i32
      %cond3A_226 = arith.constant 0 : i32
      %cond3A_227 = arith.cmpi ne, %convert_element_type3A_225, %cond3A_226 : i32
      scf.if %cond3A_227 {
        %sub3A = arith.constant 3 : i32
        %sub3A_253 = arith.subi %scan3A_220, %sub3A : i32
        %rem3A_254 = arith.constant 6 : i32
        %rem3A_255 = arith.remsi %sub3A_253, %rem3A_254 : i32
        %sub3A_256 = arith.constant 3 : i32
        %sub3A_257 = arith.subi %scan3A_220, %sub3A_256 : i32
        %dma_wait3A_258 = arith.constant 0 : i32
        %dma_wait3A_259 = arith.constant 0 : i32
        %dma_wait3A_260 = tpu.memref_slice %arg12[%rem3A_255, %dma_wait3A_258, %dma_wait3A_259] : memref<6x128x32xf32, #tpu.memory_space<vmem>> -> memref<1x128x32xf32, #tpu.memory_space<vmem>>
        %dma_wait3A_261 = tpu.memref_squeeze %dma_wait3A_260 : memref<1x128x32xf32, #tpu.memory_space<vmem>> -> memref<128x32xf32, #tpu.memory_space<vmem>>
        %dma_wait3A_262 = arith.constant 0 : i32
        %dma_wait3A_263 = tpu.memref_slice %arg11[%sub3A_257, %dma_wait3A_262] : memref<157x128xi32, #tpu.memory_space<vmem>> -> memref<1x128xi32, #tpu.memory_space<vmem>>
        %dma_wait3A_264 = tpu.memref_squeeze %dma_wait3A_263 : memref<1x128xi32, #tpu.memory_space<vmem>> -> memref<128xi32, #tpu.memory_space<vmem>>
        %dma_wait3A_265 = arith.constant 0 : i32
        %dma_wait3A_266 = arith.constant 0 : i32
        %dma_wait3A_267 = tpu.memref_slice %arg23[%dma_wait3A_265, %dma_wait3A_266] : memref<10240x32xf32, #tpu.memory_space<vmem_shared>> -> memref<10240x32xf32, #tpu.memory_space<vmem_shared>>
        tpu.wait_indirect_dma semaphore(%arg26 : memref<!tpu.dma_semaphore, #tpu.memory_space<semaphore_mem>>) src(%dma_wait3A_261 : memref<128x32xf32, #tpu.memory_space<vmem>>) dst(%dma_wait3A_267 : memref<10240x32xf32, #tpu.memory_space<vmem_shared>>)
      } else {
      }
      %lt3A_228 = arith.constant 154 : i32
      %lt3A_229 = arith.cmpi slt, %scan3A_220, %lt3A_228 : i32
      %convert_element_type3A_230 = arith.extui %lt3A_229 : i1 to i32
      %cond3A_231 = arith.constant 0 : i32
      %cond3A_232 = arith.cmpi ne, %convert_element_type3A_230, %cond3A_231 : i32
      scf.if %cond3A_232 {
        %add3A = arith.constant 3 : i32
        %add3A_253 = arith.addi %scan3A_220, %add3A : i32
        %mul3A_254 = arith.constant 128 : i32
        %mul3A_255 = arith.muli %add3A_253, %mul3A_254 : i32
        %add3A_256 = arith.constant 3 : i32
        %add3A_257 = arith.addi %scan3A_220, %add3A_256 : i32
        %rem3A_258 = arith.constant 6 : i32
        %rem3A_259 = arith.remsi %add3A_257, %rem3A_258 : i32
        %dma_start3A_260 = arith.constant 0 : i32
        %dma_start3A_261 = arith.constant 0 : i32
        %dma_start3A_262 = tpu.memref_slice %arg12[%rem3A_259, %dma_start3A_260, %dma_start3A_261] : memref<6x128x32xf32, #tpu.memory_space<vmem>> -> memref<1x128x32xf32, #tpu.memory_space<vmem>>
        %dma_start3A_263 = tpu.memref_squeeze %dma_start3A_262 : memref<1x128x32xf32, #tpu.memory_space<vmem>> -> memref<128x32xf32, #tpu.memory_space<vmem>>
        %dma_start3A_264 = tpu.memref_slice %arg10[%mul3A_255] : memref<20096xi32, #tpu.memory_space<vmem>> -> memref<128xi32, #tpu.memory_space<vmem>>
        %dma_start3A_265 = arith.constant 0 : i32
        %dma_start3A_266 = arith.constant 0 : i32
        %dma_start3A_267 = tpu.memref_slice %arg9[%dma_start3A_265, %dma_start3A_266] : memref<10240x32xf32, #tpu.memory_space<hbm>> -> memref<10240x32xf32, #tpu.memory_space<hbm>>
        tpu.enqueue_indirect_dma source(%dma_start3A_267 : memref<10240x32xf32, #tpu.memory_space<hbm>>) target(%dma_start3A_263 : memref<128x32xf32, #tpu.memory_space<vmem>>) offsets(%dma_start3A_264 : memref<128xi32, #tpu.memory_space<vmem>>) semaphore(%arg25 : memref<!tpu.dma_semaphore, #tpu.memory_space<semaphore_mem>>)
      } else {
      }
      %mul3A_233 = arith.constant 128 : i32
      %mul3A_234 = arith.muli %scan3A_220, %mul3A_233 : i32
      %dma_wait3A_235 = arith.constant 0 : i32
      %dma_wait3A_236 = arith.constant 0 : i32
      %dma_wait3A_237 = tpu.memref_slice %arg12[%rem3A_222, %dma_wait3A_235, %dma_wait3A_236] : memref<6x128x32xf32, #tpu.memory_space<vmem>> -> memref<1x128x32xf32, #tpu.memory_space<vmem>>
      %dma_wait3A_238 = tpu.memref_squeeze %dma_wait3A_237 : memref<1x128x32xf32, #tpu.memory_space<vmem>> -> memref<128x32xf32, #tpu.memory_space<vmem>>
      %dma_wait3A_239 = tpu.memref_slice %arg10[%mul3A_234] : memref<20096xi32, #tpu.memory_space<vmem>> -> memref<128xi32, #tpu.memory_space<vmem>>
      %dma_wait3A_240 = arith.constant 0 : i32
      %dma_wait3A_241 = arith.constant 0 : i32
      %dma_wait3A_242 = tpu.memref_slice %arg9[%dma_wait3A_240, %dma_wait3A_241] : memref<10240x32xf32, #tpu.memory_space<hbm>> -> memref<10240x32xf32, #tpu.memory_space<hbm>>
      tpu.wait_indirect_dma semaphore(%arg25 : memref<!tpu.dma_semaphore, #tpu.memory_space<semaphore_mem>>) src(%dma_wait3A_242 : memref<10240x32xf32, #tpu.memory_space<hbm>>) dst(%dma_wait3A_238 : memref<128x32xf32, #tpu.memory_space<vmem>>)
      %dma_start3A_243 = arith.constant 0 : i32
      %dma_start3A_244 = arith.constant 0 : i32
      %dma_start3A_245 = tpu.memref_slice %arg12[%rem3A_222, %dma_start3A_243, %dma_start3A_244] : memref<6x128x32xf32, #tpu.memory_space<vmem>> -> memref<1x128x32xf32, #tpu.memory_space<vmem>>
      %dma_start3A_246 = tpu.memref_squeeze %dma_start3A_245 : memref<1x128x32xf32, #tpu.memory_space<vmem>> -> memref<128x32xf32, #tpu.memory_space<vmem>>
      %dma_start3A_247 = arith.constant 0 : i32
      %dma_start3A_248 = tpu.memref_slice %arg11[%scan3A_220, %dma_start3A_247] : memref<157x128xi32, #tpu.memory_space<vmem>> -> memref<1x128xi32, #tpu.memory_space<vmem>>
      %dma_start3A_249 = tpu.memref_squeeze %dma_start3A_248 : memref<1x128xi32, #tpu.memory_space<vmem>> -> memref<128xi32, #tpu.memory_space<vmem>>
      %dma_start3A_250 = arith.constant 0 : i32
      %dma_start3A_251 = arith.constant 0 : i32
      %dma_start3A_252 = tpu.memref_slice %arg23[%dma_start3A_250, %dma_start3A_251] : memref<10240x32xf32, #tpu.memory_space<vmem_shared>> -> memref<10240x32xf32, #tpu.memory_space<vmem_shared>>
      tpu.enqueue_indirect_dma source(%dma_start3A_246 : memref<128x32xf32, #tpu.memory_space<vmem>>) target(%dma_start3A_252 : memref<10240x32xf32, #tpu.memory_space<vmem_shared>>) offsets(%dma_start3A_249 : memref<128xi32, #tpu.memory_space<vmem>>) semaphore(%arg26 : memref<!tpu.dma_semaphore, #tpu.memory_space<semaphore_mem>>) {add = true}
    }
    %scan3A_84 = arith.constant 156 : i32
    %scan3A_85 = arith.addi %scan3A_80, %scan3A_84 : i32
    %rem3A = arith.constant 6 : i32
    %rem3A_86 = arith.remsi %scan3A_85, %rem3A : i32
    %ge3A = arith.constant 3 : i32
    %ge3A_87 = arith.cmpi sge, %scan3A_85, %ge3A : i32
    %convert_element_type3A = arith.extui %ge3A_87 : i1 to i32
    %cond3A = arith.constant 0 : i32
    %cond3A_88 = arith.cmpi ne, %convert_element_type3A, %cond3A : i32
    scf.if %cond3A_88 {
      %sub3A = arith.constant 3 : i32
      %sub3A_186 = arith.subi %scan3A_85, %sub3A : i32
      %rem3A_187 = arith.constant 6 : i32
      %rem3A_188 = arith.remsi %sub3A_186, %rem3A_187 : i32
      %sub3A_189 = arith.constant 3 : i32
      %sub3A_190 = arith.subi %scan3A_85, %sub3A_189 : i32
      %dma_wait3A_191 = arith.constant 0 : i32
      %dma_wait3A_192 = arith.constant 0 : i32
      %dma_wait3A_193 = tpu.memref_slice %arg12[%rem3A_188, %dma_wait3A_191, %dma_wait3A_192] : memref<6x128x32xf32, #tpu.memory_space<vmem>> -> memref<1x128x32xf32, #tpu.memory_space<vmem>>
      %dma_wait3A_194 = tpu.memref_squeeze %dma_wait3A_193 : memref<1x128x32xf32, #tpu.memory_space<vmem>> -> memref<128x32xf32, #tpu.memory_space<vmem>>
      %dma_wait3A_195 = arith.constant 0 : i32
      %dma_wait3A_196 = tpu.memref_slice %arg11[%sub3A_190, %dma_wait3A_195] : memref<157x128xi32, #tpu.memory_space<vmem>> -> memref<1x128xi32, #tpu.memory_space<vmem>>
      %dma_wait3A_197 = tpu.memref_squeeze %dma_wait3A_196 : memref<1x128xi32, #tpu.memory_space<vmem>> -> memref<128xi32, #tpu.memory_space<vmem>>
      %dma_wait3A_198 = arith.constant 0 : i32
      %dma_wait3A_199 = arith.constant 0 : i32
      %dma_wait3A_200 = tpu.memref_slice %arg23[%dma_wait3A_198, %dma_wait3A_199] : memref<10240x32xf32, #tpu.memory_space<vmem_shared>> -> memref<10240x32xf32, #tpu.memory_space<vmem_shared>>
      tpu.wait_indirect_dma semaphore(%arg26 : memref<!tpu.dma_semaphore, #tpu.memory_space<semaphore_mem>>) src(%dma_wait3A_194 : memref<128x32xf32, #tpu.memory_space<vmem>>) dst(%dma_wait3A_200 : memref<10240x32xf32, #tpu.memory_space<vmem_shared>>)
    } else {
    }
    %lt3A = arith.constant 154 : i32
    %lt3A_89 = arith.cmpi slt, %scan3A_85, %lt3A : i32
    %convert_element_type3A_90 = arith.extui %lt3A_89 : i1 to i32
    %cond3A_91 = arith.constant 0 : i32
    %cond3A_92 = arith.cmpi ne, %convert_element_type3A_90, %cond3A_91 : i32
    scf.if %cond3A_92 {
      %add3A = arith.constant 3 : i32
      %add3A_186 = arith.addi %scan3A_85, %add3A : i32
      %mul3A_187 = arith.constant 128 : i32
      %mul3A_188 = arith.muli %add3A_186, %mul3A_187 : i32
      %add3A_189 = arith.constant 3 : i32
      %add3A_190 = arith.addi %scan3A_85, %add3A_189 : i32
      %rem3A_191 = arith.constant 6 : i32
      %rem3A_192 = arith.remsi %add3A_190, %rem3A_191 : i32
      %dma_start3A_193 = arith.constant 0 : i32
      %dma_start3A_194 = arith.constant 0 : i32
      %dma_start3A_195 = tpu.memref_slice %arg12[%rem3A_192, %dma_start3A_193, %dma_start3A_194] : memref<6x128x32xf32, #tpu.memory_space<vmem>> -> memref<1x128x32xf32, #tpu.memory_space<vmem>>
      %dma_start3A_196 = tpu.memref_squeeze %dma_start3A_195 : memref<1x128x32xf32, #tpu.memory_space<vmem>> -> memref<128x32xf32, #tpu.memory_space<vmem>>
      %dma_start3A_197 = tpu.memref_slice %arg10[%mul3A_188] : memref<20096xi32, #tpu.memory_space<vmem>> -> memref<128xi32, #tpu.memory_space<vmem>>
      %dma_start3A_198 = arith.constant 0 : i32
      %dma_start3A_199 = arith.constant 0 : i32
      %dma_start3A_200 = tpu.memref_slice %arg9[%dma_start3A_198, %dma_start3A_199] : memref<10240x32xf32, #tpu.memory_space<hbm>> -> memref<10240x32xf32, #tpu.memory_space<hbm>>
      tpu.enqueue_indirect_dma source(%dma_start3A_200 : memref<10240x32xf32, #tpu.memory_space<hbm>>) target(%dma_start3A_196 : memref<128x32xf32, #tpu.memory_space<vmem>>) offsets(%dma_start3A_197 : memref<128xi32, #tpu.memory_space<vmem>>) semaphore(%arg25 : memref<!tpu.dma_semaphore, #tpu.memory_space<semaphore_mem>>)
    } else {
    }
    %mul3A_93 = arith.constant 128 : i32
    %mul3A_94 = arith.muli %scan3A_85, %mul3A_93 : i32
    %dma_wait3A_95 = arith.constant 0 : i32
    %dma_wait3A_96 = arith.constant 0 : i32
    %dma_wait3A_97 = tpu.memref_slice %arg12[%rem3A_86, %dma_wait3A_95, %dma_wait3A_96] : memref<6x128x32xf32, #tpu.memory_space<vmem>> -> memref<1x128x32xf32, #tpu.memory_space<vmem>>
    %dma_wait3A_98 = tpu.memref_squeeze %dma_wait3A_97 : memref<1x128x32xf32, #tpu.memory_space<vmem>> -> memref<128x32xf32, #tpu.memory_space<vmem>>
    %dma_wait3A_99 = tpu.memref_slice %arg10[%mul3A_94] : memref<20096xi32, #tpu.memory_space<vmem>> -> memref<128xi32, #tpu.memory_space<vmem>>
    %dma_wait3A_100 = arith.constant 0 : i32
    %dma_wait3A_101 = arith.constant 0 : i32
    %dma_wait3A_102 = tpu.memref_slice %arg9[%dma_wait3A_100, %dma_wait3A_101] : memref<10240x32xf32, #tpu.memory_space<hbm>> -> memref<10240x32xf32, #tpu.memory_space<hbm>>
    tpu.wait_indirect_dma semaphore(%arg25 : memref<!tpu.dma_semaphore, #tpu.memory_space<semaphore_mem>>) src(%dma_wait3A_102 : memref<10240x32xf32, #tpu.memory_space<hbm>>) dst(%dma_wait3A_98 : memref<128x32xf32, #tpu.memory_space<vmem>>)
    %dma_start3A_103 = arith.constant 0 : i32
    %dma_start3A_104 = arith.constant 0 : i32
    %dma_start3A_105 = tpu.memref_slice %arg12[%rem3A_86, %dma_start3A_103, %dma_start3A_104] : memref<6x128x32xf32, #tpu.memory_space<vmem>> -> memref<1x128x32xf32, #tpu.memory_space<vmem>>
    %dma_start3A_106 = tpu.memref_squeeze %dma_start3A_105 : memref<1x128x32xf32, #tpu.memory_space<vmem>> -> memref<128x32xf32, #tpu.memory_space<vmem>>
    %dma_start3A_107 = arith.constant 0 : i32
    %dma_start3A_108 = tpu.memref_slice %arg11[%scan3A_85, %dma_start3A_107] : memref<157x128xi32, #tpu.memory_space<vmem>> -> memref<1x128xi32, #tpu.memory_space<vmem>>
    %dma_start3A_109 = tpu.memref_squeeze %dma_start3A_108 : memref<1x128xi32, #tpu.memory_space<vmem>> -> memref<128xi32, #tpu.memory_space<vmem>>
    %dma_start3A_110 = arith.constant 0 : i32
    %dma_start3A_111 = arith.constant 0 : i32
    %dma_start3A_112 = tpu.memref_slice %arg23[%dma_start3A_110, %dma_start3A_111] : memref<10240x32xf32, #tpu.memory_space<vmem_shared>> -> memref<10240x32xf32, #tpu.memory_space<vmem_shared>>
    tpu.enqueue_indirect_dma source(%dma_start3A_106 : memref<128x32xf32, #tpu.memory_space<vmem>>) target(%dma_start3A_112 : memref<10240x32xf32, #tpu.memory_space<vmem_shared>>) offsets(%dma_start3A_109 : memref<128xi32, #tpu.memory_space<vmem>>) semaphore(%arg26 : memref<!tpu.dma_semaphore, #tpu.memory_space<semaphore_mem>>) {add = true}
    %scan3A_113 = arith.constant 157 : i32
    %dma_wait3A_114 = arith.constant 4 : i32
    %dma_wait3A_115 = arith.constant 154 : i32
    %dma_wait3A_116 = arith.constant 0 : i32
    %dma_wait3A_117 = arith.constant 0 : i32
    %dma_wait3A_118 = tpu.memref_slice %arg12[%dma_wait3A_114, %dma_wait3A_116, %dma_wait3A_117] : memref<6x128x32xf32, #tpu.memory_space<vmem>> -> memref<1x128x32xf32, #tpu.memory_space<vmem>>
    %dma_wait3A_119 = tpu.memref_squeeze %dma_wait3A_118 : memref<1x128x32xf32, #tpu.memory_space<vmem>> -> memref<128x32xf32, #tpu.memory_space<vmem>>
    %dma_wait3A_120 = arith.constant 0 : i32
    %dma_wait3A_121 = tpu.memref_slice %arg11[%dma_wait3A_115, %dma_wait3A_120] : memref<157x128xi32, #tpu.memory_space<vmem>> -> memref<1x128xi32, #tpu.memory_space<vmem>>
    %dma_wait3A_122 = tpu.memref_squeeze %dma_wait3A_121 : memref<1x128xi32, #tpu.memory_space<vmem>> -> memref<128xi32, #tpu.memory_space<vmem>>
    %dma_wait3A_123 = arith.constant 0 : i32
    %dma_wait3A_124 = arith.constant 0 : i32
    %dma_wait3A_125 = tpu.memref_slice %arg23[%dma_wait3A_123, %dma_wait3A_124] : memref<10240x32xf32, #tpu.memory_space<vmem_shared>> -> memref<10240x32xf32, #tpu.memory_space<vmem_shared>>
    tpu.wait_indirect_dma semaphore(%arg26 : memref<!tpu.dma_semaphore, #tpu.memory_space<semaphore_mem>>) src(%dma_wait3A_119 : memref<128x32xf32, #tpu.memory_space<vmem>>) dst(%dma_wait3A_125 : memref<10240x32xf32, #tpu.memory_space<vmem_shared>>)
    %dma_wait3A_126 = arith.constant 5 : i32
    %dma_wait3A_127 = arith.constant 155 : i32
    %dma_wait3A_128 = arith.constant 0 : i32
    %dma_wait3A_129 = arith.constant 0 : i32
    %dma_wait3A_130 = tpu.memref_slice %arg12[%dma_wait3A_126, %dma_wait3A_128, %dma_wait3A_129] : memref<6x128x32xf32, #tpu.memory_space<vmem>> -> memref<1x128x32xf32, #tpu.memory_space<vmem>>
    %dma_wait3A_131 = tpu.memref_squeeze %dma_wait3A_130 : memref<1x128x32xf32, #tpu.memory_space<vmem>> -> memref<128x32xf32, #tpu.memory_space<vmem>>
    %dma_wait3A_132 = arith.constant 0 : i32
    %dma_wait3A_133 = tpu.memref_slice %arg11[%dma_wait3A_127, %dma_wait3A_132] : memref<157x128xi32, #tpu.memory_space<vmem>> -> memref<1x128xi32, #tpu.memory_space<vmem>>
    %dma_wait3A_134 = tpu.memref_squeeze %dma_wait3A_133 : memref<1x128xi32, #tpu.memory_space<vmem>> -> memref<128xi32, #tpu.memory_space<vmem>>
    %dma_wait3A_135 = arith.constant 0 : i32
    %dma_wait3A_136 = arith.constant 0 : i32
    %dma_wait3A_137 = tpu.memref_slice %arg23[%dma_wait3A_135, %dma_wait3A_136] : memref<10240x32xf32, #tpu.memory_space<vmem_shared>> -> memref<10240x32xf32, #tpu.memory_space<vmem_shared>>
    tpu.wait_indirect_dma semaphore(%arg26 : memref<!tpu.dma_semaphore, #tpu.memory_space<semaphore_mem>>) src(%dma_wait3A_131 : memref<128x32xf32, #tpu.memory_space<vmem>>) dst(%dma_wait3A_137 : memref<10240x32xf32, #tpu.memory_space<vmem_shared>>)
    %dma_wait3A_138 = arith.constant 0 : i32
    %dma_wait3A_139 = arith.constant 156 : i32
    %dma_wait3A_140 = arith.constant 0 : i32
    %dma_wait3A_141 = arith.constant 0 : i32
    %dma_wait3A_142 = tpu.memref_slice %arg12[%dma_wait3A_138, %dma_wait3A_140, %dma_wait3A_141] : memref<6x128x32xf32, #tpu.memory_space<vmem>> -> memref<1x128x32xf32, #tpu.memory_space<vmem>>
    %dma_wait3A_143 = tpu.memref_squeeze %dma_wait3A_142 : memref<1x128x32xf32, #tpu.memory_space<vmem>> -> memref<128x32xf32, #tpu.memory_space<vmem>>
    %dma_wait3A_144 = arith.constant 0 : i32
    %dma_wait3A_145 = tpu.memref_slice %arg11[%dma_wait3A_139, %dma_wait3A_144] : memref<157x128xi32, #tpu.memory_space<vmem>> -> memref<1x128xi32, #tpu.memory_space<vmem>>
    %dma_wait3A_146 = tpu.memref_squeeze %dma_wait3A_145 : memref<1x128xi32, #tpu.memory_space<vmem>> -> memref<128xi32, #tpu.memory_space<vmem>>
    %dma_wait3A_147 = arith.constant 0 : i32
    %dma_wait3A_148 = arith.constant 0 : i32
    %dma_wait3A_149 = tpu.memref_slice %arg23[%dma_wait3A_147, %dma_wait3A_148] : memref<10240x32xf32, #tpu.memory_space<vmem_shared>> -> memref<10240x32xf32, #tpu.memory_space<vmem_shared>>
    tpu.wait_indirect_dma semaphore(%arg26 : memref<!tpu.dma_semaphore, #tpu.memory_space<semaphore_mem>>) src(%dma_wait3A_143 : memref<128x32xf32, #tpu.memory_space<vmem>>) dst(%dma_wait3A_149 : memref<10240x32xf32, #tpu.memory_space<vmem_shared>>)
    %barrier3A_150 = arith.constant 0 : index
    tpu.barrier barrier_id(%barrier3A_150)
    "tpu.region"() ({
      %run_scoped3A = tpu.sem_alloc : memref<!tpu.dma_semaphore, #tpu.memory_space<semaphore_mem>>
      %dma_start3A_186 = arith.constant 0 : i32
      %dma_start3A_187 = tpu.memref_slice %arg23[%mul3A_0, %dma_start3A_186] : memref<10240x32xf32, #tpu.memory_space<vmem_shared>> -> memref<640x32xf32, #tpu.memory_space<vmem_shared>>
      %dma_start3A_188 = arith.constant 0 : i32
      %dma_start3A_189 = tpu.memref_slice %arg23[%mul3A_0, %dma_start3A_188] : memref<10240x32xf32, #tpu.memory_space<vmem_shared>> -> memref<640x32xf32, #tpu.memory_space<vmem_shared>>
      tpu.enqueue_dma source(%dma_start3A_189 : memref<640x32xf32, #tpu.memory_space<vmem_shared>>) target(%arg13 : memref<640x32xf32, #tpu.memory_space<vmem>>) target_semaphore(%run_scoped3A : memref<!tpu.dma_semaphore, #tpu.memory_space<semaphore_mem>>)
      %dma_wait3A_190 = arith.constant 0 : i32
      %dma_wait3A_191 = tpu.memref_slice %arg23[%mul3A_0, %dma_wait3A_190] : memref<10240x32xf32, #tpu.memory_space<vmem_shared>> -> memref<640x32xf32, #tpu.memory_space<vmem_shared>>
      %dma_wait3A_192 = arith.constant 0 : i32
      %dma_wait3A_193 = tpu.memref_slice %arg23[%mul3A_0, %dma_wait3A_192] : memref<10240x32xf32, #tpu.memory_space<vmem_shared>> -> memref<640x32xf32, #tpu.memory_space<vmem_shared>>
      tpu.wait_dma2 semaphore(%run_scoped3A : memref<!tpu.dma_semaphore, #tpu.memory_space<semaphore_mem>>) src(%dma_wait3A_193 : memref<640x32xf32, #tpu.memory_space<vmem_shared>>) dst(%arg13 : memref<640x32xf32, #tpu.memory_space<vmem>>)
      tpu.yield
    }) : () -> ()
    %get3A = arith.constant 0 : index
    %get3A_151 = tpu.vector_load %arg19[%get3A] {strides = array<i32>} : memref<32xf32, #tpu.memory_space<vmem>>, vector<16xf32>,
    %get3A_152 = arith.constant 16 : index
    %get3A_153 = tpu.vector_load %arg19[%get3A_152] {strides = array<i32>} : memref<32xf32, #tpu.memory_space<vmem>>, vector<16xf32>,
    %get3A_154 = arith.constant 0 : index
    %get3A_155 = tpu.vector_load %arg20[%get3A_154] {strides = array<i32>} : memref<32xf32, #tpu.memory_space<vmem>>, vector<16xf32>,
    %get3A_156 = arith.constant 16 : index
    %get3A_157 = tpu.vector_load %arg20[%get3A_156] {strides = array<i32>} : memref<32xf32, #tpu.memory_space<vmem>>, vector<16xf32>,
    %scan3A_158 = arith.constant 0 : i32
    %scan3A_159 = arith.constant 0 : i32
    %scan3A_160 = arith.constant 40 : i32
    %scan3A_161 = arith.addi %scan3A_159, %scan3A_160 : i32
    %scan3A_162 = arith.constant 1 : i32
    scf.for %scan3A_186 = %scan3A_159 to %scan3A_161 step %scan3A_162  : i32 {
      %get3A_187 = arith.index_cast %scan3A_186 : i32 to index
      %get3A_188 = arith.constant 0 : index
      %get3A_189 = tpu.vector_load %arg14[%get3A_187, %get3A_188] {strides = array<i32>} : memref<40x16xf32, #tpu.memory_space<vmem>>, vector<16xf32>,
      %mul3A_190 = arith.constant 16 : i32
      %mul3A_191 = arith.muli %scan3A_186, %mul3A_190 : i32
      %add3A = arith.constant 0 : i32
      %add3A_192 = arith.addi %mul3A_191, %add3A : i32
      %slice3A = vector.extract_strided_slice %get3A_189 {offsets = [0], sizes = [1], strides = [1]} : vector<16xf32> to vector<1xf32>
      %squeeze3A = vector.extract %slice3A[0] : f32 from vector<1xf32>
      %broadcast_in_dim3A_193 = vector.broadcast %squeeze3A : f32 to vector<16xf32>
      %get3A_194 = arith.index_cast %add3A_192 : i32 to index
      %get3A_195 = arith.constant 0 : index
      %get3A_196 = tpu.vector_load %arg13[%get3A_194, %get3A_195] {strides = array<i32>} : memref<640x32xf32, #tpu.memory_space<vmem>>, vector<16xf32>,
      %mul3A_197 = arith.mulf %get3A_196, %broadcast_in_dim3A_193 : vector<16xf32>
      %add3A_198 = arith.addf %mul3A_197, %get3A_151 : vector<16xf32>
      %max3A = arith.maximumf %add3A_198, %broadcast_in_dim3A_5 : vector<16xf32>
      %get3A_199 = arith.index_cast %add3A_192 : i32 to index
      %get3A_200 = arith.constant 16 : index
      %get3A_201 = tpu.vector_load %arg13[%get3A_199, %get3A_200] {strides = array<i32>} : memref<640x32xf32, #tpu.memory_space<vmem>>, vector<16xf32>,
      %mul3A_202 = arith.mulf %get3A_201, %broadcast_in_dim3A_193 : vector<16xf32>
      %add3A_203 = arith.addf %mul3A_202, %get3A_153 : vector<16xf32>
      %max3A_204 = arith.maximumf %add3A_203, %broadcast_in_dim3A_5 : vector<16xf32>
      %mul3A_205 = arith.mulf %max3A, %get3A_155 : vector<16xf32>
      %mul3A_206 = arith.mulf %max3A_204, %get3A_157 : vector<16xf32>
      %add3A_207 = arith.addf %mul3A_205, %mul3A_206 : vector<16xf32>
      %reduce_sum3A = arith.constant true
      %reduce_sum3A_208 = vector.broadcast %reduce_sum3A : i1 to vector<16xi1>
      %reduce_sum3A_209 = tpu.scan <sum>, %add3A_207 masked %reduce_sum3A_208 : vector<16xf32>, vector<16xi1> -> vector<16xf32>
      %reduce_sum3A_210 = vector.extract %reduce_sum3A_209[15] : f32 from vector<16xf32>
      %eq3A = arith.constant 0 : i32
      %eq3A_211 = vector.broadcast %eq3A : i32 to vector<16xi32>
      %eq3A_212 = arith.cmpi eq, %iota3A, %eq3A_211 : vector<16xi32>
      %broadcast_in_dim3A_213 = vector.broadcast %reduce_sum3A_210 : f32 to vector<16xf32>
      %select_n3A = arith.select %eq3A_212, %broadcast_in_dim3A_213, %broadcast_in_dim3A_5 : vector<16xi1>, vector<16xf32>
      %mul3A_214 = arith.constant 16 : i32
      %mul3A_215 = arith.muli %scan3A_186, %mul3A_214 : i32
      %add3A_216 = arith.constant 1 : i32
      %add3A_217 = arith.addi %mul3A_215, %add3A_216 : i32
      %slice3A_218 = vector.extract_strided_slice %get3A_189 {offsets = [1], sizes = [1], strides = [1]} : vector<16xf32> to vector<1xf32>
      %squeeze3A_219 = vector.extract %slice3A_218[0] : f32 from vector<1xf32>
      %broadcast_in_dim3A_220 = vector.broadcast %squeeze3A_219 : f32 to vector<16xf32>
      %get3A_221 = arith.index_cast %add3A_217 : i32 to index
      %get3A_222 = arith.constant 0 : index
      %get3A_223 = tpu.vector_load %arg13[%get3A_221, %get3A_222] {strides = array<i32>} : memref<640x32xf32, #tpu.memory_space<vmem>>, vector<16xf32>,
      %mul3A_224 = arith.mulf %get3A_223, %broadcast_in_dim3A_220 : vector<16xf32>
      %add3A_225 = arith.addf %mul3A_224, %get3A_151 : vector<16xf32>
      %max3A_226 = arith.maximumf %add3A_225, %broadcast_in_dim3A_5 : vector<16xf32>
      %get3A_227 = arith.index_cast %add3A_217 : i32 to index
      %get3A_228 = arith.constant 16 : index
      %get3A_229 = tpu.vector_load %arg13[%get3A_227, %get3A_228] {strides = array<i32>} : memref<640x32xf32, #tpu.memory_space<vmem>>, vector<16xf32>,
      %mul3A_230 = arith.mulf %get3A_229, %broadcast_in_dim3A_220 : vector<16xf32>
      %add3A_231 = arith.addf %mul3A_230, %get3A_153 : vector<16xf32>
      %max3A_232 = arith.maximumf %add3A_231, %broadcast_in_dim3A_5 : vector<16xf32>
      %mul3A_233 = arith.mulf %max3A_226, %get3A_155 : vector<16xf32>
      %mul3A_234 = arith.mulf %max3A_232, %get3A_157 : vector<16xf32>
      %add3A_235 = arith.addf %mul3A_233, %mul3A_234 : vector<16xf32>
      %reduce_sum3A_236 = arith.constant true
      %reduce_sum3A_237 = vector.broadcast %reduce_sum3A_236 : i1 to vector<16xi1>
      %reduce_sum3A_238 = tpu.scan <sum>, %add3A_235 masked %reduce_sum3A_237 : vector<16xf32>, vector<16xi1> -> vector<16xf32>
      %reduce_sum3A_239 = vector.extract %reduce_sum3A_238[15] : f32 from vector<16xf32>
      %eq3A_240 = arith.constant 1 : i32
      %eq3A_241 = vector.broadcast %eq3A_240 : i32 to vector<16xi32>
      %eq3A_242 = arith.cmpi eq, %iota3A, %eq3A_241 : vector<16xi32>
      %broadcast_in_dim3A_243 = vector.broadcast %reduce_sum3A_239 : f32 to vector<16xf32>
      %select_n3A_244 = arith.select %eq3A_242, %broadcast_in_dim3A_243, %select_n3A : vector<16xi1>, vector<16xf32>
      %mul3A_245 = arith.constant 16 : i32
      %mul3A_246 = arith.muli %scan3A_186, %mul3A_245 : i32
      %add3A_247 = arith.constant 2 : i32
      %add3A_248 = arith.addi %mul3A_246, %add3A_247 : i32
      %slice3A_249 = vector.extract_strided_slice %get3A_189 {offsets = [2], sizes = [1], strides = [1]} : vector<16xf32> to vector<1xf32>
      %squeeze3A_250 = vector.extract %slice3A_249[0] : f32 from vector<1xf32>
      %broadcast_in_dim3A_251 = vector.broadcast %squeeze3A_250 : f32 to vector<16xf32>
      %get3A_252 = arith.index_cast %add3A_248 : i32 to index
      %get3A_253 = arith.constant 0 : index
      %get3A_254 = tpu.vector_load %arg13[%get3A_252, %get3A_253] {strides = array<i32>} : memref<640x32xf32, #tpu.memory_space<vmem>>, vector<16xf32>,
      %mul3A_255 = arith.mulf %get3A_254, %broadcast_in_dim3A_251 : vector<16xf32>
      %add3A_256 = arith.addf %mul3A_255, %get3A_151 : vector<16xf32>
      %max3A_257 = arith.maximumf %add3A_256, %broadcast_in_dim3A_5 : vector<16xf32>
      %get3A_258 = arith.index_cast %add3A_248 : i32 to index
      %get3A_259 = arith.constant 16 : index
      %get3A_260 = tpu.vector_load %arg13[%get3A_258, %get3A_259] {strides = array<i32>} : memref<640x32xf32, #tpu.memory_space<vmem>>, vector<16xf32>,
      %mul3A_261 = arith.mulf %get3A_260, %broadcast_in_dim3A_251 : vector<16xf32>
      %add3A_262 = arith.addf %mul3A_261, %get3A_153 : vector<16xf32>
      %max3A_263 = arith.maximumf %add3A_262, %broadcast_in_dim3A_5 : vector<16xf32>
      %mul3A_264 = arith.mulf %max3A_257, %get3A_155 : vector<16xf32>
      %mul3A_265 = arith.mulf %max3A_263, %get3A_157 : vector<16xf32>
      %add3A_266 = arith.addf %mul3A_264, %mul3A_265 : vector<16xf32>
      %reduce_sum3A_267 = arith.constant true
      %reduce_sum3A_268 = vector.broadcast %reduce_sum3A_267 : i1 to vector<16xi1>
      %reduce_sum3A_269 = tpu.scan <sum>, %add3A_266 masked %reduce_sum3A_268 : vector<16xf32>, vector<16xi1> -> vector<16xf32>
      %reduce_sum3A_270 = vector.extract %reduce_sum3A_269[15] : f32 from vector<16xf32>
      %eq3A_271 = arith.constant 2 : i32
      %eq3A_272 = vector.broadcast %eq3A_271 : i32 to vector<16xi32>
      %eq3A_273 = arith.cmpi eq, %iota3A, %eq3A_272 : vector<16xi32>
      %broadcast_in_dim3A_274 = vector.broadcast %reduce_sum3A_270 : f32 to vector<16xf32>
      %select_n3A_275 = arith.select %eq3A_273, %broadcast_in_dim3A_274, %select_n3A_244 : vector<16xi1>, vector<16xf32>
      %mul3A_276 = arith.constant 16 : i32
      %mul3A_277 = arith.muli %scan3A_186, %mul3A_276 : i32
      %add3A_278 = arith.constant 3 : i32
      %add3A_279 = arith.addi %mul3A_277, %add3A_278 : i32
      %slice3A_280 = vector.extract_strided_slice %get3A_189 {offsets = [3], sizes = [1], strides = [1]} : vector<16xf32> to vector<1xf32>
      %squeeze3A_281 = vector.extract %slice3A_280[0] : f32 from vector<1xf32>
      %broadcast_in_dim3A_282 = vector.broadcast %squeeze3A_281 : f32 to vector<16xf32>
      %get3A_283 = arith.index_cast %add3A_279 : i32 to index
      %get3A_284 = arith.constant 0 : index
      %get3A_285 = tpu.vector_load %arg13[%get3A_283, %get3A_284] {strides = array<i32>} : memref<640x32xf32, #tpu.memory_space<vmem>>, vector<16xf32>,
      %mul3A_286 = arith.mulf %get3A_285, %broadcast_in_dim3A_282 : vector<16xf32>
      %add3A_287 = arith.addf %mul3A_286, %get3A_151 : vector<16xf32>
      %max3A_288 = arith.maximumf %add3A_287, %broadcast_in_dim3A_5 : vector<16xf32>
      %get3A_289 = arith.index_cast %add3A_279 : i32 to index
      %get3A_290 = arith.constant 16 : index
      %get3A_291 = tpu.vector_load %arg13[%get3A_289, %get3A_290] {strides = array<i32>} : memref<640x32xf32, #tpu.memory_space<vmem>>, vector<16xf32>,
      %mul3A_292 = arith.mulf %get3A_291, %broadcast_in_dim3A_282 : vector<16xf32>
      %add3A_293 = arith.addf %mul3A_292, %get3A_153 : vector<16xf32>
      %max3A_294 = arith.maximumf %add3A_293, %broadcast_in_dim3A_5 : vector<16xf32>
      %mul3A_295 = arith.mulf %max3A_288, %get3A_155 : vector<16xf32>
      %mul3A_296 = arith.mulf %max3A_294, %get3A_157 : vector<16xf32>
      %add3A_297 = arith.addf %mul3A_295, %mul3A_296 : vector<16xf32>
      %reduce_sum3A_298 = arith.constant true
      %reduce_sum3A_299 = vector.broadcast %reduce_sum3A_298 : i1 to vector<16xi1>
      %reduce_sum3A_300 = tpu.scan <sum>, %add3A_297 masked %reduce_sum3A_299 : vector<16xf32>, vector<16xi1> -> vector<16xf32>
      %reduce_sum3A_301 = vector.extract %reduce_sum3A_300[15] : f32 from vector<16xf32>
      %eq3A_302 = arith.constant 3 : i32
      %eq3A_303 = vector.broadcast %eq3A_302 : i32 to vector<16xi32>
      %eq3A_304 = arith.cmpi eq, %iota3A, %eq3A_303 : vector<16xi32>
      %broadcast_in_dim3A_305 = vector.broadcast %reduce_sum3A_301 : f32 to vector<16xf32>
      %select_n3A_306 = arith.select %eq3A_304, %broadcast_in_dim3A_305, %select_n3A_275 : vector<16xi1>, vector<16xf32>
      %mul3A_307 = arith.constant 16 : i32
      %mul3A_308 = arith.muli %scan3A_186, %mul3A_307 : i32
      %add3A_309 = arith.constant 4 : i32
      %add3A_310 = arith.addi %mul3A_308, %add3A_309 : i32
      %slice3A_311 = vector.extract_strided_slice %get3A_189 {offsets = [4], sizes = [1], strides = [1]} : vector<16xf32> to vector<1xf32>
      %squeeze3A_312 = vector.extract %slice3A_311[0] : f32 from vector<1xf32>
      %broadcast_in_dim3A_313 = vector.broadcast %squeeze3A_312 : f32 to vector<16xf32>
      %get3A_314 = arith.index_cast %add3A_310 : i32 to index
      %get3A_315 = arith.constant 0 : index
      %get3A_316 = tpu.vector_load %arg13[%get3A_314, %get3A_315] {strides = array<i32>} : memref<640x32xf32, #tpu.memory_space<vmem>>, vector<16xf32>,
      %mul3A_317 = arith.mulf %get3A_316, %broadcast_in_dim3A_313 : vector<16xf32>
      %add3A_318 = arith.addf %mul3A_317, %get3A_151 : vector<16xf32>
      %max3A_319 = arith.maximumf %add3A_318, %broadcast_in_dim3A_5 : vector<16xf32>
      %get3A_320 = arith.index_cast %add3A_310 : i32 to index
      %get3A_321 = arith.constant 16 : index
      %get3A_322 = tpu.vector_load %arg13[%get3A_320, %get3A_321] {strides = array<i32>} : memref<640x32xf32, #tpu.memory_space<vmem>>, vector<16xf32>,
      %mul3A_323 = arith.mulf %get3A_322, %broadcast_in_dim3A_313 : vector<16xf32>
      %add3A_324 = arith.addf %mul3A_323, %get3A_153 : vector<16xf32>
      %max3A_325 = arith.maximumf %add3A_324, %broadcast_in_dim3A_5 : vector<16xf32>
      %mul3A_326 = arith.mulf %max3A_319, %get3A_155 : vector<16xf32>
      %mul3A_327 = arith.mulf %max3A_325, %get3A_157 : vector<16xf32>
      %add3A_328 = arith.addf %mul3A_326, %mul3A_327 : vector<16xf32>
      %reduce_sum3A_329 = arith.constant true
      %reduce_sum3A_330 = vector.broadcast %reduce_sum3A_329 : i1 to vector<16xi1>
      %reduce_sum3A_331 = tpu.scan <sum>, %add3A_328 masked %reduce_sum3A_330 : vector<16xf32>, vector<16xi1> -> vector<16xf32>
      %reduce_sum3A_332 = vector.extract %reduce_sum3A_331[15] : f32 from vector<16xf32>
      %eq3A_333 = arith.constant 4 : i32
      %eq3A_334 = vector.broadcast %eq3A_333 : i32 to vector<16xi32>
      %eq3A_335 = arith.cmpi eq, %iota3A, %eq3A_334 : vector<16xi32>
      %broadcast_in_dim3A_336 = vector.broadcast %reduce_sum3A_332 : f32 to vector<16xf32>
      %select_n3A_337 = arith.select %eq3A_335, %broadcast_in_dim3A_336, %select_n3A_306 : vector<16xi1>, vector<16xf32>
      %mul3A_338 = arith.constant 16 : i32
      %mul3A_339 = arith.muli %scan3A_186, %mul3A_338 : i32
      %add3A_340 = arith.constant 5 : i32
      %add3A_341 = arith.addi %mul3A_339, %add3A_340 : i32
      %slice3A_342 = vector.extract_strided_slice %get3A_189 {offsets = [5], sizes = [1], strides = [1]} : vector<16xf32> to vector<1xf32>
      %squeeze3A_343 = vector.extract %slice3A_342[0] : f32 from vector<1xf32>
      %broadcast_in_dim3A_344 = vector.broadcast %squeeze3A_343 : f32 to vector<16xf32>
      %get3A_345 = arith.index_cast %add3A_341 : i32 to index
      %get3A_346 = arith.constant 0 : index
      %get3A_347 = tpu.vector_load %arg13[%get3A_345, %get3A_346] {strides = array<i32>} : memref<640x32xf32, #tpu.memory_space<vmem>>, vector<16xf32>,
      %mul3A_348 = arith.mulf %get3A_347, %broadcast_in_dim3A_344 : vector<16xf32>
      %add3A_349 = arith.addf %mul3A_348, %get3A_151 : vector<16xf32>
      %max3A_350 = arith.maximumf %add3A_349, %broadcast_in_dim3A_5 : vector<16xf32>
      %get3A_351 = arith.index_cast %add3A_341 : i32 to index
      %get3A_352 = arith.constant 16 : index
      %get3A_353 = tpu.vector_load %arg13[%get3A_351, %get3A_352] {strides = array<i32>} : memref<640x32xf32, #tpu.memory_space<vmem>>, vector<16xf32>,
      %mul3A_354 = arith.mulf %get3A_353, %broadcast_in_dim3A_344 : vector<16xf32>
      %add3A_355 = arith.addf %mul3A_354, %get3A_153 : vector<16xf32>
      %max3A_356 = arith.maximumf %add3A_355, %broadcast_in_dim3A_5 : vector<16xf32>
      %mul3A_357 = arith.mulf %max3A_350, %get3A_155 : vector<16xf32>
      %mul3A_358 = arith.mulf %max3A_356, %get3A_157 : vector<16xf32>
      %add3A_359 = arith.addf %mul3A_357, %mul3A_358 : vector<16xf32>
      %reduce_sum3A_360 = arith.constant true
      %reduce_sum3A_361 = vector.broadcast %reduce_sum3A_360 : i1 to vector<16xi1>
      %reduce_sum3A_362 = tpu.scan <sum>, %add3A_359 masked %reduce_sum3A_361 : vector<16xf32>, vector<16xi1> -> vector<16xf32>
      %reduce_sum3A_363 = vector.extract %reduce_sum3A_362[15] : f32 from vector<16xf32>
      %eq3A_364 = arith.constant 5 : i32
      %eq3A_365 = vector.broadcast %eq3A_364 : i32 to vector<16xi32>
      %eq3A_366 = arith.cmpi eq, %iota3A, %eq3A_365 : vector<16xi32>
      %broadcast_in_dim3A_367 = vector.broadcast %reduce_sum3A_363 : f32 to vector<16xf32>
      %select_n3A_368 = arith.select %eq3A_366, %broadcast_in_dim3A_367, %select_n3A_337 : vector<16xi1>, vector<16xf32>
      %mul3A_369 = arith.constant 16 : i32
      %mul3A_370 = arith.muli %scan3A_186, %mul3A_369 : i32
      %add3A_371 = arith.constant 6 : i32
      %add3A_372 = arith.addi %mul3A_370, %add3A_371 : i32
      %slice3A_373 = vector.extract_strided_slice %get3A_189 {offsets = [6], sizes = [1], strides = [1]} : vector<16xf32> to vector<1xf32>
      %squeeze3A_374 = vector.extract %slice3A_373[0] : f32 from vector<1xf32>
      %broadcast_in_dim3A_375 = vector.broadcast %squeeze3A_374 : f32 to vector<16xf32>
      %get3A_376 = arith.index_cast %add3A_372 : i32 to index
      %get3A_377 = arith.constant 0 : index
      %get3A_378 = tpu.vector_load %arg13[%get3A_376, %get3A_377] {strides = array<i32>} : memref<640x32xf32, #tpu.memory_space<vmem>>, vector<16xf32>,
      %mul3A_379 = arith.mulf %get3A_378, %broadcast_in_dim3A_375 : vector<16xf32>
      %add3A_380 = arith.addf %mul3A_379, %get3A_151 : vector<16xf32>
      %max3A_381 = arith.maximumf %add3A_380, %broadcast_in_dim3A_5 : vector<16xf32>
      %get3A_382 = arith.index_cast %add3A_372 : i32 to index
      %get3A_383 = arith.constant 16 : index
      %get3A_384 = tpu.vector_load %arg13[%get3A_382, %get3A_383] {strides = array<i32>} : memref<640x32xf32, #tpu.memory_space<vmem>>, vector<16xf32>,
      %mul3A_385 = arith.mulf %get3A_384, %broadcast_in_dim3A_375 : vector<16xf32>
      %add3A_386 = arith.addf %mul3A_385, %get3A_153 : vector<16xf32>
      %max3A_387 = arith.maximumf %add3A_386, %broadcast_in_dim3A_5 : vector<16xf32>
      %mul3A_388 = arith.mulf %max3A_381, %get3A_155 : vector<16xf32>
      %mul3A_389 = arith.mulf %max3A_387, %get3A_157 : vector<16xf32>
      %add3A_390 = arith.addf %mul3A_388, %mul3A_389 : vector<16xf32>
      %reduce_sum3A_391 = arith.constant true
      %reduce_sum3A_392 = vector.broadcast %reduce_sum3A_391 : i1 to vector<16xi1>
      %reduce_sum3A_393 = tpu.scan <sum>, %add3A_390 masked %reduce_sum3A_392 : vector<16xf32>, vector<16xi1> -> vector<16xf32>
      %reduce_sum3A_394 = vector.extract %reduce_sum3A_393[15] : f32 from vector<16xf32>
      %eq3A_395 = arith.constant 6 : i32
      %eq3A_396 = vector.broadcast %eq3A_395 : i32 to vector<16xi32>
      %eq3A_397 = arith.cmpi eq, %iota3A, %eq3A_396 : vector<16xi32>
      %broadcast_in_dim3A_398 = vector.broadcast %reduce_sum3A_394 : f32 to vector<16xf32>
      %select_n3A_399 = arith.select %eq3A_397, %broadcast_in_dim3A_398, %select_n3A_368 : vector<16xi1>, vector<16xf32>
      %mul3A_400 = arith.constant 16 : i32
      %mul3A_401 = arith.muli %scan3A_186, %mul3A_400 : i32
      %add3A_402 = arith.constant 7 : i32
      %add3A_403 = arith.addi %mul3A_401, %add3A_402 : i32
      %slice3A_404 = vector.extract_strided_slice %get3A_189 {offsets = [7], sizes = [1], strides = [1]} : vector<16xf32> to vector<1xf32>
      %squeeze3A_405 = vector.extract %slice3A_404[0] : f32 from vector<1xf32>
      %broadcast_in_dim3A_406 = vector.broadcast %squeeze3A_405 : f32 to vector<16xf32>
      %get3A_407 = arith.index_cast %add3A_403 : i32 to index
      %get3A_408 = arith.constant 0 : index
      %get3A_409 = tpu.vector_load %arg13[%get3A_407, %get3A_408] {strides = array<i32>} : memref<640x32xf32, #tpu.memory_space<vmem>>, vector<16xf32>,
      %mul3A_410 = arith.mulf %get3A_409, %broadcast_in_dim3A_406 : vector<16xf32>
      %add3A_411 = arith.addf %mul3A_410, %get3A_151 : vector<16xf32>
      %max3A_412 = arith.maximumf %add3A_411, %broadcast_in_dim3A_5 : vector<16xf32>
      %get3A_413 = arith.index_cast %add3A_403 : i32 to index
      %get3A_414 = arith.constant 16 : index
      %get3A_415 = tpu.vector_load %arg13[%get3A_413, %get3A_414] {strides = array<i32>} : memref<640x32xf32, #tpu.memory_space<vmem>>, vector<16xf32>,
      %mul3A_416 = arith.mulf %get3A_415, %broadcast_in_dim3A_406 : vector<16xf32>
      %add3A_417 = arith.addf %mul3A_416, %get3A_153 : vector<16xf32>
      %max3A_418 = arith.maximumf %add3A_417, %broadcast_in_dim3A_5 : vector<16xf32>
      %mul3A_419 = arith.mulf %max3A_412, %get3A_155 : vector<16xf32>
      %mul3A_420 = arith.mulf %max3A_418, %get3A_157 : vector<16xf32>
      %add3A_421 = arith.addf %mul3A_419, %mul3A_420 : vector<16xf32>
      %reduce_sum3A_422 = arith.constant true
      %reduce_sum3A_423 = vector.broadcast %reduce_sum3A_422 : i1 to vector<16xi1>
      %reduce_sum3A_424 = tpu.scan <sum>, %add3A_421 masked %reduce_sum3A_423 : vector<16xf32>, vector<16xi1> -> vector<16xf32>
      %reduce_sum3A_425 = vector.extract %reduce_sum3A_424[15] : f32 from vector<16xf32>
      %eq3A_426 = arith.constant 7 : i32
      %eq3A_427 = vector.broadcast %eq3A_426 : i32 to vector<16xi32>
      %eq3A_428 = arith.cmpi eq, %iota3A, %eq3A_427 : vector<16xi32>
      %broadcast_in_dim3A_429 = vector.broadcast %reduce_sum3A_425 : f32 to vector<16xf32>
      %select_n3A_430 = arith.select %eq3A_428, %broadcast_in_dim3A_429, %select_n3A_399 : vector<16xi1>, vector<16xf32>
      %mul3A_431 = arith.constant 16 : i32
      %mul3A_432 = arith.muli %scan3A_186, %mul3A_431 : i32
      %add3A_433 = arith.constant 8 : i32
      %add3A_434 = arith.addi %mul3A_432, %add3A_433 : i32
      %slice3A_435 = vector.extract_strided_slice %get3A_189 {offsets = [8], sizes = [1], strides = [1]} : vector<16xf32> to vector<1xf32>
      %squeeze3A_436 = vector.extract %slice3A_435[0] : f32 from vector<1xf32>
      %broadcast_in_dim3A_437 = vector.broadcast %squeeze3A_436 : f32 to vector<16xf32>
      %get3A_438 = arith.index_cast %add3A_434 : i32 to index
      %get3A_439 = arith.constant 0 : index
      %get3A_440 = tpu.vector_load %arg13[%get3A_438, %get3A_439] {strides = array<i32>} : memref<640x32xf32, #tpu.memory_space<vmem>>, vector<16xf32>,
      %mul3A_441 = arith.mulf %get3A_440, %broadcast_in_dim3A_437 : vector<16xf32>
      %add3A_442 = arith.addf %mul3A_441, %get3A_151 : vector<16xf32>
      %max3A_443 = arith.maximumf %add3A_442, %broadcast_in_dim3A_5 : vector<16xf32>
      %get3A_444 = arith.index_cast %add3A_434 : i32 to index
      %get3A_445 = arith.constant 16 : index
      %get3A_446 = tpu.vector_load %arg13[%get3A_444, %get3A_445] {strides = array<i32>} : memref<640x32xf32, #tpu.memory_space<vmem>>, vector<16xf32>,
      %mul3A_447 = arith.mulf %get3A_446, %broadcast_in_dim3A_437 : vector<16xf32>
      %add3A_448 = arith.addf %mul3A_447, %get3A_153 : vector<16xf32>
      %max3A_449 = arith.maximumf %add3A_448, %broadcast_in_dim3A_5 : vector<16xf32>
      %mul3A_450 = arith.mulf %max3A_443, %get3A_155 : vector<16xf32>
      %mul3A_451 = arith.mulf %max3A_449, %get3A_157 : vector<16xf32>
      %add3A_452 = arith.addf %mul3A_450, %mul3A_451 : vector<16xf32>
      %reduce_sum3A_453 = arith.constant true
      %reduce_sum3A_454 = vector.broadcast %reduce_sum3A_453 : i1 to vector<16xi1>
      %reduce_sum3A_455 = tpu.scan <sum>, %add3A_452 masked %reduce_sum3A_454 : vector<16xf32>, vector<16xi1> -> vector<16xf32>
      %reduce_sum3A_456 = vector.extract %reduce_sum3A_455[15] : f32 from vector<16xf32>
      %eq3A_457 = arith.constant 8 : i32
      %eq3A_458 = vector.broadcast %eq3A_457 : i32 to vector<16xi32>
      %eq3A_459 = arith.cmpi eq, %iota3A, %eq3A_458 : vector<16xi32>
      %broadcast_in_dim3A_460 = vector.broadcast %reduce_sum3A_456 : f32 to vector<16xf32>
      %select_n3A_461 = arith.select %eq3A_459, %broadcast_in_dim3A_460, %select_n3A_430 : vector<16xi1>, vector<16xf32>
      %mul3A_462 = arith.constant 16 : i32
      %mul3A_463 = arith.muli %scan3A_186, %mul3A_462 : i32
      %add3A_464 = arith.constant 9 : i32
      %add3A_465 = arith.addi %mul3A_463, %add3A_464 : i32
      %slice3A_466 = vector.extract_strided_slice %get3A_189 {offsets = [9], sizes = [1], strides = [1]} : vector<16xf32> to vector<1xf32>
      %squeeze3A_467 = vector.extract %slice3A_466[0] : f32 from vector<1xf32>
      %broadcast_in_dim3A_468 = vector.broadcast %squeeze3A_467 : f32 to vector<16xf32>
      %get3A_469 = arith.index_cast %add3A_465 : i32 to index
      %get3A_470 = arith.constant 0 : index
      %get3A_471 = tpu.vector_load %arg13[%get3A_469, %get3A_470] {strides = array<i32>} : memref<640x32xf32, #tpu.memory_space<vmem>>, vector<16xf32>,
      %mul3A_472 = arith.mulf %get3A_471, %broadcast_in_dim3A_468 : vector<16xf32>
      %add3A_473 = arith.addf %mul3A_472, %get3A_151 : vector<16xf32>
      %max3A_474 = arith.maximumf %add3A_473, %broadcast_in_dim3A_5 : vector<16xf32>
      %get3A_475 = arith.index_cast %add3A_465 : i32 to index
      %get3A_476 = arith.constant 16 : index
      %get3A_477 = tpu.vector_load %arg13[%get3A_475, %get3A_476] {strides = array<i32>} : memref<640x32xf32, #tpu.memory_space<vmem>>, vector<16xf32>,
      %mul3A_478 = arith.mulf %get3A_477, %broadcast_in_dim3A_468 : vector<16xf32>
      %add3A_479 = arith.addf %mul3A_478, %get3A_153 : vector<16xf32>
      %max3A_480 = arith.maximumf %add3A_479, %broadcast_in_dim3A_5 : vector<16xf32>
      %mul3A_481 = arith.mulf %max3A_474, %get3A_155 : vector<16xf32>
      %mul3A_482 = arith.mulf %max3A_480, %get3A_157 : vector<16xf32>
      %add3A_483 = arith.addf %mul3A_481, %mul3A_482 : vector<16xf32>
      %reduce_sum3A_484 = arith.constant true
      %reduce_sum3A_485 = vector.broadcast %reduce_sum3A_484 : i1 to vector<16xi1>
      %reduce_sum3A_486 = tpu.scan <sum>, %add3A_483 masked %reduce_sum3A_485 : vector<16xf32>, vector<16xi1> -> vector<16xf32>
      %reduce_sum3A_487 = vector.extract %reduce_sum3A_486[15] : f32 from vector<16xf32>
      %eq3A_488 = arith.constant 9 : i32
      %eq3A_489 = vector.broadcast %eq3A_488 : i32 to vector<16xi32>
      %eq3A_490 = arith.cmpi eq, %iota3A, %eq3A_489 : vector<16xi32>
      %broadcast_in_dim3A_491 = vector.broadcast %reduce_sum3A_487 : f32 to vector<16xf32>
      %select_n3A_492 = arith.select %eq3A_490, %broadcast_in_dim3A_491, %select_n3A_461 : vector<16xi1>, vector<16xf32>
      %mul3A_493 = arith.constant 16 : i32
      %mul3A_494 = arith.muli %scan3A_186, %mul3A_493 : i32
      %add3A_495 = arith.constant 10 : i32
      %add3A_496 = arith.addi %mul3A_494, %add3A_495 : i32
      %slice3A_497 = vector.extract_strided_slice %get3A_189 {offsets = [10], sizes = [1], strides = [1]} : vector<16xf32> to vector<1xf32>
      %squeeze3A_498 = vector.extract %slice3A_497[0] : f32 from vector<1xf32>
      %broadcast_in_dim3A_499 = vector.broadcast %squeeze3A_498 : f32 to vector<16xf32>
      %get3A_500 = arith.index_cast %add3A_496 : i32 to index
      %get3A_501 = arith.constant 0 : index
      %get3A_502 = tpu.vector_load %arg13[%get3A_500, %get3A_501] {strides = array<i32>} : memref<640x32xf32, #tpu.memory_space<vmem>>, vector<16xf32>,
      %mul3A_503 = arith.mulf %get3A_502, %broadcast_in_dim3A_499 : vector<16xf32>
      %add3A_504 = arith.addf %mul3A_503, %get3A_151 : vector<16xf32>
      %max3A_505 = arith.maximumf %add3A_504, %broadcast_in_dim3A_5 : vector<16xf32>
      %get3A_506 = arith.index_cast %add3A_496 : i32 to index
      %get3A_507 = arith.constant 16 : index
      %get3A_508 = tpu.vector_load %arg13[%get3A_506, %get3A_507] {strides = array<i32>} : memref<640x32xf32, #tpu.memory_space<vmem>>, vector<16xf32>,
      %mul3A_509 = arith.mulf %get3A_508, %broadcast_in_dim3A_499 : vector<16xf32>
      %add3A_510 = arith.addf %mul3A_509, %get3A_153 : vector<16xf32>
      %max3A_511 = arith.maximumf %add3A_510, %broadcast_in_dim3A_5 : vector<16xf32>
      %mul3A_512 = arith.mulf %max3A_505, %get3A_155 : vector<16xf32>
      %mul3A_513 = arith.mulf %max3A_511, %get3A_157 : vector<16xf32>
      %add3A_514 = arith.addf %mul3A_512, %mul3A_513 : vector<16xf32>
      %reduce_sum3A_515 = arith.constant true
      %reduce_sum3A_516 = vector.broadcast %reduce_sum3A_515 : i1 to vector<16xi1>
      %reduce_sum3A_517 = tpu.scan <sum>, %add3A_514 masked %reduce_sum3A_516 : vector<16xf32>, vector<16xi1> -> vector<16xf32>
      %reduce_sum3A_518 = vector.extract %reduce_sum3A_517[15] : f32 from vector<16xf32>
      %eq3A_519 = arith.constant 10 : i32
      %eq3A_520 = vector.broadcast %eq3A_519 : i32 to vector<16xi32>
      %eq3A_521 = arith.cmpi eq, %iota3A, %eq3A_520 : vector<16xi32>
      %broadcast_in_dim3A_522 = vector.broadcast %reduce_sum3A_518 : f32 to vector<16xf32>
      %select_n3A_523 = arith.select %eq3A_521, %broadcast_in_dim3A_522, %select_n3A_492 : vector<16xi1>, vector<16xf32>
      %mul3A_524 = arith.constant 16 : i32
      %mul3A_525 = arith.muli %scan3A_186, %mul3A_524 : i32
      %add3A_526 = arith.constant 11 : i32
      %add3A_527 = arith.addi %mul3A_525, %add3A_526 : i32
      %slice3A_528 = vector.extract_strided_slice %get3A_189 {offsets = [11], sizes = [1], strides = [1]} : vector<16xf32> to vector<1xf32>
      %squeeze3A_529 = vector.extract %slice3A_528[0] : f32 from vector<1xf32>
      %broadcast_in_dim3A_530 = vector.broadcast %squeeze3A_529 : f32 to vector<16xf32>
      %get3A_531 = arith.index_cast %add3A_527 : i32 to index
      %get3A_532 = arith.constant 0 : index
      %get3A_533 = tpu.vector_load %arg13[%get3A_531, %get3A_532] {strides = array<i32>} : memref<640x32xf32, #tpu.memory_space<vmem>>, vector<16xf32>,
      %mul3A_534 = arith.mulf %get3A_533, %broadcast_in_dim3A_530 : vector<16xf32>
      %add3A_535 = arith.addf %mul3A_534, %get3A_151 : vector<16xf32>
      %max3A_536 = arith.maximumf %add3A_535, %broadcast_in_dim3A_5 : vector<16xf32>
      %get3A_537 = arith.index_cast %add3A_527 : i32 to index
      %get3A_538 = arith.constant 16 : index
      %get3A_539 = tpu.vector_load %arg13[%get3A_537, %get3A_538] {strides = array<i32>} : memref<640x32xf32, #tpu.memory_space<vmem>>, vector<16xf32>,
      %mul3A_540 = arith.mulf %get3A_539, %broadcast_in_dim3A_530 : vector<16xf32>
      %add3A_541 = arith.addf %mul3A_540, %get3A_153 : vector<16xf32>
      %max3A_542 = arith.maximumf %add3A_541, %broadcast_in_dim3A_5 : vector<16xf32>
      %mul3A_543 = arith.mulf %max3A_536, %get3A_155 : vector<16xf32>
      %mul3A_544 = arith.mulf %max3A_542, %get3A_157 : vector<16xf32>
      %add3A_545 = arith.addf %mul3A_543, %mul3A_544 : vector<16xf32>
      %reduce_sum3A_546 = arith.constant true
      %reduce_sum3A_547 = vector.broadcast %reduce_sum3A_546 : i1 to vector<16xi1>
      %reduce_sum3A_548 = tpu.scan <sum>, %add3A_545 masked %reduce_sum3A_547 : vector<16xf32>, vector<16xi1> -> vector<16xf32>
      %reduce_sum3A_549 = vector.extract %reduce_sum3A_548[15] : f32 from vector<16xf32>
      %eq3A_550 = arith.constant 11 : i32
      %eq3A_551 = vector.broadcast %eq3A_550 : i32 to vector<16xi32>
      %eq3A_552 = arith.cmpi eq, %iota3A, %eq3A_551 : vector<16xi32>
      %broadcast_in_dim3A_553 = vector.broadcast %reduce_sum3A_549 : f32 to vector<16xf32>
      %select_n3A_554 = arith.select %eq3A_552, %broadcast_in_dim3A_553, %select_n3A_523 : vector<16xi1>, vector<16xf32>
      %mul3A_555 = arith.constant 16 : i32
      %mul3A_556 = arith.muli %scan3A_186, %mul3A_555 : i32
      %add3A_557 = arith.constant 12 : i32
      %add3A_558 = arith.addi %mul3A_556, %add3A_557 : i32
      %slice3A_559 = vector.extract_strided_slice %get3A_189 {offsets = [12], sizes = [1], strides = [1]} : vector<16xf32> to vector<1xf32>
      %squeeze3A_560 = vector.extract %slice3A_559[0] : f32 from vector<1xf32>
      %broadcast_in_dim3A_561 = vector.broadcast %squeeze3A_560 : f32 to vector<16xf32>
      %get3A_562 = arith.index_cast %add3A_558 : i32 to index
      %get3A_563 = arith.constant 0 : index
      %get3A_564 = tpu.vector_load %arg13[%get3A_562, %get3A_563] {strides = array<i32>} : memref<640x32xf32, #tpu.memory_space<vmem>>, vector<16xf32>,
      %mul3A_565 = arith.mulf %get3A_564, %broadcast_in_dim3A_561 : vector<16xf32>
      %add3A_566 = arith.addf %mul3A_565, %get3A_151 : vector<16xf32>
      %max3A_567 = arith.maximumf %add3A_566, %broadcast_in_dim3A_5 : vector<16xf32>
      %get3A_568 = arith.index_cast %add3A_558 : i32 to index
      %get3A_569 = arith.constant 16 : index
      %get3A_570 = tpu.vector_load %arg13[%get3A_568, %get3A_569] {strides = array<i32>} : memref<640x32xf32, #tpu.memory_space<vmem>>, vector<16xf32>,
      %mul3A_571 = arith.mulf %get3A_570, %broadcast_in_dim3A_561 : vector<16xf32>
      %add3A_572 = arith.addf %mul3A_571, %get3A_153 : vector<16xf32>
      %max3A_573 = arith.maximumf %add3A_572, %broadcast_in_dim3A_5 : vector<16xf32>
      %mul3A_574 = arith.mulf %max3A_567, %get3A_155 : vector<16xf32>
      %mul3A_575 = arith.mulf %max3A_573, %get3A_157 : vector<16xf32>
      %add3A_576 = arith.addf %mul3A_574, %mul3A_575 : vector<16xf32>
      %reduce_sum3A_577 = arith.constant true
      %reduce_sum3A_578 = vector.broadcast %reduce_sum3A_577 : i1 to vector<16xi1>
      %reduce_sum3A_579 = tpu.scan <sum>, %add3A_576 masked %reduce_sum3A_578 : vector<16xf32>, vector<16xi1> -> vector<16xf32>
      %reduce_sum3A_580 = vector.extract %reduce_sum3A_579[15] : f32 from vector<16xf32>
      %eq3A_581 = arith.constant 12 : i32
      %eq3A_582 = vector.broadcast %eq3A_581 : i32 to vector<16xi32>
      %eq3A_583 = arith.cmpi eq, %iota3A, %eq3A_582 : vector<16xi32>
      %broadcast_in_dim3A_584 = vector.broadcast %reduce_sum3A_580 : f32 to vector<16xf32>
      %select_n3A_585 = arith.select %eq3A_583, %broadcast_in_dim3A_584, %select_n3A_554 : vector<16xi1>, vector<16xf32>
      %mul3A_586 = arith.constant 16 : i32
      %mul3A_587 = arith.muli %scan3A_186, %mul3A_586 : i32
      %add3A_588 = arith.constant 13 : i32
      %add3A_589 = arith.addi %mul3A_587, %add3A_588 : i32
      %slice3A_590 = vector.extract_strided_slice %get3A_189 {offsets = [13], sizes = [1], strides = [1]} : vector<16xf32> to vector<1xf32>
      %squeeze3A_591 = vector.extract %slice3A_590[0] : f32 from vector<1xf32>
      %broadcast_in_dim3A_592 = vector.broadcast %squeeze3A_591 : f32 to vector<16xf32>
      %get3A_593 = arith.index_cast %add3A_589 : i32 to index
      %get3A_594 = arith.constant 0 : index
      %get3A_595 = tpu.vector_load %arg13[%get3A_593, %get3A_594] {strides = array<i32>} : memref<640x32xf32, #tpu.memory_space<vmem>>, vector<16xf32>,
      %mul3A_596 = arith.mulf %get3A_595, %broadcast_in_dim3A_592 : vector<16xf32>
      %add3A_597 = arith.addf %mul3A_596, %get3A_151 : vector<16xf32>
      %max3A_598 = arith.maximumf %add3A_597, %broadcast_in_dim3A_5 : vector<16xf32>
      %get3A_599 = arith.index_cast %add3A_589 : i32 to index
      %get3A_600 = arith.constant 16 : index
      %get3A_601 = tpu.vector_load %arg13[%get3A_599, %get3A_600] {strides = array<i32>} : memref<640x32xf32, #tpu.memory_space<vmem>>, vector<16xf32>,
      %mul3A_602 = arith.mulf %get3A_601, %broadcast_in_dim3A_592 : vector<16xf32>
      %add3A_603 = arith.addf %mul3A_602, %get3A_153 : vector<16xf32>
      %max3A_604 = arith.maximumf %add3A_603, %broadcast_in_dim3A_5 : vector<16xf32>
      %mul3A_605 = arith.mulf %max3A_598, %get3A_155 : vector<16xf32>
      %mul3A_606 = arith.mulf %max3A_604, %get3A_157 : vector<16xf32>
      %add3A_607 = arith.addf %mul3A_605, %mul3A_606 : vector<16xf32>
      %reduce_sum3A_608 = arith.constant true
      %reduce_sum3A_609 = vector.broadcast %reduce_sum3A_608 : i1 to vector<16xi1>
      %reduce_sum3A_610 = tpu.scan <sum>, %add3A_607 masked %reduce_sum3A_609 : vector<16xf32>, vector<16xi1> -> vector<16xf32>
      %reduce_sum3A_611 = vector.extract %reduce_sum3A_610[15] : f32 from vector<16xf32>
      %eq3A_612 = arith.constant 13 : i32
      %eq3A_613 = vector.broadcast %eq3A_612 : i32 to vector<16xi32>
      %eq3A_614 = arith.cmpi eq, %iota3A, %eq3A_613 : vector<16xi32>
      %broadcast_in_dim3A_615 = vector.broadcast %reduce_sum3A_611 : f32 to vector<16xf32>
      %select_n3A_616 = arith.select %eq3A_614, %broadcast_in_dim3A_615, %select_n3A_585 : vector<16xi1>, vector<16xf32>
      %mul3A_617 = arith.constant 16 : i32
      %mul3A_618 = arith.muli %scan3A_186, %mul3A_617 : i32
      %add3A_619 = arith.constant 14 : i32
      %add3A_620 = arith.addi %mul3A_618, %add3A_619 : i32
      %slice3A_621 = vector.extract_strided_slice %get3A_189 {offsets = [14], sizes = [1], strides = [1]} : vector<16xf32> to vector<1xf32>
      %squeeze3A_622 = vector.extract %slice3A_621[0] : f32 from vector<1xf32>
      %broadcast_in_dim3A_623 = vector.broadcast %squeeze3A_622 : f32 to vector<16xf32>
      %get3A_624 = arith.index_cast %add3A_620 : i32 to index
      %get3A_625 = arith.constant 0 : index
      %get3A_626 = tpu.vector_load %arg13[%get3A_624, %get3A_625] {strides = array<i32>} : memref<640x32xf32, #tpu.memory_space<vmem>>, vector<16xf32>,
      %mul3A_627 = arith.mulf %get3A_626, %broadcast_in_dim3A_623 : vector<16xf32>
      %add3A_628 = arith.addf %mul3A_627, %get3A_151 : vector<16xf32>
      %max3A_629 = arith.maximumf %add3A_628, %broadcast_in_dim3A_5 : vector<16xf32>
      %get3A_630 = arith.index_cast %add3A_620 : i32 to index
      %get3A_631 = arith.constant 16 : index
      %get3A_632 = tpu.vector_load %arg13[%get3A_630, %get3A_631] {strides = array<i32>} : memref<640x32xf32, #tpu.memory_space<vmem>>, vector<16xf32>,
      %mul3A_633 = arith.mulf %get3A_632, %broadcast_in_dim3A_623 : vector<16xf32>
      %add3A_634 = arith.addf %mul3A_633, %get3A_153 : vector<16xf32>
      %max3A_635 = arith.maximumf %add3A_634, %broadcast_in_dim3A_5 : vector<16xf32>
      %mul3A_636 = arith.mulf %max3A_629, %get3A_155 : vector<16xf32>
      %mul3A_637 = arith.mulf %max3A_635, %get3A_157 : vector<16xf32>
      %add3A_638 = arith.addf %mul3A_636, %mul3A_637 : vector<16xf32>
      %reduce_sum3A_639 = arith.constant true
      %reduce_sum3A_640 = vector.broadcast %reduce_sum3A_639 : i1 to vector<16xi1>
      %reduce_sum3A_641 = tpu.scan <sum>, %add3A_638 masked %reduce_sum3A_640 : vector<16xf32>, vector<16xi1> -> vector<16xf32>
      %reduce_sum3A_642 = vector.extract %reduce_sum3A_641[15] : f32 from vector<16xf32>
      %eq3A_643 = arith.constant 14 : i32
      %eq3A_644 = vector.broadcast %eq3A_643 : i32 to vector<16xi32>
      %eq3A_645 = arith.cmpi eq, %iota3A, %eq3A_644 : vector<16xi32>
      %broadcast_in_dim3A_646 = vector.broadcast %reduce_sum3A_642 : f32 to vector<16xf32>
      %select_n3A_647 = arith.select %eq3A_645, %broadcast_in_dim3A_646, %select_n3A_616 : vector<16xi1>, vector<16xf32>
      %mul3A_648 = arith.constant 16 : i32
      %mul3A_649 = arith.muli %scan3A_186, %mul3A_648 : i32
      %add3A_650 = arith.constant 15 : i32
      %add3A_651 = arith.addi %mul3A_649, %add3A_650 : i32
      %slice3A_652 = vector.extract_strided_slice %get3A_189 {offsets = [15], sizes = [1], strides = [1]} : vector<16xf32> to vector<1xf32>
      %squeeze3A_653 = vector.extract %slice3A_652[0] : f32 from vector<1xf32>
      %broadcast_in_dim3A_654 = vector.broadcast %squeeze3A_653 : f32 to vector<16xf32>
      %get3A_655 = arith.index_cast %add3A_651 : i32 to index
      %get3A_656 = arith.constant 0 : index
      %get3A_657 = tpu.vector_load %arg13[%get3A_655, %get3A_656] {strides = array<i32>} : memref<640x32xf32, #tpu.memory_space<vmem>>, vector<16xf32>,
      %mul3A_658 = arith.mulf %get3A_657, %broadcast_in_dim3A_654 : vector<16xf32>
      %add3A_659 = arith.addf %mul3A_658, %get3A_151 : vector<16xf32>
      %max3A_660 = arith.maximumf %add3A_659, %broadcast_in_dim3A_5 : vector<16xf32>
      %get3A_661 = arith.index_cast %add3A_651 : i32 to index
      %get3A_662 = arith.constant 16 : index
      %get3A_663 = tpu.vector_load %arg13[%get3A_661, %get3A_662] {strides = array<i32>} : memref<640x32xf32, #tpu.memory_space<vmem>>, vector<16xf32>,
      %mul3A_664 = arith.mulf %get3A_663, %broadcast_in_dim3A_654 : vector<16xf32>
      %add3A_665 = arith.addf %mul3A_664, %get3A_153 : vector<16xf32>
      %max3A_666 = arith.maximumf %add3A_665, %broadcast_in_dim3A_5 : vector<16xf32>
      %mul3A_667 = arith.mulf %max3A_660, %get3A_155 : vector<16xf32>
      %mul3A_668 = arith.mulf %max3A_666, %get3A_157 : vector<16xf32>
      %add3A_669 = arith.addf %mul3A_667, %mul3A_668 : vector<16xf32>
      %reduce_sum3A_670 = arith.constant true
      %reduce_sum3A_671 = vector.broadcast %reduce_sum3A_670 : i1 to vector<16xi1>
      %reduce_sum3A_672 = tpu.scan <sum>, %add3A_669 masked %reduce_sum3A_671 : vector<16xf32>, vector<16xi1> -> vector<16xf32>
      %reduce_sum3A_673 = vector.extract %reduce_sum3A_672[15] : f32 from vector<16xf32>
      %eq3A_674 = arith.constant 15 : i32
      %eq3A_675 = vector.broadcast %eq3A_674 : i32 to vector<16xi32>
      %eq3A_676 = arith.cmpi eq, %iota3A, %eq3A_675 : vector<16xi32>
      %broadcast_in_dim3A_677 = vector.broadcast %reduce_sum3A_673 : f32 to vector<16xf32>
      %select_n3A_678 = arith.select %eq3A_676, %broadcast_in_dim3A_677, %select_n3A_647 : vector<16xi1>, vector<16xf32>
      %mul3A_679 = arith.mulf %select_n3A_678, %get3A_189 : vector<16xf32>
      %mul3A_680 = arith.constant 16 : i32
      %mul3A_681 = arith.muli %scan3A_186, %mul3A_680 : i32
      %swap3A = arith.index_cast %mul3A_681 : i32 to index
      %swap3A_682 = tpu.vector_load %arg15[%swap3A] {strides = array<i32>} : memref<640xf32, #tpu.memory_space<vmem>>, vector<16xf32>,
      tpu.vector_store %arg15[%swap3A], %mul3A_679 {strides = array<i32>} : memref<640xf32, #tpu.memory_space<vmem>>, vector<16xf32>,
    }
    %scan3A_163 = arith.constant 40 : i32
    "tpu.region"() ({
      %run_scoped3A = tpu.sem_alloc : memref<!tpu.dma_semaphore, #tpu.memory_space<semaphore_mem>>
      %dma_start3A_186 = tpu.memref_slice %arg24[%mul3A_0] : memref<10240xf32, #tpu.memory_space<vmem_shared>> -> memref<640xf32, #tpu.memory_space<vmem_shared>>
      %dma_start3A_187 = tpu.memref_slice %arg24[%mul3A_0] : memref<10240xf32, #tpu.memory_space<vmem_shared>> -> memref<640xf32, #tpu.memory_space<vmem_shared>>
      tpu.enqueue_dma source(%arg15 : memref<640xf32, #tpu.memory_space<vmem>>) target(%dma_start3A_187 : memref<640xf32, #tpu.memory_space<vmem_shared>>) target_semaphore(%run_scoped3A : memref<!tpu.dma_semaphore, #tpu.memory_space<semaphore_mem>>)
      %dma_wait3A_188 = tpu.memref_slice %arg24[%mul3A_0] : memref<10240xf32, #tpu.memory_space<vmem_shared>> -> memref<640xf32, #tpu.memory_space<vmem_shared>>
      %dma_wait3A_189 = tpu.memref_slice %arg24[%mul3A_0] : memref<10240xf32, #tpu.memory_space<vmem_shared>> -> memref<640xf32, #tpu.memory_space<vmem_shared>>
      tpu.wait_dma2 semaphore(%run_scoped3A : memref<!tpu.dma_semaphore, #tpu.memory_space<semaphore_mem>>) src(%arg15 : memref<640xf32, #tpu.memory_space<vmem>>) dst(%dma_wait3A_189 : memref<640xf32, #tpu.memory_space<vmem_shared>>)
      tpu.yield
    }) : () -> ()
    %scan3A_164 = arith.constant 0 : i32
    %scan3A_165 = arith.constant 0 : i32
    %scan3A_166 = arith.constant 640 : i32
    %scan3A_167 = arith.addi %scan3A_165, %scan3A_166 : i32
    %scan3A_168 = arith.constant 8 : i32
    scf.for %scan3A_186 = %scan3A_165 to %scan3A_167 step %scan3A_168  : i32 {
      %swap3A = arith.index_cast %scan3A_186 : i32 to index
      %swap3A_187 = arith.constant 0 : index
      %swap3A_188 = tpu.vector_load %arg17[%swap3A, %swap3A_187] {strides = array<i32>} : memref<640x16xf32, #tpu.memory_space<vmem>>, vector<16xf32>,
      tpu.vector_store %arg17[%swap3A, %swap3A_187], %broadcast_in_dim3A_5 {strides = array<i32>} : memref<640x16xf32, #tpu.memory_space<vmem>>, vector<16xf32>,
      %scan3A_189 = arith.constant 1 : i32
      %scan3A_190 = arith.addi %scan3A_186, %scan3A_189 : i32
      %swap3A_191 = arith.index_cast %scan3A_190 : i32 to index
      %swap3A_192 = arith.constant 0 : index
      %swap3A_193 = tpu.vector_load %arg17[%swap3A_191, %swap3A_192] {strides = array<i32>} : memref<640x16xf32, #tpu.memory_space<vmem>>, vector<16xf32>,
      tpu.vector_store %arg17[%swap3A_191, %swap3A_192], %broadcast_in_dim3A_5 {strides = array<i32>} : memref<640x16xf32, #tpu.memory_space<vmem>>, vector<16xf32>,
      %scan3A_194 = arith.constant 2 : i32
      %scan3A_195 = arith.addi %scan3A_186, %scan3A_194 : i32
      %swap3A_196 = arith.index_cast %scan3A_195 : i32 to index
      %swap3A_197 = arith.constant 0 : index
      %swap3A_198 = tpu.vector_load %arg17[%swap3A_196, %swap3A_197] {strides = array<i32>} : memref<640x16xf32, #tpu.memory_space<vmem>>, vector<16xf32>,
      tpu.vector_store %arg17[%swap3A_196, %swap3A_197], %broadcast_in_dim3A_5 {strides = array<i32>} : memref<640x16xf32, #tpu.memory_space<vmem>>, vector<16xf32>,
      %scan3A_199 = arith.constant 3 : i32
      %scan3A_200 = arith.addi %scan3A_186, %scan3A_199 : i32
      %swap3A_201 = arith.index_cast %scan3A_200 : i32 to index
      %swap3A_202 = arith.constant 0 : index
      %swap3A_203 = tpu.vector_load %arg17[%swap3A_201, %swap3A_202] {strides = array<i32>} : memref<640x16xf32, #tpu.memory_space<vmem>>, vector<16xf32>,
      tpu.vector_store %arg17[%swap3A_201, %swap3A_202], %broadcast_in_dim3A_5 {strides = array<i32>} : memref<640x16xf32, #tpu.memory_space<vmem>>, vector<16xf32>,
      %scan3A_204 = arith.constant 4 : i32
      %scan3A_205 = arith.addi %scan3A_186, %scan3A_204 : i32
      %swap3A_206 = arith.index_cast %scan3A_205 : i32 to index
      %swap3A_207 = arith.constant 0 : index
      %swap3A_208 = tpu.vector_load %arg17[%swap3A_206, %swap3A_207] {strides = array<i32>} : memref<640x16xf32, #tpu.memory_space<vmem>>, vector<16xf32>,
      tpu.vector_store %arg17[%swap3A_206, %swap3A_207], %broadcast_in_dim3A_5 {strides = array<i32>} : memref<640x16xf32, #tpu.memory_space<vmem>>, vector<16xf32>,
      %scan3A_209 = arith.constant 5 : i32
      %scan3A_210 = arith.addi %scan3A_186, %scan3A_209 : i32
      %swap3A_211 = arith.index_cast %scan3A_210 : i32 to index
      %swap3A_212 = arith.constant 0 : index
      %swap3A_213 = tpu.vector_load %arg17[%swap3A_211, %swap3A_212] {strides = array<i32>} : memref<640x16xf32, #tpu.memory_space<vmem>>, vector<16xf32>,
      tpu.vector_store %arg17[%swap3A_211, %swap3A_212], %broadcast_in_dim3A_5 {strides = array<i32>} : memref<640x16xf32, #tpu.memory_space<vmem>>, vector<16xf32>,
      %scan3A_214 = arith.constant 6 : i32
      %scan3A_215 = arith.addi %scan3A_186, %scan3A_214 : i32
      %swap3A_216 = arith.index_cast %scan3A_215 : i32 to index
      %swap3A_217 = arith.constant 0 : index
      %swap3A_218 = tpu.vector_load %arg17[%swap3A_216, %swap3A_217] {strides = array<i32>} : memref<640x16xf32, #tpu.memory_space<vmem>>, vector<16xf32>,
      tpu.vector_store %arg17[%swap3A_216, %swap3A_217], %broadcast_in_dim3A_5 {strides = array<i32>} : memref<640x16xf32, #tpu.memory_space<vmem>>, vector<16xf32>,
      %scan3A_219 = arith.constant 7 : i32
      %scan3A_220 = arith.addi %scan3A_186, %scan3A_219 : i32
      %swap3A_221 = arith.index_cast %scan3A_220 : i32 to index
      %swap3A_222 = arith.constant 0 : index
      %swap3A_223 = tpu.vector_load %arg17[%swap3A_221, %swap3A_222] {strides = array<i32>} : memref<640x16xf32, #tpu.memory_space<vmem>>, vector<16xf32>,
      tpu.vector_store %arg17[%swap3A_221, %swap3A_222], %broadcast_in_dim3A_5 {strides = array<i32>} : memref<640x16xf32, #tpu.memory_space<vmem>>, vector<16xf32>,
    }
    %scan3A_169 = arith.constant 640 : i32
    "tpu.region"() ({
      %run_scoped3A = tpu.sem_alloc : memref<!tpu.dma_semaphore, #tpu.memory_space<semaphore_mem>>
      %dma_start3A_186 = arith.constant 0 : i32
      %dma_start3A_187 = arith.constant 0 : i32
      %dma_start3A_188 = tpu.memref_slice %arg17[%dma_start3A_186, %dma_start3A_187] : memref<640x16xf32, #tpu.memory_space<vmem>> -> memref<40x16xf32, #tpu.memory_space<vmem>>
      %dma_start3A_189 = arith.constant 0 : i32
      %dma_start3A_190 = tpu.memref_slice %arg22[%mul3A_2, %dma_start3A_189] : memref<640x16xf32, #tpu.memory_space<vmem_shared>> -> memref<40x16xf32, #tpu.memory_space<vmem_shared>>
      %dma_start3A_191 = arith.constant 0 : i32
      %dma_start3A_192 = tpu.memref_slice %arg22[%mul3A_2, %dma_start3A_191] : memref<640x16xf32, #tpu.memory_space<vmem_shared>> -> memref<40x16xf32, #tpu.memory_space<vmem_shared>>
      %dma_start3A_193 = arith.constant 0 : i32
      %dma_start3A_194 = arith.constant 0 : i32
      %dma_start3A_195 = tpu.memref_slice %arg17[%dma_start3A_193, %dma_start3A_194] : memref<640x16xf32, #tpu.memory_space<vmem>> -> memref<40x16xf32, #tpu.memory_space<vmem>>
      tpu.enqueue_dma source(%dma_start3A_195 : memref<40x16xf32, #tpu.memory_space<vmem>>) target(%dma_start3A_192 : memref<40x16xf32, #tpu.memory_space<vmem_shared>>) target_semaphore(%run_scoped3A : memref<!tpu.dma_semaphore, #tpu.memory_space<semaphore_mem>>)
      %dma_wait3A_196 = arith.constant 0 : i32
      %dma_wait3A_197 = arith.constant 0 : i32
      %dma_wait3A_198 = tpu.memref_slice %arg17[%dma_wait3A_196, %dma_wait3A_197] : memref<640x16xf32, #tpu.memory_space<vmem>> -> memref<40x16xf32, #tpu.memory_space<vmem>>
      %dma_wait3A_199 = arith.constant 0 : i32
      %dma_wait3A_200 = tpu.memref_slice %arg22[%mul3A_2, %dma_wait3A_199] : memref<640x16xf32, #tpu.memory_space<vmem_shared>> -> memref<40x16xf32, #tpu.memory_space<vmem_shared>>
      %dma_wait3A_201 = arith.constant 0 : i32
      %dma_wait3A_202 = tpu.memref_slice %arg22[%mul3A_2, %dma_wait3A_201] : memref<640x16xf32, #tpu.memory_space<vmem_shared>> -> memref<40x16xf32, #tpu.memory_space<vmem_shared>>
      %dma_wait3A_203 = arith.constant 0 : i32
      %dma_wait3A_204 = arith.constant 0 : i32
      %dma_wait3A_205 = tpu.memref_slice %arg17[%dma_wait3A_203, %dma_wait3A_204] : memref<640x16xf32, #tpu.memory_space<vmem>> -> memref<40x16xf32, #tpu.memory_space<vmem>>
      tpu.wait_dma2 semaphore(%run_scoped3A : memref<!tpu.dma_semaphore, #tpu.memory_space<semaphore_mem>>) src(%dma_wait3A_205 : memref<40x16xf32, #tpu.memory_space<vmem>>) dst(%dma_wait3A_202 : memref<40x16xf32, #tpu.memory_space<vmem_shared>>)
      tpu.yield
    }) : () -> ()
    %barrier3A_170 = arith.constant 0 : index
    tpu.barrier barrier_id(%barrier3A_170)
    "tpu.region"() ({
      %run_scoped3A = tpu.sem_alloc : memref<!tpu.dma_semaphore, #tpu.memory_space<semaphore_mem>>
      tpu.enqueue_dma source(%arg24 : memref<10240xf32, #tpu.memory_space<vmem_shared>>) target(%arg16 : memref<10240xf32, #tpu.memory_space<vmem>>) target_semaphore(%run_scoped3A : memref<!tpu.dma_semaphore, #tpu.memory_space<semaphore_mem>>)
      tpu.wait_dma2 semaphore(%run_scoped3A : memref<!tpu.dma_semaphore, #tpu.memory_space<semaphore_mem>>) src(%arg24 : memref<10240xf32, #tpu.memory_space<vmem_shared>>) dst(%arg16 : memref<10240xf32, #tpu.memory_space<vmem>>)
      tpu.yield
    }) : () -> ()
    %scan3A_171 = arith.constant 0 : i32
    %scan3A_172 = arith.constant 0 : i32
    %scan3A_173 = arith.constant 157 : i32
    %scan3A_174 = arith.addi %scan3A_172, %scan3A_173 : i32
    %scan3A_175 = arith.constant 1 : i32
    scf.for %scan3A_186 = %scan3A_172 to %scan3A_174 step %scan3A_175  : i32 {
      %mul3A_187 = arith.constant 128 : i32
      %mul3A_188 = arith.muli %scan3A_186, %mul3A_187 : i32
      %add3A = arith.constant 0 : i32
      %add3A_189 = arith.addi %mul3A_188, %add3A : i32
      %get3A_190 = arith.index_cast %add3A_189 : i32 to index
      %get3A_191 = tpu.vector_load %arg10[%get3A_190] {strides = array<i32>} : memref<20096xi32, #tpu.memory_space<vmem>>, vector<16xi32>,
      %gather3A = tpu.vector_load_idx %arg16[%get3A_191] : memref<10240xf32, #tpu.memory_space<vmem>>[vector<16xi32>], vector<16xf32>,
      %get3A_192 = arith.index_cast %scan3A_186 : i32 to index
      %get3A_193 = arith.constant 0 : index
      %get3A_194 = tpu.vector_load %arg11[%get3A_192, %get3A_193] {strides = array<i32>} : memref<157x128xi32, #tpu.memory_space<vmem>>, vector<16xi32>,
      %shift_right_logical3A = arith.constant 4 : i32
      %shift_right_logical3A_195 = vector.broadcast %shift_right_logical3A : i32 to vector<16xi32>
      %shift_right_logical3A_196 = arith.shrui %get3A_194, %shift_right_logical3A_195 : vector<16xi32>
      %and3A = arith.constant 15 : i32
      %and3A_197 = vector.broadcast %and3A : i32 to vector<16xi32>
      %and3A_198 = arith.andi %get3A_194, %and3A_197 : vector<16xi32>
      tpu.vector_store_idx %arg17[%shift_right_logical3A_196, %and3A_198], %gather3A {add = true} : memref<640x16xf32, #tpu.memory_space<vmem>>[vector<16xi32>, vector<16xi32>], vector<16xf32>,
      %mul3A_199 = arith.constant 128 : i32
      %mul3A_200 = arith.muli %scan3A_186, %mul3A_199 : i32
      %add3A_201 = arith.constant 16 : i32
      %add3A_202 = arith.addi %mul3A_200, %add3A_201 : i32
      %get3A_203 = arith.index_cast %add3A_202 : i32 to index
      %get3A_204 = tpu.vector_load %arg10[%get3A_203] {strides = array<i32>} : memref<20096xi32, #tpu.memory_space<vmem>>, vector<16xi32>,
      %gather3A_205 = tpu.vector_load_idx %arg16[%get3A_204] : memref<10240xf32, #tpu.memory_space<vmem>>[vector<16xi32>], vector<16xf32>,
      %get3A_206 = arith.index_cast %scan3A_186 : i32 to index
      %get3A_207 = arith.constant 16 : index
      %get3A_208 = tpu.vector_load %arg11[%get3A_206, %get3A_207] {strides = array<i32>} : memref<157x128xi32, #tpu.memory_space<vmem>>, vector<16xi32>,
      %shift_right_logical3A_209 = arith.constant 4 : i32
      %shift_right_logical3A_210 = vector.broadcast %shift_right_logical3A_209 : i32 to vector<16xi32>
      %shift_right_logical3A_211 = arith.shrui %get3A_208, %shift_right_logical3A_210 : vector<16xi32>
      %and3A_212 = arith.constant 15 : i32
      %and3A_213 = vector.broadcast %and3A_212 : i32 to vector<16xi32>
      %and3A_214 = arith.andi %get3A_208, %and3A_213 : vector<16xi32>
      tpu.vector_store_idx %arg17[%shift_right_logical3A_211, %and3A_214], %gather3A_205 {add = true} : memref<640x16xf32, #tpu.memory_space<vmem>>[vector<16xi32>, vector<16xi32>], vector<16xf32>,
      %mul3A_215 = arith.constant 128 : i32
      %mul3A_216 = arith.muli %scan3A_186, %mul3A_215 : i32
      %add3A_217 = arith.constant 32 : i32
      %add3A_218 = arith.addi %mul3A_216, %add3A_217 : i32
      %get3A_219 = arith.index_cast %add3A_218 : i32 to index
      %get3A_220 = tpu.vector_load %arg10[%get3A_219] {strides = array<i32>} : memref<20096xi32, #tpu.memory_space<vmem>>, vector<16xi32>,
      %gather3A_221 = tpu.vector_load_idx %arg16[%get3A_220] : memref<10240xf32, #tpu.memory_space<vmem>>[vector<16xi32>], vector<16xf32>,
      %get3A_222 = arith.index_cast %scan3A_186 : i32 to index
      %get3A_223 = arith.constant 32 : index
      %get3A_224 = tpu.vector_load %arg11[%get3A_222, %get3A_223] {strides = array<i32>} : memref<157x128xi32, #tpu.memory_space<vmem>>, vector<16xi32>,
      %shift_right_logical3A_225 = arith.constant 4 : i32
      %shift_right_logical3A_226 = vector.broadcast %shift_right_logical3A_225 : i32 to vector<16xi32>
      %shift_right_logical3A_227 = arith.shrui %get3A_224, %shift_right_logical3A_226 : vector<16xi32>
      %and3A_228 = arith.constant 15 : i32
      %and3A_229 = vector.broadcast %and3A_228 : i32 to vector<16xi32>
      %and3A_230 = arith.andi %get3A_224, %and3A_229 : vector<16xi32>
      tpu.vector_store_idx %arg17[%shift_right_logical3A_227, %and3A_230], %gather3A_221 {add = true} : memref<640x16xf32, #tpu.memory_space<vmem>>[vector<16xi32>, vector<16xi32>], vector<16xf32>,
      %mul3A_231 = arith.constant 128 : i32
      %mul3A_232 = arith.muli %scan3A_186, %mul3A_231 : i32
      %add3A_233 = arith.constant 48 : i32
      %add3A_234 = arith.addi %mul3A_232, %add3A_233 : i32
      %get3A_235 = arith.index_cast %add3A_234 : i32 to index
      %get3A_236 = tpu.vector_load %arg10[%get3A_235] {strides = array<i32>} : memref<20096xi32, #tpu.memory_space<vmem>>, vector<16xi32>,
      %gather3A_237 = tpu.vector_load_idx %arg16[%get3A_236] : memref<10240xf32, #tpu.memory_space<vmem>>[vector<16xi32>], vector<16xf32>,
      %get3A_238 = arith.index_cast %scan3A_186 : i32 to index
      %get3A_239 = arith.constant 48 : index
      %get3A_240 = tpu.vector_load %arg11[%get3A_238, %get3A_239] {strides = array<i32>} : memref<157x128xi32, #tpu.memory_space<vmem>>, vector<16xi32>,
      %shift_right_logical3A_241 = arith.constant 4 : i32
      %shift_right_logical3A_242 = vector.broadcast %shift_right_logical3A_241 : i32 to vector<16xi32>
      %shift_right_logical3A_243 = arith.shrui %get3A_240, %shift_right_logical3A_242 : vector<16xi32>
      %and3A_244 = arith.constant 15 : i32
      %and3A_245 = vector.broadcast %and3A_244 : i32 to vector<16xi32>
      %and3A_246 = arith.andi %get3A_240, %and3A_245 : vector<16xi32>
      tpu.vector_store_idx %arg17[%shift_right_logical3A_243, %and3A_246], %gather3A_237 {add = true} : memref<640x16xf32, #tpu.memory_space<vmem>>[vector<16xi32>, vector<16xi32>], vector<16xf32>,
      %mul3A_247 = arith.constant 128 : i32
      %mul3A_248 = arith.muli %scan3A_186, %mul3A_247 : i32
      %add3A_249 = arith.constant 64 : i32
      %add3A_250 = arith.addi %mul3A_248, %add3A_249 : i32
      %get3A_251 = arith.index_cast %add3A_250 : i32 to index
      %get3A_252 = tpu.vector_load %arg10[%get3A_251] {strides = array<i32>} : memref<20096xi32, #tpu.memory_space<vmem>>, vector<16xi32>,
      %gather3A_253 = tpu.vector_load_idx %arg16[%get3A_252] : memref<10240xf32, #tpu.memory_space<vmem>>[vector<16xi32>], vector<16xf32>,
      %get3A_254 = arith.index_cast %scan3A_186 : i32 to index
      %get3A_255 = arith.constant 64 : index
      %get3A_256 = tpu.vector_load %arg11[%get3A_254, %get3A_255] {strides = array<i32>} : memref<157x128xi32, #tpu.memory_space<vmem>>, vector<16xi32>,
      %shift_right_logical3A_257 = arith.constant 4 : i32
      %shift_right_logical3A_258 = vector.broadcast %shift_right_logical3A_257 : i32 to vector<16xi32>
      %shift_right_logical3A_259 = arith.shrui %get3A_256, %shift_right_logical3A_258 : vector<16xi32>
      %and3A_260 = arith.constant 15 : i32
      %and3A_261 = vector.broadcast %and3A_260 : i32 to vector<16xi32>
      %and3A_262 = arith.andi %get3A_256, %and3A_261 : vector<16xi32>
      tpu.vector_store_idx %arg17[%shift_right_logical3A_259, %and3A_262], %gather3A_253 {add = true} : memref<640x16xf32, #tpu.memory_space<vmem>>[vector<16xi32>, vector<16xi32>], vector<16xf32>,
      %mul3A_263 = arith.constant 128 : i32
      %mul3A_264 = arith.muli %scan3A_186, %mul3A_263 : i32
      %add3A_265 = arith.constant 80 : i32
      %add3A_266 = arith.addi %mul3A_264, %add3A_265 : i32
      %get3A_267 = arith.index_cast %add3A_266 : i32 to index
      %get3A_268 = tpu.vector_load %arg10[%get3A_267] {strides = array<i32>} : memref<20096xi32, #tpu.memory_space<vmem>>, vector<16xi32>,
      %gather3A_269 = tpu.vector_load_idx %arg16[%get3A_268] : memref<10240xf32, #tpu.memory_space<vmem>>[vector<16xi32>], vector<16xf32>,
      %get3A_270 = arith.index_cast %scan3A_186 : i32 to index
      %get3A_271 = arith.constant 80 : index
      %get3A_272 = tpu.vector_load %arg11[%get3A_270, %get3A_271] {strides = array<i32>} : memref<157x128xi32, #tpu.memory_space<vmem>>, vector<16xi32>,
      %shift_right_logical3A_273 = arith.constant 4 : i32
      %shift_right_logical3A_274 = vector.broadcast %shift_right_logical3A_273 : i32 to vector<16xi32>
      %shift_right_logical3A_275 = arith.shrui %get3A_272, %shift_right_logical3A_274 : vector<16xi32>
      %and3A_276 = arith.constant 15 : i32
      %and3A_277 = vector.broadcast %and3A_276 : i32 to vector<16xi32>
      %and3A_278 = arith.andi %get3A_272, %and3A_277 : vector<16xi32>
      tpu.vector_store_idx %arg17[%shift_right_logical3A_275, %and3A_278], %gather3A_269 {add = true} : memref<640x16xf32, #tpu.memory_space<vmem>>[vector<16xi32>, vector<16xi32>], vector<16xf32>,
      %mul3A_279 = arith.constant 128 : i32
      %mul3A_280 = arith.muli %scan3A_186, %mul3A_279 : i32
      %add3A_281 = arith.constant 96 : i32
      %add3A_282 = arith.addi %mul3A_280, %add3A_281 : i32
      %get3A_283 = arith.index_cast %add3A_282 : i32 to index
      %get3A_284 = tpu.vector_load %arg10[%get3A_283] {strides = array<i32>} : memref<20096xi32, #tpu.memory_space<vmem>>, vector<16xi32>,
      %gather3A_285 = tpu.vector_load_idx %arg16[%get3A_284] : memref<10240xf32, #tpu.memory_space<vmem>>[vector<16xi32>], vector<16xf32>,
      %get3A_286 = arith.index_cast %scan3A_186 : i32 to index
      %get3A_287 = arith.constant 96 : index
      %get3A_288 = tpu.vector_load %arg11[%get3A_286, %get3A_287] {strides = array<i32>} : memref<157x128xi32, #tpu.memory_space<vmem>>, vector<16xi32>,
      %shift_right_logical3A_289 = arith.constant 4 : i32
      %shift_right_logical3A_290 = vector.broadcast %shift_right_logical3A_289 : i32 to vector<16xi32>
      %shift_right_logical3A_291 = arith.shrui %get3A_288, %shift_right_logical3A_290 : vector<16xi32>
      %and3A_292 = arith.constant 15 : i32
      %and3A_293 = vector.broadcast %and3A_292 : i32 to vector<16xi32>
      %and3A_294 = arith.andi %get3A_288, %and3A_293 : vector<16xi32>
      tpu.vector_store_idx %arg17[%shift_right_logical3A_291, %and3A_294], %gather3A_285 {add = true} : memref<640x16xf32, #tpu.memory_space<vmem>>[vector<16xi32>, vector<16xi32>], vector<16xf32>,
      %mul3A_295 = arith.constant 128 : i32
      %mul3A_296 = arith.muli %scan3A_186, %mul3A_295 : i32
      %add3A_297 = arith.constant 112 : i32
      %add3A_298 = arith.addi %mul3A_296, %add3A_297 : i32
      %get3A_299 = arith.index_cast %add3A_298 : i32 to index
      %get3A_300 = tpu.vector_load %arg10[%get3A_299] {strides = array<i32>} : memref<20096xi32, #tpu.memory_space<vmem>>, vector<16xi32>,
      %gather3A_301 = tpu.vector_load_idx %arg16[%get3A_300] : memref<10240xf32, #tpu.memory_space<vmem>>[vector<16xi32>], vector<16xf32>,
      %get3A_302 = arith.index_cast %scan3A_186 : i32 to index
      %get3A_303 = arith.constant 112 : index
      %get3A_304 = tpu.vector_load %arg11[%get3A_302, %get3A_303] {strides = array<i32>} : memref<157x128xi32, #tpu.memory_space<vmem>>, vector<16xi32>,
      %shift_right_logical3A_305 = arith.constant 4 : i32
      %shift_right_logical3A_306 = vector.broadcast %shift_right_logical3A_305 : i32 to vector<16xi32>
      %shift_right_logical3A_307 = arith.shrui %get3A_304, %shift_right_logical3A_306 : vector<16xi32>
      %and3A_308 = arith.constant 15 : i32
      %and3A_309 = vector.broadcast %and3A_308 : i32 to vector<16xi32>
      %and3A_310 = arith.andi %get3A_304, %and3A_309 : vector<16xi32>
      tpu.vector_store_idx %arg17[%shift_right_logical3A_307, %and3A_310], %gather3A_301 {add = true} : memref<640x16xf32, #tpu.memory_space<vmem>>[vector<16xi32>, vector<16xi32>], vector<16xf32>,
    }
    %scan3A_176 = arith.constant 157 : i32
    "tpu.region"() ({
      %run_scoped3A = tpu.sem_alloc : memref<!tpu.dma_semaphore, #tpu.memory_space<semaphore_mem>>
      %dma_start3A_186 = arith.constant 0 : i32
      %dma_start3A_187 = arith.constant 0 : i32
      %dma_start3A_188 = tpu.memref_slice %arg22[%dma_start3A_186, %dma_start3A_187] : memref<640x16xf32, #tpu.memory_space<vmem_shared>> -> memref<640x16xf32, #tpu.memory_space<vmem_shared>>
      tpu.enqueue_indirect_dma source(%arg17 : memref<640x16xf32, #tpu.memory_space<vmem>>) target(%dma_start3A_188 : memref<640x16xf32, #tpu.memory_space<vmem_shared>>) offsets(%arg18 : memref<640xi32, #tpu.memory_space<vmem>>) semaphore(%run_scoped3A : memref<!tpu.dma_semaphore, #tpu.memory_space<semaphore_mem>>) {add = true}
      %dma_wait3A_189 = arith.constant 0 : i32
      %dma_wait3A_190 = arith.constant 0 : i32
      %dma_wait3A_191 = tpu.memref_slice %arg22[%dma_wait3A_189, %dma_wait3A_190] : memref<640x16xf32, #tpu.memory_space<vmem_shared>> -> memref<640x16xf32, #tpu.memory_space<vmem_shared>>
      tpu.wait_indirect_dma semaphore(%run_scoped3A : memref<!tpu.dma_semaphore, #tpu.memory_space<semaphore_mem>>) src(%arg17 : memref<640x16xf32, #tpu.memory_space<vmem>>) dst(%dma_wait3A_191 : memref<640x16xf32, #tpu.memory_space<vmem_shared>>)
      tpu.yield
    }) : () -> ()
    %barrier3A_177 = arith.constant 0 : index
    tpu.barrier barrier_id(%barrier3A_177)
    "tpu.region"() ({
      %run_scoped3A = tpu.sem_alloc : memref<!tpu.dma_semaphore, #tpu.memory_space<semaphore_mem>>
      %dma_start3A_186 = arith.constant 0 : i32
      %dma_start3A_187 = arith.constant 0 : i32
      %dma_start3A_188 = tpu.memref_slice %arg17[%dma_start3A_186, %dma_start3A_187] : memref<640x16xf32, #tpu.memory_space<vmem>> -> memref<40x16xf32, #tpu.memory_space<vmem>>
      %dma_start3A_189 = arith.constant 0 : i32
      %dma_start3A_190 = tpu.memref_slice %arg22[%mul3A_2, %dma_start3A_189] : memref<640x16xf32, #tpu.memory_space<vmem_shared>> -> memref<40x16xf32, #tpu.memory_space<vmem_shared>>
      %dma_start3A_191 = arith.constant 0 : i32
      %dma_start3A_192 = arith.constant 0 : i32
      %dma_start3A_193 = tpu.memref_slice %arg17[%dma_start3A_191, %dma_start3A_192] : memref<640x16xf32, #tpu.memory_space<vmem>> -> memref<40x16xf32, #tpu.memory_space<vmem>>
      %dma_start3A_194 = arith.constant 0 : i32
      %dma_start3A_195 = tpu.memref_slice %arg22[%mul3A_2, %dma_start3A_194] : memref<640x16xf32, #tpu.memory_space<vmem_shared>> -> memref<40x16xf32, #tpu.memory_space<vmem_shared>>
      tpu.enqueue_dma source(%dma_start3A_195 : memref<40x16xf32, #tpu.memory_space<vmem_shared>>) target(%dma_start3A_193 : memref<40x16xf32, #tpu.memory_space<vmem>>) target_semaphore(%run_scoped3A : memref<!tpu.dma_semaphore, #tpu.memory_space<semaphore_mem>>)
      %dma_wait3A_196 = arith.constant 0 : i32
      %dma_wait3A_197 = arith.constant 0 : i32
      %dma_wait3A_198 = tpu.memref_slice %arg17[%dma_wait3A_196, %dma_wait3A_197] : memref<640x16xf32, #tpu.memory_space<vmem>> -> memref<40x16xf32, #tpu.memory_space<vmem>>
      %dma_wait3A_199 = arith.constant 0 : i32
      %dma_wait3A_200 = tpu.memref_slice %arg22[%mul3A_2, %dma_wait3A_199] : memref<640x16xf32, #tpu.memory_space<vmem_shared>> -> memref<40x16xf32, #tpu.memory_space<vmem_shared>>
      %dma_wait3A_201 = arith.constant 0 : i32
      %dma_wait3A_202 = arith.constant 0 : i32
      %dma_wait3A_203 = tpu.memref_slice %arg17[%dma_wait3A_201, %dma_wait3A_202] : memref<640x16xf32, #tpu.memory_space<vmem>> -> memref<40x16xf32, #tpu.memory_space<vmem>>
      %dma_wait3A_204 = arith.constant 0 : i32
      %dma_wait3A_205 = tpu.memref_slice %arg22[%mul3A_2, %dma_wait3A_204] : memref<640x16xf32, #tpu.memory_space<vmem_shared>> -> memref<40x16xf32, #tpu.memory_space<vmem_shared>>
      tpu.wait_dma2 semaphore(%run_scoped3A : memref<!tpu.dma_semaphore, #tpu.memory_space<semaphore_mem>>) src(%dma_wait3A_205 : memref<40x16xf32, #tpu.memory_space<vmem_shared>>) dst(%dma_wait3A_203 : memref<40x16xf32, #tpu.memory_space<vmem>>)
      tpu.yield
    }) : () -> ()
    %get3A_178 = arith.constant 0 : index
    %get3A_179 = tpu.vector_load %arg21[%get3A_178] {strides = array<i32>} : memref<16xf32, #tpu.memory_space<vmem>>, vector<16xf32>,
    %scan3A_180 = arith.constant 0 : i32
    %scan3A_181 = arith.constant 0 : i32
    %scan3A_182 = arith.constant 40 : i32
    %scan3A_183 = arith.addi %scan3A_181, %scan3A_182 : i32
    %scan3A_184 = arith.constant 4 : i32
    scf.for %scan3A_186 = %scan3A_181 to %scan3A_183 step %scan3A_184  : i32 {
      %mul3A_187 = arith.constant 16 : i32
      %mul3A_188 = arith.muli %scan3A_186, %mul3A_187 : i32
      %get3A_189 = arith.index_cast %scan3A_186 : i32 to index
      %get3A_190 = arith.constant 0 : index
      %get3A_191 = tpu.vector_load %arg17[%get3A_189, %get3A_190] {strides = array<i32>} : memref<640x16xf32, #tpu.memory_space<vmem>>, vector<16xf32>,
      %get3A_192 = arith.index_cast %scan3A_186 : i32 to index
      %get3A_193 = arith.constant 0 : index
      %get3A_194 = tpu.vector_load %arg14[%get3A_192, %get3A_193] {strides = array<i32>} : memref<40x16xf32, #tpu.memory_space<vmem>>, vector<16xf32>,
      %get3A_195 = arith.index_cast %mul3A_188 : i32 to index
      %get3A_196 = tpu.vector_load %arg15[%get3A_195] {strides = array<i32>} : memref<640xf32, #tpu.memory_space<vmem>>, vector<16xf32>,
      %add3A = arith.addf %get3A_191, %get3A_196 : vector<16xf32>
      %mul3A_197 = arith.mulf %add3A, %get3A_194 : vector<16xf32>
      %add3A_198 = arith.addf %mul3A_197, %get3A_179 : vector<16xf32>
      %swap3A = arith.index_cast %mul3A_188 : i32 to index
      %swap3A_199 = tpu.vector_load %arg15[%swap3A] {strides = array<i32>} : memref<640xf32, #tpu.memory_space<vmem>>, vector<16xf32>,
      tpu.vector_store %arg15[%swap3A], %add3A_198 {strides = array<i32>} : memref<640xf32, #tpu.memory_space<vmem>>, vector<16xf32>,
      %scan3A_200 = arith.constant 1 : i32
      %scan3A_201 = arith.addi %scan3A_186, %scan3A_200 : i32
      %mul3A_202 = arith.constant 16 : i32
      %mul3A_203 = arith.muli %scan3A_201, %mul3A_202 : i32
      %get3A_204 = arith.index_cast %scan3A_201 : i32 to index
      %get3A_205 = arith.constant 0 : index
      %get3A_206 = tpu.vector_load %arg17[%get3A_204, %get3A_205] {strides = array<i32>} : memref<640x16xf32, #tpu.memory_space<vmem>>, vector<16xf32>,
      %get3A_207 = arith.index_cast %scan3A_201 : i32 to index
      %get3A_208 = arith.constant 0 : index
      %get3A_209 = tpu.vector_load %arg14[%get3A_207, %get3A_208] {strides = array<i32>} : memref<40x16xf32, #tpu.memory_space<vmem>>, vector<16xf32>,
      %get3A_210 = arith.index_cast %mul3A_203 : i32 to index
      %get3A_211 = tpu.vector_load %arg15[%get3A_210] {strides = array<i32>} : memref<640xf32, #tpu.memory_space<vmem>>, vector<16xf32>,
      %add3A_212 = arith.addf %get3A_206, %get3A_211 : vector<16xf32>
      %mul3A_213 = arith.mulf %add3A_212, %get3A_209 : vector<16xf32>
      %add3A_214 = arith.addf %mul3A_213, %get3A_179 : vector<16xf32>
      %swap3A_215 = arith.index_cast %mul3A_203 : i32 to index
      %swap3A_216 = tpu.vector_load %arg15[%swap3A_215] {strides = array<i32>} : memref<640xf32, #tpu.memory_space<vmem>>, vector<16xf32>,
      tpu.vector_store %arg15[%swap3A_215], %add3A_214 {strides = array<i32>} : memref<640xf32, #tpu.memory_space<vmem>>, vector<16xf32>,
      %scan3A_217 = arith.constant 2 : i32
      %scan3A_218 = arith.addi %scan3A_186, %scan3A_217 : i32
      %mul3A_219 = arith.constant 16 : i32
      %mul3A_220 = arith.muli %scan3A_218, %mul3A_219 : i32
      %get3A_221 = arith.index_cast %scan3A_218 : i32 to index
      %get3A_222 = arith.constant 0 : index
      %get3A_223 = tpu.vector_load %arg17[%get3A_221, %get3A_222] {strides = array<i32>} : memref<640x16xf32, #tpu.memory_space<vmem>>, vector<16xf32>,
      %get3A_224 = arith.index_cast %scan3A_218 : i32 to index
      %get3A_225 = arith.constant 0 : index
      %get3A_226 = tpu.vector_load %arg14[%get3A_224, %get3A_225] {strides = array<i32>} : memref<40x16xf32, #tpu.memory_space<vmem>>, vector<16xf32>,
      %get3A_227 = arith.index_cast %mul3A_220 : i32 to index
      %get3A_228 = tpu.vector_load %arg15[%get3A_227] {strides = array<i32>} : memref<640xf32, #tpu.memory_space<vmem>>, vector<16xf32>,
      %add3A_229 = arith.addf %get3A_223, %get3A_228 : vector<16xf32>
      %mul3A_230 = arith.mulf %add3A_229, %get3A_226 : vector<16xf32>
      %add3A_231 = arith.addf %mul3A_230, %get3A_179 : vector<16xf32>
      %swap3A_232 = arith.index_cast %mul3A_220 : i32 to index
      %swap3A_233 = tpu.vector_load %arg15[%swap3A_232] {strides = array<i32>} : memref<640xf32, #tpu.memory_space<vmem>>, vector<16xf32>,
      tpu.vector_store %arg15[%swap3A_232], %add3A_231 {strides = array<i32>} : memref<640xf32, #tpu.memory_space<vmem>>, vector<16xf32>,
      %scan3A_234 = arith.constant 3 : i32
      %scan3A_235 = arith.addi %scan3A_186, %scan3A_234 : i32
      %mul3A_236 = arith.constant 16 : i32
      %mul3A_237 = arith.muli %scan3A_235, %mul3A_236 : i32
      %get3A_238 = arith.index_cast %scan3A_235 : i32 to index
      %get3A_239 = arith.constant 0 : index
      %get3A_240 = tpu.vector_load %arg17[%get3A_238, %get3A_239] {strides = array<i32>} : memref<640x16xf32, #tpu.memory_space<vmem>>, vector<16xf32>,
      %get3A_241 = arith.index_cast %scan3A_235 : i32 to index
      %get3A_242 = arith.constant 0 : index
      %get3A_243 = tpu.vector_load %arg14[%get3A_241, %get3A_242] {strides = array<i32>} : memref<40x16xf32, #tpu.memory_space<vmem>>, vector<16xf32>,
      %get3A_244 = arith.index_cast %mul3A_237 : i32 to index
      %get3A_245 = tpu.vector_load %arg15[%get3A_244] {strides = array<i32>} : memref<640xf32, #tpu.memory_space<vmem>>, vector<16xf32>,
      %add3A_246 = arith.addf %get3A_240, %get3A_245 : vector<16xf32>
      %mul3A_247 = arith.mulf %add3A_246, %get3A_243 : vector<16xf32>
      %add3A_248 = arith.addf %mul3A_247, %get3A_179 : vector<16xf32>
      %swap3A_249 = arith.index_cast %mul3A_237 : i32 to index
      %swap3A_250 = tpu.vector_load %arg15[%swap3A_249] {strides = array<i32>} : memref<640xf32, #tpu.memory_space<vmem>>, vector<16xf32>,
      tpu.vector_store %arg15[%swap3A_249], %add3A_248 {strides = array<i32>} : memref<640xf32, #tpu.memory_space<vmem>>, vector<16xf32>,
    }
    %scan3A_185 = arith.constant 40 : i32
    "tpu.region"() ({
      %run_scoped3A = tpu.sem_alloc : memref<!tpu.dma_semaphore, #tpu.memory_space<semaphore_mem>>
      %dma_start3A_186 = tpu.memref_slice %arg8[%mul3A_0] : memref<10240xf32, #tpu.memory_space<hbm>> -> memref<640xf32, #tpu.memory_space<hbm>>
      %dma_start3A_187 = tpu.memref_slice %arg8[%mul3A_0] : memref<10240xf32, #tpu.memory_space<hbm>> -> memref<640xf32, #tpu.memory_space<hbm>>
      tpu.enqueue_dma source(%arg15 : memref<640xf32, #tpu.memory_space<vmem>>) target(%dma_start3A_187 : memref<640xf32, #tpu.memory_space<hbm>>) target_semaphore(%run_scoped3A : memref<!tpu.dma_semaphore, #tpu.memory_space<semaphore_mem>>)
      %dma_wait3A_188 = tpu.memref_slice %arg8[%mul3A_0] : memref<10240xf32, #tpu.memory_space<hbm>> -> memref<640xf32, #tpu.memory_space<hbm>>
      %dma_wait3A_189 = tpu.memref_slice %arg8[%mul3A_0] : memref<10240xf32, #tpu.memory_space<hbm>> -> memref<640xf32, #tpu.memory_space<hbm>>
      tpu.wait_dma2 semaphore(%run_scoped3A : memref<!tpu.dma_semaphore, #tpu.memory_space<semaphore_mem>>) src(%arg15 : memref<640xf32, #tpu.memory_space<vmem>>) dst(%dma_wait3A_189 : memref<640xf32, #tpu.memory_space<hbm>>)
      tpu.yield
    }) : () -> ()
    return
  }
}

module attributes {stable_mosaic.version = 14 : i64} {
  func.func @body(%arg0: i32, %arg1: memref<1280x128xf32, #tpu.memory_space<vmem>>, %arg2: memref<128x32xf32, #tpu.memory_space<vmem>>, %arg3: memref<1280x32xf32, #tpu.memory_space<vmem>>) attributes {dimension_semantics = [#tpu.dimension_semantics<arbitrary>], iteration_bounds = array<i64: 8>, scalar_prefetch = 0 : i64, scratch_operands = 0 : i64, tpu.core_type = #tpu.core_type<tc>, window_params = [{transform_indices = @transform_0, window_bounds = array<i64: 1280, 128>}, {pipeline_mode = #tpu.pipeline_mode<synchronous>, transform_indices = @transform_1, window_bounds = array<i64: 128, 32>}, {transform_indices = @transform_2, window_bounds = array<i64: 1280, 32>}]} {
    %get3A = arith.constant 0 : index
    %get3A_0 = arith.constant 0 : index
    %get3A_1 = vector.load %arg1[%get3A, %get3A_0] : memref<1280x128xf32, #tpu.memory_space<vmem>>, vector<1280x128xf32>
    %get3A_2 = arith.constant 0 : index
    %get3A_3 = arith.constant 0 : index
    %get3A_4 = vector.load %arg2[%get3A_2, %get3A_3] : memref<128x32xf32, #tpu.memory_space<vmem>>, vector<128x32xf32>
    %dot_general3A = arith.constant dense<0.000000e+00> : vector<1280x32xf32>
    %dot_general3A_5 = tpu.matmul %get3A_1, %get3A_4, %dot_general3A {dimension_numbers = #tpu.dot_dimension_numbers<[1], [0], [0], [1], [0, 0, 1, 1], [], []>, transpose_lhs_hint = false} : vector<1280x128xf32>, vector<128x32xf32>, vector<1280x32xf32> -> vector<1280x32xf32>
    %swap3A = arith.constant 0 : index
    %swap3A_6 = arith.constant 0 : index
    %swap3A_7 = vector.load %arg3[%swap3A, %swap3A_6] : memref<1280x32xf32, #tpu.memory_space<vmem>>, vector<1280x32xf32>
    tpu.vector_store %arg3[%swap3A, %swap3A_6], %dot_general3A_5 {strides = array<i32>} : memref<1280x32xf32, #tpu.memory_space<vmem>>, vector<1280x32xf32>,
    return
  }
  func.func @transform_0(%arg0: i32) -> (i32, i32) {
    %c0_i32 = arith.constant 0 : i32
    %c0_i32_0 = arith.constant 0 : i32
    return %arg0, %c0_i32 : i32, i32
  }
  func.func @transform_1(%arg0: i32) -> (i32, i32) {
    %c0_i32 = arith.constant 0 : i32
    %c0_i32_0 = arith.constant 0 : i32
    %c0_i32_1 = arith.constant 0 : i32
    return %c0_i32, %c0_i32_0 : i32, i32
  }
  func.func @transform_2(%arg0: i32) -> (i32, i32) {
    %c0_i32 = arith.constant 0 : i32
    %c0_i32_0 = arith.constant 0 : i32
    return %arg0, %c0_i32 : i32, i32
  }
}

</mosaic_0001>

<sc_bundles>
// kernel: kernel.4.cloned.1.call-start
scs
__scs_entry_jumppad:
0x0: {  	(pc) =	sbr.rel $0x88, $3  }
0x1: {  	(tag) =	ssettag $0x0;
	lr =	simm.s32 $0x1  }
0x2: {  	[smem:$0x3F9B] =	sst lr;
	_ =	strace $0xD0000000  }
0x3: {  	_ = 	snop  }
0x4: {  	_ = 	snop  }
0x5: {  	_ = 	snop  }
0x6: {  	_ = 	snop  }
0x7: {  	_ = 	snop  }
__scs_overlays_trampoline_lowered:
0x8: {  	[smem:$0x3FAA] =	sst s0  }
0x9: {  	[smem:$0x3FAB] =	sst s1  }
0xa: {  	[smem:$0x3FAC] =	sst s2  }
0xb: {  	[smem:$0x3FAD] =	sst s3  }
0xc: {  	[smem:$0x3FAE] =	sst s4  }
0xd: {  	[smem:$0x3FAF] =	sst s5  }
0xe: {  	[smem:$0x3FB0] =	sst s6  }
0xf: {  	[smem:$0x3FB1] =	sst s7  }
0x10: {  	[smem:$0x3FB2] =	sst s8  }
0x11: {  	[smem:$0x3FB3] =	sst s9;
	s0 =	simm.s32 @!p0 $0x0  }
0x12: {  	s1 =	sld [smem:$0x3F99];
	s0 =	simm.s32 @p0 $0x1  }
0x13: {  	[smem:$0x3FB4] =	sst s0;
	s0 =	simm.s32 @!p1 $0x0  }
0x14: {  	s2 =	sld [smem:$0x3F98];
	s0 =	simm.s32 @p1 $0x1  }
0x15: {  	[smem:$0x3FB5] =	sst s0;
	s0 =	simm.s32 @!p2 $0x0  }
0x16: {  	s3 =	sld [smem:$0x3FDB];
	s0 =	simm.s32 @p2 $0x1  }
0x17: {  	s4 =	simm.s32 $0x1BF5;
	[smem:$0x3FB7] =	sst s0  }
0x18: {  	s0 =	sld [smem:$0x3F9A];
	_ =	swait.ge [sflag:s4], $0x0  }
0x19: {  	s7 =	sld [smem:$0x3F9B]  }
0x1a: {  	s8 =	sadd.s32 $0xFFFFE003, lr  }
0x1b: {  	s9 =	sadd.s32 $0xFFFFFEF7, lr;
	s5 =	simm.s32 $0xFFFFFFFF;
	p2 =	slt.u32 s8, $0xFFFFF086  }
0x1c: {  	p1 =	slt.u32 s9, $0xF7A;
	s5 =	simm.s32 @!p2 $0x0  }
0x1d: {  	s5 =	simm.s32 @p1 $0x1;
	p0 =	seq.s32 s7, s2  }
0x1e: {  	s7 =	smul.u32 @!p0 $0xF7A, s2;
	p2 =	seq.s32 @!p0 s5, $0x0  }
0x1f: {  	s9 =	smul.u32 $0xF7A, s1;
	s8 =	simm.s32 @!p0 $0x1BF5;
	p2 =	por !p2, p0  }
0x20: {  	[sflag:s8] =	ssyncset.s32 @!p0 $0xFFFFF086;
	s6 =	sadd.s32 @!p0 s3, s7;
	s7 =	simm.s32 @!p0 $0x108  }
0x21: {  	s3 =	sadd.s32 s3, s9;
	s6 =	sadd.s32 @!p0 $0x88, s6;
	s7 =	simm.s32 @p2 $0x1082  }
0x22: {  	[simem:s7], [sflag:s8] =	dma.local @!p0 [hbm:s6], $0xF7A  }
0x23: {  	s9 =	sor.u32 $0xD0000000, s2;
	s6 =	simm.s32 $0x108;
	_ =	swait.ge @!p0 [sflag:s8], $0x0  }
0x24: {  	s3 =	sadd.s32 $0x88, s3;
	s6 =	simm.s32 @!p1 $0x1082;
	[sflag:s4] =	ssyncset.s32 $0xFFFFF086  }
0x25: {  	[simem:s6], [sflag:s4] =	dma.local [hbm:s3], $0xF7A  }
0x26: {  	[smem:$0x3F9B] =	sst s1;
	(tag) =	ssettag s2;
	_ =	strace s9  }
0x27: {  	s1 =	sld [smem:$0x3FAB]  }
0x28: {  	s2 =	sld [smem:$0x3FAC]  }
0x29: {  	s4 =	sld [smem:$0x3FAE]  }
0x2a: {  	p0 =	seq.s32 s5, $0x0;
	s5 =	sld [smem:$0x3FAF]  }
0x2b: {  	s6 =	sld [smem:$0x3FB0]  }
0x2c: {  	s7 =	sld [smem:$0x3FB1]  }
0x2d: {  	s3 =	simm.s32 $0x108;
	s8 =	sld [smem:$0x3FB2]  }
0x2e: {  	s3 =	simm.s32 @!p0 $0x1082;
	s9 =	sld [smem:$0x3FB3]  }
0x2f: {  	lr =	sadd.s32 s0, s3;
	s0 =	sld [smem:$0x3FAA]  }
0x30: {  	s3 =	sld [smem:$0x3FAD]  }
0x31: {  	[smem:$0x3FB6] =	sst s10  }
0x32: {  	s10 =	sld [smem:$0x3FB4];
	_ =	sdelay $0x3  }
0x33: {  	p0 =	seq.s32 s10, $0x1;
	s10 =	sld [smem:$0x3FB6];
	_ =	sdelay $0x3  }
0x34: {  	[smem:$0x3FB6] =	sst s10  }
0x35: {  	s10 =	sld [smem:$0x3FB5];
	_ =	sdelay $0x3  }
0x36: {  	p1 =	seq.s32 s10, $0x1;
	s10 =	sld [smem:$0x3FB6];
	_ =	sdelay $0x3  }
0x37: {  	[smem:$0x3FB6] =	sst s10  }
0x38: {  	s10 =	sld [smem:$0x3FB7]  }
0x39: {  	_ = 	snop;
	(pc) =	sbr.ind lr, $3  }
0x3a: {  	_ = 	snop  }
0x3b: {  	_ = 	snop  }
0x3c: {  	p2 =	seq.s32 s10, $0x1;
	s10 =	sld [smem:$0x3FB6]  }
0x3d: {  	_ =	shalt  }
0x3e: {  	_ =	shalt  }
0x3f: {  	_ =	shalt  }
0x40: {  	_ =	shalt  }
0x41: {  	_ =	shalt  }
0x42: {  	_ =	shalt  }
0x43: {  	_ =	shalt  }
0x44: {  	_ =	shalt  }
0x45: {  	_ =	shalt  }
0x46: {  	_ =	shalt  }
0x47: {  	_ =	shalt  }
0x48: {  	_ =	shalt  }
0x49: {  	_ =	shalt  }
0x4a: {  	_ =	shalt  }
0x4b: {  	_ =	shalt  }
0x4c: {  	_ =	shalt  }
0x4d: {  	_ =	shalt  }
0x4e: {  	_ =	shalt  }
0x4f: {  	_ =	shalt  }
0x50: {  	_ =	shalt  }
0x51: {  	_ =	shalt  }
0x52: {  	_ =	shalt  }
0x53: {  	_ =	shalt  }
0x54: {  	_ =	shalt  }
0x55: {  	_ =	shalt  }
0x56: {  	_ =	shalt  }
0x57: {  	_ =	shalt  }
0x58: {  	_ =	shalt  }
0x59: {  	_ =	shalt  }
0x5a: {  	_ =	shalt  }
0x5b: {  	_ =	shalt  }
0x5c: {  	_ =	shalt  }
0x5d: {  	_ =	shalt  }
0x5e: {  	_ =	shalt  }
0x5f: {  	_ =	shalt  }
0x60: {  	_ =	shalt  }
0x61: {  	_ =	shalt  }
0x62: {  	_ =	shalt  }
0x63: {  	_ =	shalt  }
0x64: {  	_ =	shalt  }
0x65: {  	_ =	shalt  }
0x66: {  	_ =	shalt  }
0x67: {  	_ =	shalt  }
0x68: {  	_ =	shalt  }
0x69: {  	_ =	shalt  }
0x6a: {  	_ =	shalt  }
0x6b: {  	_ =	shalt  }
0x6c: {  	_ =	shalt  }
0x6d: {  	_ =	shalt  }
0x6e: {  	_ =	shalt  }
0x6f: {  	_ =	shalt  }
0x70: {  	_ =	shalt  }
0x71: {  	_ =	shalt  }
0x72: {  	_ =	shalt  }
0x73: {  	_ =	shalt  }
0x74: {  	_ =	shalt  }
0x75: {  	_ =	shalt  }
0x76: {  	_ =	shalt  }
0x77: {  	_ =	shalt  }
0x78: {  	_ =	shalt  }
0x79: {  	_ =	shalt  }
0x7a: {  	_ =	shalt  }
0x7b: {  	_ =	shalt  }
0x7c: {  	_ =	shalt  }
0x7d: {  	_ =	shalt  }
0x7e: {  	_ =	shalt  }
0x7f: {  	_ =	shalt  }
0x80: {  	_ =	shalt  }
0x81: {  	_ =	shalt  }
0x82: {  	_ =	shalt  }
0x83: {  	_ =	shalt  }
0x84: {  	_ =	shalt  }
0x85: {  	_ =	shalt  }
0x86: {  	_ =	shalt  }
0x87: {  	_ =	shalt  }
.Lfunc_end0:
.L_simem_size_0:
called_computation_lowered:
.L_overlay_start_0:
0x88: {  	s0 =	sld [smem:$0x3FD9]  }
0x89: {  	s1 =	sld [smem:$0x3FFE];
	_ =	sdelay $0x3  }
0x8a: {  	s0 =	sadd.s32 s1, s0  }
0x8b: {  	[smem:$0x3FC2] =	sst s0  }
0x8c: {  	_ = 	snop  }
0x8d: {  	s0 =	sld [smem:$0x3FC6]  }
0x8e: {  	s16 =	sld [smem:$0x3FC5]  }
0x8f: {  	s2 =	sld [smem:$0x3FD0];
	(tm) =	ssettm $0x1  }
0x90: {  	s3 =	sld [smem:$0x3FFB];
	_ =	sdelay $0x3  }
0x91: {  	_ =	strace s3  }
0x92: {  	s3 =	sld [smem:$0x3FFC];
	_ =	sdelay $0x3  }
0x93: {  	_ =	strace s3  }
0x94: {  	s3 =	sld [smem:$0x3FFD];
	_ =	sdelay $0x3  }
0x95: {  	_ =	strace s3  }
0x96: {  	_ =	strace $0x8FFFFFFF  }
0x97: {  	s17 =	sld [smem:$0x3FDB];
	_ =	sdelay $0x1  }
0x98: {  	s4 =	simm.s32 $_scs_section_size  }
0x99: {  	s5 =	simm.s32 $_size__tile_overlayer_lowered;
	s6 =	simm.s32 $_tile_overlayer_lowered  }
0x9a: {  	s20 =	simm.s32 $0x1BFF;
	s19 =	sshll.u32 s6, $0x1;
	s3 =	sadd.s32 s4, s17  }
0x9b: {  	s7 =	simm.s32 $0x0;
	s18 =	sshll.u32 s5, $0x1;
	s5 =	sadd.s32 s19, s3  }
0x9c: {  	[timem:s7], [sflag:s20] =	dma.local [hbm:s5], s18  }
0x9d: {  	_ =	swait.ge [sflag:s20], s18  }
0x9e: {  	s4 =	ssub.s32 $0x0, s18;
	[sflag:s20] =	ssyncset.done $0x0  }
0x9f: {  	[sflag:s20] =	ssyncadd.s32 s4;
	_ =	sdelay $0x1  }
0xa0: {  	s21 =	simm.s32 $0x1B8B  }
0xa1: {  	_ =	swait.ge [sflag:s21], $0x1  }
0xa2: {  	[sflag:s21] =	ssyncset.done $0x0  }
0xa3: {  	s23 =	simm.s32 $0x1B8E;
	s22 =	sld [smem:$0x3FFE];
	[sflag:s21] =	ssyncadd.s32 $0xFFFFFFFF  }
0xa4: {  	s24 =	simm.s32 $execute0_lowered;
	[smem:$0x3FD2] =	sst s23  }
0xa5: {  	s5 =	sshll.u32 s24, $0x1;
	_ =	strace $0x80000046;
	[dreg:$0x1] =	wrdreg $0xFFFFFFFF  }
0xa6: {  	s25 =	simm.s32 $_size_execute0_lowered;
	s3 =	sadd.s32 s3, s5;
	[dreg:$0x0] =	wrdreg $0x0  }
0xa7: {  	s5 =	sshll.u32 s25, $0x1;
	[dreg:$0x2] =	wrdreg s3  }
0xa8: {  	[dreg:$0x3] =	wrdreg s5  }
0xa9: {  	[dreg:$0x4] =	wrdreg $0xC0  }
0xaa: {  	_ =	task [dreg:s7], $0x5FFFF  }
0xab: {  	[dreg:$0x1] =	wrdreg $0xFFFFFFFF  }
0xac: {  	[dreg:$0x0] =	wrdreg $0x60  }
0xad: {  	[dreg:$0x2] =	wrdreg s22  }
0xae: {  	[dreg:$0x3] =	wrdreg s0  }
0xaf: {  	[dreg:$0x4] =	wrdreg s16  }
0xb0: {  	[dreg:$0x5] =	wrdreg s2  }
0xb1: {  	[dreg:$0x6] =	wrdreg $0x1A4D00  }
0xb2: {  	[dreg:$0x7] =	wrdreg $0x1A7500  }
0xb3: {  	[dreg:$0x8] =	wrdreg $0x1F7500  }
0xb4: {  	[dreg:$0x9] =	wrdreg $0x9  }
0xb5: {  	_ =	task.clear_ibuf [dreg:s7], $0xAFFFF;
	_ =	strace $0x90000046  }
0xb6: {  	s26 =	simm.s32 $0x9;
	_ =	strace $0x80000048  }
0xb7: {  	_ =	swait.ge [sflag:s26], $0x1  }
0xb8: {  	[sflag:s26] =	ssyncadd.s32 $0xFFFFFFFF  }
0xb9: {  	_ =	strace $0x90000048  }
0xba: {  	_ =	sfence  }
0xbb: {  	s28 =	sld [smem:$0x0];
	_ =	sdelay $0x1  }
0xbc: {  	s29 =	srdreg.scid  }
0xbd: {  	s30 =	sshll.u32 s29, $0xD;
	s31 =	sshrl.u32 s29, $0x2  }
0xbe: {  	s1 =	sand.u32 $0x1, s29;
	s2 =	sand.u32 $0x4000, s30;
	s0 =	sadd.s32 s31, s28  }
0xbf: {  	s1 =	sor.u32 s2, s1;
	s0 =	sshll.u32 s0, $0x11  }
0xc0: {  	s0 =	sor.u32 s0, s1  }
0xc1: {  	s0 =	sadd.s32 $0x8F2B, s0  }
0xc2: {  	[sflag:s0] =	ssyncadd.remote.s32 $0x1  }
0xc3: {  	_ =	sfence.sel $0xFFFF  }
0xc4: {  	[dreg:$0x0] =	wrdreg $0xFFFFFFFF;
	(pc) =	sbr.abs _section_cstart, $3  }
0xc5: {  	[dreg:$0x1] =	wrdreg $0xFFFFFFFF  }
0xc6: {  	_ =	task.clear_ibuf [dreg:s7], $0x2FFFF;
	_ =	strace $0x9FFFFFFF  }
0xc7: {  	(tm) =	ssettm $0x7FFFFFFF  }
tec
execute0_lowered:
.L_overlay_start_1:
0x0: {  	(tag) =	ssettag $0x1  }
0x1: {  	s7 =	rddreg [dreg:$0x0]  }
0x2: {  	s10 =	rddreg [dreg:$0x1]  }
0x3: {  	s11 =	rddreg [dreg:$0x2]  }
0x4: {  	s2 =	rddreg [dreg:$0x3]  }
0x5: {  	s3 =	rddreg [dreg:$0x4]  }
0x6: {  	s6 =	rddreg [dreg:$0x5];
	s0 =	stileid.u32  }
0x7: {  	s4 =	rddreg [dreg:$0x6];
	s8 =	smul.u32 $0x5000, s0  }
0x8: {  	s1 =	rddreg [dreg:$0x7]  }
0x9: {  	s5 =	simm.s32 $0x0;
	s12 =	smul.u32 $0x9D0, s0;
	s9 =	sshrl.u32 s8, $0x3  }
0xa: {  	s14 =	simm.s32 $0xFD00;
	[smem:$0x7FF] =	sst s5;
	s13 =	sadd.s32 s9, s7  }
0xb: {  	_ =	strace $0x80000047;
	s12 =	sadd.s32 s12, s7;
	s13 =	sadd.s32 $0x600, s13  }
0xc: {  	[tilespmem:s14], [sflag:$0x3] =	stream.linear.gather [hbm4b:s13+s5], $0x5000, $0x38;
	[tilespmem:$0x1F9D0] =	vst v63  }
0xd: {  	s22 =	simm.s32 $0x4;
	s21 =	sadd.s32 $0x14400, s12  }
0xe: {  	[tilespmem:s5], [sflag:$0x4] =	stream.linear.gather [hbm4b:s21+s5], $0x4E80, $0x38;
	[tilespmem:$0x1F9D0] =	vst v63  }
0xf: {  	_ =	swait.ge [sflag:s22], $0x4E80  }
0x10: {  	[sflag:s22] =	ssyncset.done $0x0  }
0x11: {  	s23 =	simm.s32 $0x4E80;
	s12 =	sadd.s32 $0xA600, s12;
	[sflag:s22] =	ssyncadd.s32 $0xFFFFB180  }
0x12: {  	[tilespmem:s23], [sflag:$0x4] =	stream.linear.gather [hbm4b:s12+s5], $0x4E80, $0x38;
	[tilespmem:$0x1F9D0] =	vst v63  }
0x13: {  	_ =	swait.ge [sflag:s22], $0x4E80  }
0x14: {  	[sflag:s22] =	ssyncset.done $0x0  }
0x15: {  	s24 =	simm.s32 $0x1A480;
	[sflag:s22] =	ssyncadd.s32 $0xFFFFB180  }
0x16: {  	[tilespmem:s24], [sflag:$0x4] =	stream.linear.gather [hbm4b:s10+s5], $0x20, $0x38;
	[tilespmem:$0x1F9D0] =	vst v63  }
0x17: {  	_ =	swait.ge [sflag:s22], $0x20  }
0x18: {  	[sflag:s22] =	ssyncset.done $0x0  }
0x19: {  	s25 =	simm.s32 $0x1A4A0;
	[sflag:s22] =	ssyncadd.s32 $0xFFFFFFE0  }
0x1a: {  	[tilespmem:s25], [sflag:$0x4] =	stream.linear.gather [hbm4b:s11+s5], $0x20, $0x38;
	[tilespmem:$0x1F9D0] =	vst v63  }
0x1b: {  	_ =	swait.ge [sflag:s22], $0x20  }
0x1c: {  	[sflag:s22] =	ssyncset.done $0x0  }
0x1d: {  	s28 =	simm.s32 $0x1A4C0;
	s26 =	sadd.s32 $0x1E200, s7;
	[sflag:s22] =	ssyncadd.s32 $0xFFFFFFE0  }
0x1e: {  	[tilespmem:s28], [sflag:$0x4] =	stream.linear.gather [hbm4b:s26+s5], $0x10, $0x38;
	[tilespmem:$0x1F9D0] =	vst v63  }
0x1f: {  	_ =	swait.ge [sflag:s22], $0x10  }
0x20: {  	v0 =	vlaneseq.u32;
	s29 =	simm.s32 $0x10;
	s30 =	simm.s32 $0x20;
	[sflag:s22] =	ssyncset.done $0x0  }
0x21: {  	s31 =	simm.s32 $0x30;
	v1 =	vor.u32 s5, v0;
	s10 =	simm.s32 $0x1A220;
	[sflag:s22] =	ssyncadd.s32 $0xFFFFFFF0  }
0x22: {  	v2 =	vor.u32 s29, v0;
	v3 =	vor.u32 s31, v0;
	s7 =	sadd.s32 $0x1E400, s7;
	s12 =	simm.s32 $0x1A220;
	s11 =	simm.s32 $0x0;
	[tilespmem:s10+$0xFFFFFFE0] =	vst v1;
	v1 =	vor.u32 s30, v0  }
.LBB2_1:
0x23: {  	s11 =	sadd.s32 $0x4, s11  }
0x24: {  	[tilespmem:s10+$0x10] =	vst v3;
	s5 =	sadd.s32 $0x40, s5;
	s12 =	sadd.s32 $0x40, s12;
	p0 =	slt.u32 s11, $0x24  }
.Ltmp0:
0x25: {  	[tilespmem:s10+$0xFFFFFFF0] =	vst v2;
	(pc) =	sbr.rel @p0 .LBB2_1-.Ltmp0, $3  }
0x26: {  	[tilespmem:s10+$0x0] =	vst v1;
	s10 =	smov.u32 s12;
	_ =	sdelay $0x1  }
0x27: {  	s13 =	sadd.s32 $0x10, s5;
	s14 =	sadd.s32 $0x20, s5;
	s15 =	sadd.s32 $0x30, s5;
	v1 =	vor.u32 s5, v0  }
0x28: {  	v2 =	vor.u32 s13, v0;
	v3 =	vor.u32 s15, v0;
	[tilespmem:s12+$0xFFFFFFE0] =	vst v1;
	v1 =	vor.u32 s14, v0  }
0x29: {  	[tilespmem:s10+$0x10] =	vst v3  }
0x2a: {  	[tilespmem:s10+$0xFFFFFFF0] =	vst v2  }
0x2b: {  	[tilespmem:s10+$0x0] =	vst v1;
	s5 =	simm.s32 $0x17A40;
	v0 =	vimm.f32 $0.0e+00  }
0x2c: {  	[tilespmem:s5+$0xFFFFFFC0] =	vst v0  }
0x2d: {  	[tilespmem:s5+$0x30] =	vst v0  }
0x2e: {  	[tilespmem:s5+$0x20] =	vst v0  }
0x2f: {  	[tilespmem:s5+$0x10] =	vst v0  }
0x30: {  	[tilespmem:s5+$0x0] =	vst v0  }
0x31: {  	[tilespmem:s5+$0xFFFFFFF0] =	vst v0  }
0x32: {  	s10 =	simm.s32 $0x0;
	[tilespmem:s5+$0xFFFFFFE0] =	vst v0  }
.LBB2_3:
0x33: {  	s10 =	sadd.s32 $0x8, s10;
	[tilespmem:s5+$0xFFFFFFD0] =	vst v0;
	s5 =	sadd.s32 $0x80, s5  }
0x34: {  	[tilespmem:s5+$0xFFFFFFC0] =	vst v0;
	p0 =	slt.u32 s10, $0x278  }
0x35: {  	[tilespmem:s5+$0x30] =	vst v0  }
.Ltmp1:
0x36: {  	[tilespmem:s5+$0x20] =	vst v0;
	(pc) =	sbr.rel @p0 .LBB2_3-.Ltmp1, $4  }
0x37: {  	[tilespmem:s5+$0x10] =	vst v0  }
0x38: {  	[tilespmem:s5+$0x0] =	vst v0  }
0x39: {  	[tilespmem:s5+$0xFFFFFFF0] =	vst v0  }
0x3a: {  	[tilespmem:s5+$0xFFFFFFE0] =	vst v0  }
0x3b: {  	[tilespmem:s5+$0xFFFFFFD0] =	vst v0;
	v0 =	vimm.f32 $0.0e+00  }
0x3c: {  	[tilespmem:$0x14D00] =	vst v0  }
0x3d: {  	[tilespmem:$0x14D10] =	vst v0  }
0x3e: {  	[tilespmem:$0x14D20] =	vst v0  }
0x3f: {  	[tilespmem:$0x14D30] =	vst v0  }
0x40: {  	[tilespmem:$0x14D40] =	vst v0  }
0x41: {  	[tilespmem:$0x14D50] =	vst v0  }
0x42: {  	[tilespmem:$0x14D60] =	vst v0  }
0x43: {  	[tilespmem:$0x14D70] =	vst v0  }
0x44: {  	[tilespmem:$0x14D80] =	vst v0  }
0x45: {  	[tilespmem:$0x14D90] =	vst v0  }
0x46: {  	[tilespmem:$0x14DA0] =	vst v0  }
0x47: {  	[tilespmem:$0x14DB0] =	vst v0  }
0x48: {  	[tilespmem:$0x14DC0] =	vst v0  }
0x49: {  	[tilespmem:$0x14DD0] =	vst v0  }
0x4a: {  	[tilespmem:$0x14DE0] =	vst v0  }
0x4b: {  	[tilespmem:$0x14DF0] =	vst v0  }
0x4c: {  	[tilespmem:$0x14E00] =	vst v0  }
0x4d: {  	[tilespmem:$0x14E10] =	vst v0  }
0x4e: {  	[tilespmem:$0x14E20] =	vst v0  }
0x4f: {  	[tilespmem:$0x14E30] =	vst v0  }
0x50: {  	[tilespmem:$0x14E40] =	vst v0  }
0x51: {  	[tilespmem:$0x14E50] =	vst v0  }
0x52: {  	[tilespmem:$0x14E60] =	vst v0  }
0x53: {  	[tilespmem:$0x14E70] =	vst v0  }
0x54: {  	[tilespmem:$0x14E80] =	vst v0  }
0x55: {  	[tilespmem:$0x14E90] =	vst v0  }
0x56: {  	[tilespmem:$0x14EA0] =	vst v0  }
0x57: {  	[tilespmem:$0x14EB0] =	vst v0  }
0x58: {  	[tilespmem:$0x14EC0] =	vst v0  }
0x59: {  	[tilespmem:$0x14ED0] =	vst v0  }
0x5a: {  	[tilespmem:$0x14EE0] =	vst v0  }
0x5b: {  	[tilespmem:$0x14EF0] =	vst v0  }
0x5c: {  	[tilespmem:$0x14F00] =	vst v0  }
0x5d: {  	[tilespmem:$0x14F10] =	vst v0  }
0x5e: {  	[tilespmem:$0x14F20] =	vst v0  }
0x5f: {  	[tilespmem:$0x14F30] =	vst v0  }
0x60: {  	s30 =	smul.u32 $0xA00, s0;
	[tilespmem:$0x14F40] =	vst v0  }
0x61: {  	[tilespmem:$0x14F50] =	vst v0  }
0x62: {  	[tilespmem:$0x14F60] =	vst v0;
	s5 =	sshrl.u32 s30, $0x2  }
0x63: {  	s10 =	simm.s32 $0x14D00;
	s31 =	simm.s32 $0x4;
	[tilespmem:$0x14F70] =	vst v0;
	s5 =	sadd.s32 s5, s3  }
0x64: {  	[spmem:s5] =	stream.linear.scatter [tilespmem:s10], [sflag:$0x4], $0x280, $0x38;
	[tilespmem:$0x1F9D0] =	vst v63  }
0x65: {  	_ =	swait.ge [sflag:s31], $0x280  }
0x66: {  	[sflag:s31] =	ssyncset.done $0x0  }
0x67: {  	[sflag:s31] =	ssyncadd.s32 $0xFFFFFD80  }
0x68: {  	s11 =	simm.s32 $0x17A00;
	v0 =	vimm.f32 $1.000000000e+00;
	s10 =	simm.s32 $0x0;
	[bflag:$0x0] =	sbarrier.arrive $0xFFFF  }
.LBB2_5:
0x69: {  	s12 =	sshra.s32 s10, $0x2  }
0x6a: {  	v1 =	vld [tilespmem:s12+$0x4E80];
	_ =	sdelay $0x7  }
0x6b: {  	[tilespmem:v1+s11+$0x0] =	vst.idx.add.f32.msk $0xffff, v0  }
0x6c: {  	v1 =	vld [tilespmem:s12+$0x4E90];
	_ =	sdelay $0x7  }
0x6d: {  	[tilespmem:v1+s11+$0x0] =	vst.idx.add.f32.msk $0xffff, v0  }
0x6e: {  	v1 =	vld [tilespmem:s12+$0x4EA0];
	_ =	sdelay $0x7  }
0x6f: {  	[tilespmem:v1+s11+$0x0] =	vst.idx.add.f32.msk $0xffff, v0  }
0x70: {  	v1 =	vld [tilespmem:s12+$0x4EB0];
	_ =	sdelay $0x7  }
0x71: {  	[tilespmem:v1+s11+$0x0] =	vst.idx.add.f32.msk $0xffff, v0  }
0x72: {  	v1 =	vld [tilespmem:s12+$0x4EC0];
	_ =	sdelay $0x7  }
0x73: {  	[tilespmem:v1+s11+$0x0] =	vst.idx.add.f32.msk $0xffff, v0  }
0x74: {  	v1 =	vld [tilespmem:s12+$0x4ED0];
	_ =	sdelay $0x7  }
0x75: {  	[tilespmem:v1+s11+$0x0] =	vst.idx.add.f32.msk $0xffff, v0  }
0x76: {  	v1 =	vld [tilespmem:s12+$0x4EE0];
	_ =	sdelay $0x7  }
0x77: {  	[tilespmem:v1+s11+$0x0] =	vst.idx.add.f32.msk $0xffff, v0  }
0x78: {  	v1 =	vld [tilespmem:s12+$0x4EF0];
	_ =	sdelay $0x2  }
0x79: {  	p0 =	sne.s32 s10, $0x13800  }
.Ltmp2:
0x7a: {  	_ = 	snop;
	(pc) =	sbr.rel @p0 .LBB2_5-.Ltmp2, $2  }
0x7b: {  	_ =	sdelay $0x2  }
0x7c: {  	s10 =	sadd.s32 $0x200, s10;
	[tilespmem:v1+s11+$0x0] =	vst.idx.add.f32.msk $0xffff, v0  }
0x7d: {  	s10 =	simm.s32 $0x280  }
0x7e: {  	s11 =	simm.s32 $0x1A200;
	s12 =	simm.s32 $0x17A00;
	s30 =	simm.s32 $0x4  }
0x7f: {  	[spmem:s3] =	stream.indirect.scatter.add.f32 [tilespmem:s12], [sflag:$0x4], $0x10, s11, s10, $0xb8;
	[tilespmem:$0x1F9D0] =	vst v63  }
0x80: {  	_ =	swait.ge [sflag:s30], $0x2800  }
0x81: {  	[sflag:s30] =	ssyncset.done $0x0  }
0x82: {  	[sflag:s30] =	ssyncadd.s32 $0xFFFFD800  }
0x83: {  	s31 =	simm.s32 $0x14D00;
	[bflag:$0x0] =	sbarrier.arrive $0xFFFF  }
0x84: {  	[tilespmem:s31], [sflag:$0x4] =	stream.linear.gather [spmem:s5], $0x280, $0x38;
	[tilespmem:$0x1F9D0] =	vst v63  }
0x85: {  	_ =	swait.ge [sflag:s30], $0x280  }
0x86: {  	[sflag:s30] =	ssyncset.done $0x0  }
0x87: {  	s10 =	simm.s32 $0x14D20;
	[sflag:s30] =	ssyncadd.s32 $0xFFFFFD80  }
0x88: {  	v0 =	vld [tilespmem:s10+$0xFFFFFFF0]  }
0x89: {  	v1 =	vld [tilespmem:s10+$0xFFFFFFE0];
	_ =	sdelay $0x3  }
0x8a: {  	v0 =	vadd.f32 $1.000000000e+00, v0  }
0x8b: {  	v1 =	vadd.f32 $1.000000000e+00, v1  }
0x8c: {  	v2 =	vshrl.u32 v0, $0x1;
	v3 =	vmul.f32 $5.000000000e-01, v0;
	v0 =	vld [tilespmem:s10+$0x0]  }
0x8d: {  	v4 =	vshrl.u32 v1, $0x1;
	v5 =	vmul.f32 $5.000000000e-01, v1;
	v1 =	vsub.s32 $0x5F3759DF, v2  }
0x8e: {  	v2 =	vsub.s32 $0x5F3759DF, v4;
	v4 =	vmul.f32 v1, v3  }
0x8f: {  	v7 =	vld [tilespmem:s10+$0x10];
	v6 =	vmul.f32 v2, v5  }
0x90: {  	v4 =	vmul.f32 v1, v4  }
0x91: {  	v6 =	vmul.f32 v2, v6;
	v0 =	vadd.f32 $1.000000000e+00, v0  }
0x92: {  	v4 =	vsub.f32 $1.500000000e+00, v4  }
0x93: {  	v6 =	vsub.f32 $1.500000000e+00, v6;
	v8 =	vshrl.u32 v0, $0x1;
	v9 =	vmul.f32 $5.000000000e-01, v0  }
0x94: {  	v0 =	vadd.f32 $1.000000000e+00, v7;
	v1 =	vmul.f32 v1, v4;
	v4 =	vsub.s32 $0x5F3759DF, v8  }
0x95: {  	v2 =	vmul.f32 v2, v6;
	v6 =	vmul.f32 v4, v9  }
0x96: {  	v8 =	vshrl.u32 v0, $0x1;
	v0 =	vmul.f32 $5.000000000e-01, v0;
	v7 =	vmul.f32 v1, v3  }
0x97: {  	v10 =	vmul.f32 v2, v5;
	v8 =	vsub.s32 $0x5F3759DF, v8;
	v6 =	vmul.f32 v4, v6  }
0x98: {  	v11 =	vmul.f32 v8, v0;
	v7 =	vmul.f32 v7, v1  }
0x99: {  	v10 =	vmul.f32 v10, v2;
	v6 =	vsub.f32 $1.500000000e+00, v6  }
0x9a: {  	v11 =	vmul.f32 v8, v11;
	v7 =	vsub.f32 $1.500000000e+00, v7  }
0x9b: {  	v10 =	vsub.f32 $1.500000000e+00, v10;
	v4 =	vmul.f32 v4, v6  }
0x9c: {  	v6 =	vmul.f32 v7, v1;
	v1 =	vsub.f32 $1.500000000e+00, v11  }
0x9d: {  	v7 =	vmul.f32 v10, v2;
	v2 =	vmul.f32 v4, v9  }
0x9e: {  	v3 =	vmul.f32 v6, v3;
	v1 =	vmul.f32 v8, v1  }
0x9f: {  	v5 =	vmul.f32 v7, v5;
	v2 =	vmul.f32 v2, v4  }
0xa0: {  	v3 =	vmul.f32 v3, v6;
	v8 =	vmul.f32 v1, v0  }
0xa1: {  	v5 =	vmul.f32 v5, v7;
	v2 =	vsub.f32 $1.500000000e+00, v2  }
0xa2: {  	v3 =	vsub.f32 $1.500000000e+00, v3;
	v8 =	vmul.f32 v8, v1  }
0xa3: {  	v5 =	vsub.f32 $1.500000000e+00, v5;
	v2 =	vmul.f32 v2, v4  }
0xa4: {  	v4 =	vmul.f32 v3, v6;
	v6 =	vsub.f32 $1.500000000e+00, v8  }
0xa5: {  	s11 =	simm.s32 $0x0;
	s12 =	simm.s32 $0x14D60;
	v3 =	vmul.f32 v5, v7;
	v5 =	vmul.f32 v2, v9  }
.LBB2_7:
0xa6: {  	s11 =	sadd.s32 $0x4, s11;
	[tilespmem:s10+$0xFFFFFFF0] =	vst v4;
	v1 =	vmul.f32 v6, v1  }
0xa7: {  	v4 =	vld [tilespmem:s12+$0xFFFFFFF0];
	p0 =	slt.u32 s11, $0x24;
	[tilespmem:s10+$0xFFFFFFE0] =	vst v3;
	v3 =	vmul.f32 v5, v2  }
0xa8: {  	v5 =	vld [tilespmem:s12+$0xFFFFFFE0];
	v0 =	vmul.f32 v1, v0  }
0xa9: {  	v3 =	vsub.f32 $1.500000000e+00, v3  }
0xaa: {  	v0 =	vmul.f32 v0, v1  }
0xab: {  	v2 =	vmul.f32 v3, v2  }
0xac: {  	v3 =	vadd.f32 $1.000000000e+00, v4;
	v0 =	vsub.f32 $1.500000000e+00, v0  }
0xad: {  	v4 =	vadd.f32 $1.000000000e+00, v5;
	[tilespmem:s10+$0x0] =	vst v2  }
0xae: {  	v2 =	vshrl.u32 v3, $0x1;
	v3 =	vmul.f32 $5.000000000e-01, v3;
	v5 =	vld [tilespmem:s12+$0x0];
	v0 =	vmul.f32 v0, v1  }
0xaf: {  	v1 =	vshrl.u32 v4, $0x1;
	v4 =	vmul.f32 $5.000000000e-01, v4;
	v2 =	vsub.s32 $0x5F3759DF, v2  }
0xb0: {  	v1 =	vsub.s32 $0x5F3759DF, v1;
	v6 =	vmul.f32 v2, v3;
	[tilespmem:s10+$0x10] =	vst v0;
	s10 =	smov.u32 s12  }
0xb1: {  	v0 =	vmul.f32 v1, v4;
	v7 =	vld [tilespmem:s12+$0x10]  }
0xb2: {  	v6 =	vmul.f32 v2, v6  }
0xb3: {  	v0 =	vmul.f32 v1, v0;
	v5 =	vadd.f32 $1.000000000e+00, v5  }
0xb4: {  	v6 =	vsub.f32 $1.500000000e+00, v6  }
0xb5: {  	v0 =	vsub.f32 $1.500000000e+00, v0;
	v8 =	vshrl.u32 v5, $0x1;
	v5 =	vmul.f32 $5.000000000e-01, v5  }
0xb6: {  	v2 =	vmul.f32 v2, v6;
	v6 =	vsub.s32 $0x5F3759DF, v8;
	v7 =	vadd.f32 $1.000000000e+00, v7  }
0xb7: {  	v1 =	vmul.f32 v1, v0;
	v8 =	vmul.f32 v6, v5  }
0xb8: {  	v9 =	vmul.f32 v2, v3;
	v10 =	vshrl.u32 v7, $0x1;
	v0 =	vmul.f32 $5.000000000e-01, v7  }
0xb9: {  	v7 =	vmul.f32 v1, v4;
	v8 =	vmul.f32 v6, v8;
	v10 =	vsub.s32 $0x5F3759DF, v10  }
0xba: {  	v9 =	vmul.f32 v9, v2;
	v11 =	vmul.f32 v10, v0  }
0xbb: {  	v7 =	vmul.f32 v7, v1;
	v8 =	vsub.f32 $1.500000000e+00, v8  }
0xbc: {  	v9 =	vsub.f32 $1.500000000e+00, v9;
	v11 =	vmul.f32 v10, v11  }
0xbd: {  	v7 =	vsub.f32 $1.500000000e+00, v7;
	v6 =	vmul.f32 v6, v8  }
0xbe: {  	v8 =	vmul.f32 v9, v2;
	v2 =	vsub.f32 $1.500000000e+00, v11  }
0xbf: {  	v7 =	vmul.f32 v7, v1;
	v9 =	vmul.f32 v6, v5  }
0xc0: {  	v3 =	vmul.f32 v8, v3;
	v1 =	vmul.f32 v10, v2  }
0xc1: {  	v2 =	vmul.f32 v7, v4;
	v4 =	vmul.f32 v9, v6  }
0xc2: {  	v3 =	vmul.f32 v3, v8;
	v9 =	vmul.f32 v1, v0  }
.Ltmp3:
0xc3: {  	v2 =	vmul.f32 v2, v7;
	v4 =	vsub.f32 $1.500000000e+00, v4;
	(pc) =	sbr.rel @p0 .LBB2_7-.Ltmp3, $4  }
0xc4: {  	v3 =	vsub.f32 $1.500000000e+00, v3;
	v9 =	vmul.f32 v9, v1  }
0xc5: {  	v10 =	vsub.f32 $1.500000000e+00, v2;
	v2 =	vmul.f32 v4, v6  }
0xc6: {  	v4 =	vmul.f32 v3, v8;
	v6 =	vsub.f32 $1.500000000e+00, v9  }
0xc7: {  	s12 =	sadd.s32 $0x40, s12;
	v3 =	vmul.f32 v10, v7;
	v5 =	vmul.f32 v2, v5  }
0xc8: {  	v1 =	vmul.f32 v6, v1;
	_ =	sdelay $0x1  }
0xc9: {  	v0 =	vmul.f32 v1, v0  }
0xca: {  	v5 =	vmul.f32 v5, v2  }
0xcb: {  	v0 =	vmul.f32 v0, v1  }
0xcc: {  	v5 =	vsub.f32 $1.500000000e+00, v5  }
0xcd: {  	v0 =	vsub.f32 $1.500000000e+00, v0  }
0xce: {  	[tilespmem:s10+$0xFFFFFFF0] =	vst v4;
	v2 =	vmul.f32 v5, v2  }
0xcf: {  	[tilespmem:s10+$0xFFFFFFE0] =	vst v3;
	v0 =	vmul.f32 v0, v1  }
0xd0: {  	[tilespmem:s10+$0x0] =	vst v2  }
0xd1: {  	s31 =	simm.s32 $0x3;
	[tilespmem:s10+$0x10] =	vst v0  }
0xd2: {  	_ =	swait.ge [sflag:s31], $0x5000  }
0xd3: {  	[sflag:s31] =	ssyncset.done $0x0  }
0xd4: {  	s10 =	simm.s32 $0xFE00;
	[sflag:s31] =	ssyncadd.s32 $0xFFFFB000  }
0xd5: {  	v5 =	vld [tilespmem:s10+$0xFFFFFFA0]  }
0xd6: {  	v3 =	vld [tilespmem:s10+$0xFFFFFFF0]  }
0xd7: {  	v0 =	vld [tilespmem:s10+$0xFFFFFF60]  }
0xd8: {  	v6 =	vld [tilespmem:s10+$0xFFFFFFD0]  }
0xd9: {  	v7 =	vld [tilespmem:s10+$0x80]  }
0xda: {  	v10 =	vld [tilespmem:s10+$0xFFFFFF10]  }
0xdb: {  	v14 =	vld [tilespmem:s10+$0xE0]  }
0xdc: {  	v9 =	vld [tilespmem:s10+$0xFFFFFF40]  }
0xdd: {  	s11 =	simm.s32 $0x0;
	v1 =	vld [tilespmem:s10+$0xFFFFFF90]  }
0xde: {  	v2 =	vld [tilespmem:s11+$0x14D00]  }
0xdf: {  	v8 =	vld [tilespmem:s10+$0xFFFFFFC0]  }
0xe0: {  	v11 =	vld [tilespmem:s10+$0xFFFFFF00]  }
0xe1: {  	v12 =	vld [tilespmem:s10+$0xD0]  }
0xe2: {  	v21 =	vld [tilespmem:s10+$0xC0]  }
0xe3: {  	v19 =	vld [tilespmem:s10+$0x90];
	v17 =	vbroadcast v2, $0x0;
	v4 =	vbroadcast v2, $0xF  }
0xe4: {  	v20 =	vld [tilespmem:s10+$0xFFFFFF50];
	v18 =	vbroadcast v2, $0x2;
	v16 =	vbroadcast v2, $0xE  }
0xe5: {  	v15 =	vld [tilespmem:s10+$0xB0];
	v13 =	vbroadcast v2, $0xC;
	v23 =	vmul.f32 v17, v11  }
0xe6: {  	s12 =	simm.s32 $0xFE00;
	s11 =	simm.s32 $0x40;
	v11 =	vbroadcast v2, $0xD;
	v22 =	vmul.f32 v9, v18;
	v9 =	vld [tilespmem:s10+$0x60]  }
.LBB2_9:
0xe7: {  	p0 =	sne.s32 s11, $0x9C0  }
0xe8: {  	[tilespmem:s10+$0xFFFFFF00] =	vst v23;
	v23 =	vld [tilespmem:s10+$0xFFFFFFB0];
	v21 =	vmul.f32 v21, v16;
	v14 =	vmul.f32 v14, v4;
	s12 =	sadd.s32 $0x200, s12;
	s13 =	smov.u32 s11;
	s11 =	sadd.s32 $0x40, s11  }
0xe9: {  	[tilespmem:s10+$0xFFFFFF40] =	vst v22;
	v22 =	vbroadcast v2, $0xA;
	v19 =	vmul.f32 v19, v13;
	v24 =	vld [tilespmem:s10+$0xA0]  }
0xea: {  	v10 =	vmul.f32 v10, v17;
	v17 =	vmul.f32 v20, v18;
	v18 =	vld [tilespmem:s10+$0x70];
	[tilespmem:s10+$0xE0] =	vst v14  }
0xeb: {  	v14 =	vbroadcast v2, $0x5;
	v20 =	vld [tilespmem:s10+$0xFFFFFFE0];
	v15 =	vmul.f32 v15, v11;
	[tilespmem:s10+$0xC0] =	vst v21  }
0xec: {  	v12 =	vmul.f32 v12, v16;
	[tilespmem:s10+$0xFFFFFF10] =	vst v10;
	v10 =	vbroadcast v2, $0x6;
	v21 =	vld [tilespmem:s10+$0x40]  }
0xed: {  	v25 =	vbroadcast v2, $0xB;
	v5 =	vmul.f32 v5, v14;
	v16 =	vld [tilespmem:s10+$0xFFFFFF20];
	[tilespmem:s10+$0x90] =	vst v19  }
0xee: {  	[tilespmem:s10+$0xFFFFFF50] =	vst v17;
	v17 =	vbroadcast v2, $0x9;
	v19 =	vld [tilespmem:s10+$0x20];
	v11 =	vmul.f32 v24, v11  }
0xef: {  	v14 =	vmul.f32 v23, v14;
	v23 =	vld [tilespmem:s10+$0x50];
	v18 =	vmul.f32 v18, v25;
	[tilespmem:s10+$0xD0] =	vst v12  }
0xf0: {  	v7 =	vmul.f32 v7, v13;
	v12 =	vbroadcast v2, $0x7;
	v24 =	vld [tilespmem:s10+$0x30];
	[tilespmem:s10+$0xA0] =	vst v11  }
0xf1: {  	v8 =	vmul.f32 v8, v10;
	v11 =	vbroadcast v2, $0x3;
	v13 =	vld [tilespmem:s10+$0x0];
	[tilespmem:s10+$0x70] =	vst v18  }
0xf2: {  	v9 =	vmul.f32 v9, v25;
	v6 =	vmul.f32 v6, v10;
	v10 =	vld [tilespmem:s10+$0x10];
	[tilespmem:s10+$0x80] =	vst v7  }
0xf3: {  	v18 =	vbroadcast v2, $0x8;
	v21 =	vmul.f32 v21, v22;
	v7 =	vld [tilespmem:s10+$0xFFFFFF30];
	[tilespmem:s10+$0xB0] =	vst v15  }
0xf4: {  	v15 =	vbroadcast v2, $0x1;
	v25 =	vld [tilespmem:s10+$0xFFFFFF70];
	[tilespmem:s10+$0xFFFFFFD0] =	vst v6;
	v22 =	vmul.f32 v23, v22  }
0xf5: {  	v3 =	vmul.f32 v3, v12;
	v6 =	vmul.f32 v20, v12;
	[tilespmem:s10+$0xFFFFFFC0] =	vst v8;
	v8 =	vld [tilespmem:s10+$0xF0]  }
0xf6: {  	v20 =	vmul.f32 v24, v17;
	v12 =	vld [tilespmem:s10+$0xFFFFFF80];
	[tilespmem:s10+$0xFFFFFFA0] =	vst v5;
	v13 =	vmul.f32 v13, v18  }
0xf7: {  	v5 =	vld [tilespmem:s12+$0xFFFFFFA0];
	[tilespmem:s10+$0xFFFFFFF0] =	vst v3;
	v18 =	vmul.f32 v10, v18;
	v10 =	vmul.f32 v19, v17  }
0xf8: {  	v3 =	vmul.f32 v16, v15;
	v15 =	vmul.f32 v7, v15;
	[tilespmem:s10+$0x60] =	vst v9  }
0xf9: {  	v0 =	vmul.f32 v0, v11;
	v7 =	vmul.f32 v25, v11;
	[tilespmem:s10+$0xFFFFFFB0] =	vst v14  }
0xfa: {  	v2 =	vbroadcast v2, $0x4;
	[tilespmem:s10+$0xFFFFFF20] =	vst v3;
	v3 =	vmul.f32 v8, v4  }
0xfb: {  	[tilespmem:s10+$0xFFFFFF60] =	vst v0  }
0xfc: {  	v4 =	vmul.f32 v12, v2;
	v0 =	vmul.f32 v1, v2;
	[tilespmem:s10+$0x40] =	vst v21  }
0xfd: {  	[tilespmem:s10+$0xFFFFFFE0] =	vst v6  }
0xfe: {  	[tilespmem:s10+$0xF0] =	vst v3  }
0xff: {  	[tilespmem:s10+$0xFFFFFF90] =	vst v0  }
0x100: {  	v3 =	vld [tilespmem:s12+$0xFFFFFFF0];
	[tilespmem:s10+$0xFFFFFF70] =	vst v7  }
0x101: {  	v0 =	vld [tilespmem:s12+$0xFFFFFF60];
	[tilespmem:s10+$0x20] =	vst v10  }
0x102: {  	v6 =	vld [tilespmem:s12+$0xFFFFFFD0];
	[tilespmem:s10+$0x30] =	vst v20  }
0x103: {  	v7 =	vld [tilespmem:s12+$0x80];
	[tilespmem:s10+$0xFFFFFF80] =	vst v4  }
0x104: {  	v10 =	vld [tilespmem:s12+$0xFFFFFF10];
	[tilespmem:s10+$0x50] =	vst v22  }
0x105: {  	v14 =	vld [tilespmem:s12+$0xE0];
	[tilespmem:s10+$0x0] =	vst v13  }
0x106: {  	v9 =	vld [tilespmem:s12+$0xFFFFFF40];
	[tilespmem:s10+$0xFFFFFF30] =	vst v15  }
0x107: {  	s13 =	sshra.s32 s13, $0x2;
	v1 =	vld [tilespmem:s12+$0xFFFFFF90];
	[tilespmem:s10+$0x10] =	vst v18;
	s10 =	smov.u32 s12  }
0x108: {  	v2 =	vld [tilespmem:s13+$0x14D00]  }
0x109: {  	v8 =	vld [tilespmem:s12+$0xFFFFFFC0]  }
0x10a: {  	v11 =	vld [tilespmem:s12+$0xFFFFFF00]  }
0x10b: {  	v12 =	vld [tilespmem:s12+$0xD0]  }
.Ltmp4:
0x10c: {  	v21 =	vld [tilespmem:s12+$0xC0];
	(pc) =	sbr.rel @p0 .LBB2_9-.Ltmp4, $4  }
0x10d: {  	v17 =	vbroadcast v2, $0x0;
	v19 =	vld [tilespmem:s12+$0x90];
	v4 =	vbroadcast v2, $0xF  }
0x10e: {  	v18 =	vbroadcast v2, $0x2;
	v16 =	vbroadcast v2, $0xE;
	v20 =	vld [tilespmem:s12+$0xFFFFFF50]  }
0x10f: {  	v23 =	vmul.f32 v17, v11;
	v11 =	vbroadcast v2, $0xD;
	v15 =	vld [tilespmem:s12+$0xB0]  }
0x110: {  	v13 =	vbroadcast v2, $0xC;
	v22 =	vmul.f32 v9, v18;
	v9 =	vld [tilespmem:s12+$0x60]  }
0x111: {  	[tilespmem:s10+$0xFFFFFF00] =	vst v23;
	v14 =	vmul.f32 v14, v4  }
0x112: {  	v21 =	vmul.f32 v21, v16;
	[tilespmem:s10+$0xFFFFFF40] =	vst v22  }
0x113: {  	v10 =	vmul.f32 v10, v17;
	[tilespmem:s10+$0xE0] =	vst v14  }
0x114: {  	v28 =	vmul.f32 v12, v16;
	[tilespmem:s10+$0xC0] =	vst v21  }
0x115: {  	v26 =	vmul.f32 v19, v13;
	[tilespmem:s10+$0xFFFFFF10] =	vst v10  }
0x116: {  	v34 =	vbroadcast v2, $0x6;
	v7 =	vmul.f32 v7, v13;
	[tilespmem:s10+$0xD0] =	vst v28  }
0x117: {  	v18 =	vmul.f32 v20, v18;
	[tilespmem:s10+$0x90] =	vst v26  }
0x118: {  	v38 =	vbroadcast v2, $0x5;
	v6 =	vmul.f32 v6, v34;
	[tilespmem:s10+$0x80] =	vst v7  }
0x119: {  	v40 =	vbroadcast v2, $0x7;
	v8 =	vmul.f32 v8, v34;
	[tilespmem:s10+$0xFFFFFF50] =	vst v18  }
0x11a: {  	v47 =	vbroadcast v2, $0x3;
	v5 =	vmul.f32 v5, v38;
	[tilespmem:s10+$0xFFFFFFD0] =	vst v6  }
0x11b: {  	v24 =	vld [tilespmem:s10+$0xA0];
	v52 =	vbroadcast v2, $0x4;
	v3 =	vmul.f32 v3, v40;
	[tilespmem:s10+$0xFFFFFFC0] =	vst v8  }
0x11c: {  	v25 =	vld [tilespmem:s10+$0x70];
	v0 =	vmul.f32 v0, v47;
	[tilespmem:s10+$0xFFFFFFA0] =	vst v5  }
0x11d: {  	v27 =	vld [tilespmem:s10+$0xFFFFFFB0];
	v30 =	vbroadcast v2, $0xB;
	v1 =	vmul.f32 v1, v52;
	[tilespmem:s10+$0xFFFFFFF0] =	vst v3  }
0x11e: {  	v29 =	vld [tilespmem:s10+$0xFFFFFF20];
	v36 =	vmul.f32 v15, v11;
	[tilespmem:s10+$0xFFFFFF60] =	vst v0  }
0x11f: {  	v33 =	vld [tilespmem:s10+$0x40];
	v9 =	vmul.f32 v9, v30;
	[tilespmem:s10+$0xFFFFFF90] =	vst v1  }
0x120: {  	v31 =	vld [tilespmem:s10+$0xFFFFFFE0];
	v32 =	vmul.f32 v24, v11;
	[tilespmem:s10+$0xB0] =	vst v36  }
0x121: {  	v45 =	vbroadcast v2, $0x1;
	v48 =	vld [tilespmem:s10+$0xF0];
	v17 =	vmul.f32 v25, v30;
	[tilespmem:s10+$0x60] =	vst v9  }
0x122: {  	v42 =	vld [tilespmem:s10+$0xFFFFFF70];
	v49 =	vbroadcast v2, $0xA;
	v46 =	vmul.f32 v27, v38;
	[tilespmem:s10+$0xA0] =	vst v32  }
0x123: {  	v37 =	vld [tilespmem:s10+$0x20];
	v12 =	vmul.f32 v29, v45;
	[tilespmem:s10+$0x70] =	vst v17  }
0x124: {  	v39 =	vld [tilespmem:s10+$0x30];
	v51 =	vmul.f32 v33, v49;
	[tilespmem:s10+$0xFFFFFFB0] =	vst v46  }
0x125: {  	v43 =	vld [tilespmem:s10+$0xFFFFFF80];
	v7 =	vmul.f32 v31, v40;
	[tilespmem:s10+$0xFFFFFF20] =	vst v12  }
0x126: {  	v35 =	vld [tilespmem:s10+$0x50];
	v54 =	vbroadcast v2, $0x9;
	v53 =	vmul.f32 v48, v4;
	[tilespmem:s10+$0x40] =	vst v51  }
0x127: {  	v41 =	vld [tilespmem:s10+$0x0];
	v55 =	vmul.f32 v42, v47;
	[tilespmem:s10+$0xFFFFFFE0] =	vst v7  }
0x128: {  	v50 =	vld [tilespmem:s10+$0xFFFFFF30];
	v56 =	vmul.f32 v37, v54;
	[tilespmem:s10+$0xF0] =	vst v53  }
0x129: {  	v44 =	vld [tilespmem:s10+$0x10];
	v57 =	vmul.f32 v39, v54;
	[tilespmem:s10+$0xFFFFFF70] =	vst v55  }
0x12a: {  	v58 =	vbroadcast v2, $0x8;
	v59 =	vmul.f32 v43, v52;
	[tilespmem:s10+$0x20] =	vst v56  }
0x12b: {  	v60 =	vmul.f32 v35, v49;
	[tilespmem:s10+$0x30] =	vst v57  }
0x12c: {  	v61 =	vmul.f32 v41, v58;
	[tilespmem:s10+$0xFFFFFF80] =	vst v59  }
0x12d: {  	v62 =	vmul.f32 v50, v45;
	[tilespmem:s10+$0x50] =	vst v60  }
0x12e: {  	v63 =	vmul.f32 v44, v58;
	[tilespmem:s10+$0x0] =	vst v61  }
0x12f: {  	s26 =	sadd.s32 s7, s9;
	[tilespmem:s10+$0xFFFFFF30] =	vst v62  }
0x130: {  	s9 =	simm.s32 $0x0;
	s11 =	simm.s32 $0xFD00;
	s28 =	simm.s32 $0x4;
	[tilespmem:s10+$0x10] =	vst v63  }
0x131: {  	[hbm4b:s26+s9] =	stream.linear.scatter [tilespmem:s11], [sflag:$0x4], $0x5000, $0x38;
	[tilespmem:$0x1F9D0] =	vst v63  }
0x132: {  	_ =	swait.ge [sflag:s28], $0x5000  }
0x133: {  	[sflag:s28] =	ssyncset.done $0x0  }
0x134: {  	s8 =	sadd.s32 s8, s6;
	[sflag:s28] =	ssyncadd.s32 $0xFFFFB000  }
0x135: {  	[spmem:s8] =	stream.linear.scatter [tilespmem:s11], [sflag:$0x4], $0x5000, $0x38;
	[tilespmem:$0x1F9D0] =	vst v63  }
0x136: {  	_ =	swait.ge [sflag:s28], $0x5000  }
0x137: {  	[sflag:s28] =	ssyncset.done $0x0  }
0x138: {  	[sflag:s28] =	ssyncadd.s32 $0xFFFFB000  }
0x139: {  	s29 =	simm.s32 $0x9D00;
	s10 =	simm.s32 $0x80;
	[bflag:$0x0] =	sbarrier.arrive $0xFFFF  }
0x13a: {  	[tilespmem:s29], [sflag:$0x1] =	stream.indirect.gather [hbm4b:s7+s10], $0x20, s9, s10, $0xb8;
	[tilespmem:$0x1F9D0] =	vst v63  }
0x13b: {  	s30 =	simm.s32 $0xAD00  }
0x13c: {  	[tilespmem:s30], [sflag:$0x1] =	stream.indirect.gather [hbm4b:s7+s10], $0x20, s10, s10, $0xb8;
	[tilespmem:$0x1F9D0] =	vst v63  }
0x13d: {  	s31 =	simm.s32 $0x100;
	s12 =	simm.s32 $0xBD00  }
0x13e: {  	[tilespmem:s12], [sflag:$0x1] =	stream.indirect.gather [hbm4b:s7+s10], $0x20, s31, s10, $0xb8;
	[tilespmem:$0x1F9D0] =	vst v63  }
0x13f: {  	s13 =	simm.s32 $0x1;
	s11 =	simm.s32 $0x200;
	s12 =	simm.s32 $0x4F00  }
.LBB2_11:
0x140: {  	p0 =	slt.u32 s9, $0x3  }
0x141: {  	s14 =	simm.s32 @!p0 $0x2  }
0x142: {  	p1 =	sgt.u32 @!p0 s9, $0x99;
	_ =	swait.ge @!p0 [sflag:s14], $0x1000  }
0x143: {  	p1 =	por p0, !p1;
	[sflag:s14] =	ssyncset.done @!p0 $0x0  }
0x144: {  	[sflag:s14] =	ssyncadd.s32 @!p0 $0xFFFFF000;
	s14 =	sadd.s32 @p1 $0x3, s9  }
0x145: {  	s15 =	smul.u32 @p1 $0xAB, s14;
	_ =	sdelay $0x1  }
0x146: {  	s15 =	sshrl.u32 @p1 s15, $0xA  }
0x147: {  	s15 =	sand.u32 @p1 $0x3F, s15  }
0x148: {  	s15 =	smul.u32 @p1 $0x6, s15;
	_ =	sdelay $0x1  }
0x149: {  	s14 =	ssub.s32 @p1 s14, s15  }
0x14a: {  	s14 =	sand.u32 @p1 $0xFF, s14  }
0x14b: {  	s14 =	sshll.u32 @p1 s14, $0xC  }
0x14c: {  	s28 =	smul.u32 $0xAB, s9;
	s15 =	sadd.s32 @p1 $0xFFFFFF80, s11;
	s14 =	sadd.s32 @p1 $0x9D00, s14  }
0x14d: {  	[tilespmem:s14], [sflag:$0x1] =	stream.indirect.gather @p1 [hbm4b:s7+s10], $0x20, s15, s10, $0xb8;
	[tilespmem:$0x1F9D0] =	vst v63  }
0x14e: {  	s14 =	sshrl.u32 s28, $0xA  }
0x14f: {  	s14 =	sand.u32 $0x3F, s14  }
0x150: {  	s14 =	smul.u32 $0x6, s14;
	_ =	sdelay $0x1  }
0x151: {  	s14 =	ssub.s32 s9, s14  }
0x152: {  	s29 =	sadd.s32 $0xFFFFFF80, s12;
	_ =	swait.ge [sflag:s13], $0x1000;
	s14 =	sand.u32 $0xFF, s14  }
0x153: {  	p0 =	por @!p0 $0x0, $0x0;
	[sflag:s13] =	ssyncset.done $0x0;
	s14 =	sshll.u32 s14, $0xC  }
0x154: {  	p0 =	por @p1 $0x1, $0x1;
	[sflag:s13] =	ssyncadd.s32 $0xFFFFF000;
	s14 =	sadd.s32 $0x9D00, s14  }
0x155: {  	[spmem:s6] =	stream.indirect.scatter.add.f32 [tilespmem:s14], [sflag:$0x2], $0x20, s29, s10, $0xb8;
	[tilespmem:$0x1F9D0] =	vst v63  }
0x156: {  	s14 =	sadd.s32 @p0 $0x4, s9  }
0x157: {  	s15 =	smul.u32 @p0 $0xAB, s14;
	_ =	sdelay $0x1  }
0x158: {  	s16 =	sadd.s32 $0x1, s9;
	s15 =	sshrl.u32 @p0 s15, $0xA  }
0x159: {  	s17 =	smul.u32 $0xAB, s16;
	s15 =	sand.u32 @p0 $0x3F, s15  }
0x15a: {  	s15 =	smul.u32 @p0 $0x6, s15  }
0x15b: {  	p1 =	seq.s32 s9, $0x0  }
0x15c: {  	s17 =	sshrl.u32 s17, $0xA;
	s14 =	ssub.s32 @p0 s14, s15;
	s15 =	simm.s32 @!p1 $0x2  }
0x15d: {  	s17 =	sand.u32 $0x3F, s17;
	_ =	swait.ge @!p1 [sflag:s15], $0x1000;
	s14 =	sand.u32 @p0 $0xFF, s14  }
0x15e: {  	s17 =	smul.u32 $0x6, s17;
	[sflag:s15] =	ssyncset.done @!p1 $0x0;
	s14 =	sshll.u32 @p0 s14, $0xC  }
0x15f: {  	[sflag:s15] =	ssyncadd.s32 @!p1 $0xFFFFF000;
	s14 =	sadd.s32 @p0 $0x9D00, s14;
	s15 =	simm.s32 @p0 $0x80  }
0x160: {  	[tilespmem:s14], [sflag:$0x1] =	stream.indirect.gather @p0 [hbm4b:s7+s15], $0x20, s11, s15, $0xb8;
	[tilespmem:$0x1F9D0] =	vst v63  }
0x161: {  	s16 =	ssub.s32 s16, s17;
	p0 =	slt.u32 s9, $0x9A  }
.Ltmp5:
0x162: {  	s30 =	sand.u32 $0xFF, s16;
	_ =	swait.ge [sflag:s13], $0x1000;
	(pc) =	sbr.rel @p0 .LBB2_11-.Ltmp5, $4  }
0x163: {  	s14 =	sshll.u32 s30, $0xC;
	[sflag:s13] =	ssyncset.done $0x0  }
0x164: {  	s31 =	sadd.s32 $0x2, s9;
	s14 =	sadd.s32 $0x9D00, s14;
	[sflag:s13] =	ssyncadd.s32 $0xFFFFF000  }
0x165: {  	[spmem:s6] =	stream.indirect.scatter.add.f32 [tilespmem:s14], [sflag:$0x2], $0x20, s12, s10, $0xb8;
	[tilespmem:$0x1F9D0] =	vst v63  }
0x166: {  	s11 =	sadd.s32 $0x100, s11;
	s9 =	smov.u32 s31;
	s12 =	sadd.s32 $0x100, s12  }
0x167: {  	s7 =	simm.s32 $0x2  }
0x168: {  	_ =	swait.ge [sflag:s7], $0x1000  }
0x169: {  	[sflag:s7] =	ssyncset.done $0x0  }
0x16a: {  	s9 =	simm.s32 $0x1;
	[sflag:s7] =	ssyncadd.s32 $0xFFFFF000  }
0x16b: {  	_ =	swait.ge [sflag:s9], $0x1000  }
0x16c: {  	s29 =	simm.s32 $0x80;
	[sflag:s9] =	ssyncset.done $0x0  }
0x16d: {  	s10 =	simm.s32 $0x9C80;
	s11 =	simm.s32 $0x9D00;
	[sflag:s9] =	ssyncadd.s32 $0xFFFFF000  }
0x16e: {  	[spmem:s6] =	stream.indirect.scatter.add.f32 [tilespmem:s11], [sflag:$0x2], $0x20, s10, s29, $0xb8;
	[tilespmem:$0x1F9D0] =	vst v63  }
0x16f: {  	_ =	swait.ge [sflag:s7], $0x1000  }
0x170: {  	[sflag:s7] =	ssyncset.done $0x0  }
0x171: {  	[sflag:s7] =	ssyncadd.s32 $0xFFFFF000  }
0x172: {  	_ =	swait.ge [sflag:s7], $0x1000  }
0x173: {  	[sflag:s7] =	ssyncset.done $0x0  }
0x174: {  	[sflag:s7] =	ssyncadd.s32 $0xFFFFF000  }
0x175: {  	_ =	swait.ge [sflag:s7], $0x1000  }
0x176: {  	[sflag:s7] =	ssyncset.done $0x0  }
0x177: {  	[sflag:s7] =	ssyncadd.s32 $0xFFFFF000  }
0x178: {  	s30 =	simm.s32 $0xFD00;
	s31 =	simm.s32 $0x4;
	[bflag:$0x0] =	sbarrier.arrive $0xFFFF  }
0x179: {  	[tilespmem:s30], [sflag:$0x4] =	stream.linear.gather [spmem:s8], $0x5000, $0x38;
	[tilespmem:$0x1F9D0] =	vst v63  }
0x17a: {  	_ =	swait.ge [sflag:s31], $0x5000  }
0x17b: {  	[sflag:s31] =	ssyncset.done $0x0  }
0x17c: {  	s6 =	simm.s32 $0x0;
	[sflag:s31] =	ssyncadd.s32 $0xFFFFB000  }
0x17d: {  	v0 =	vld [tilespmem:s6+$0x14D00];
	_ =	sdelay $0x1  }
0x17e: {  	v4 =	vld [tilespmem:$0x1A480]  }
0x17f: {  	s7 =	simm.s32 $0xFE00;
	v1 =	vld [tilespmem:$0x1A490]  }
0x180: {  	vm13 =	vmmov $0x1;
	vm12 =	vmmov $0x3;
	v8 =	vld [tilespmem:s7+$0xC0]  }
0x181: {  	vm11 =	vmmov $0x7;
	vm9 =	vmmov $0xf;
	v9 =	vld [tilespmem:s7+$0xD0];
	v5 =	vbroadcast v0, $0xF  }
0x182: {  	vm6 =	vmmov $0x1f;
	v14 =	vld [tilespmem:s7+$0x80];
	v6 =	vbroadcast v0, $0xD;
	v10 =	vbroadcast v0, $0xE  }
0x183: {  	vm7 =	vmmov $0x3f;
	v15 =	vld [tilespmem:s7+$0x90];
	v12 =	vbroadcast v0, $0xB;
	v13 =	vbroadcast v0, $0xC  }
0x184: {  	vm5 =	vmmov $0x7f;
	v17 =	vld [tilespmem:s7+$0x60];
	v7 =	vbroadcast v0, $0xA;
	v16 =	vbroadcast v0, $0x9  }
0x185: {  	vm0 =	vmmov $0xff;
	v19 =	vld [tilespmem:s7+$0x70];
	v18 =	vbroadcast v0, $0x8;
	v20 =	vbroadcast v0, $0x5  }
0x186: {  	vm3 =	vmmov $0x1ff;
	v22 =	vld [tilespmem:s7+$0x20];
	v21 =	vbroadcast v0, $0x6;
	v11 =	vbroadcast v0, $0x4  }
0x187: {  	vm1 =	vmmov $0x3ff;
	v3 =	vld [tilespmem:$0x1A4A0];
	v8 =	vmul.f32 v8, v10;
	v10 =	vmul.f32 v9, v10  }
0x188: {  	vm2 =	vmmov $0x7ff;
	v2 =	vld [tilespmem:$0x1A4B0];
	v9 =	vbroadcast v0, $0x7;
	v14 =	vmul.f32 v14, v13  }
0x189: {  	vm4 =	vmmov $0xfff;
	v23 =	vld [tilespmem:s7+$0x0];
	v13 =	vmul.f32 v15, v13;
	v17 =	vmul.f32 v17, v12  }
0x18a: {  	v12 =	vmul.f32 v19, v12;
	v8 =	vadd.f32 v8, v4;
	v10 =	vadd.f32 v10, v1  }
0x18b: {  	v19 =	vbroadcast v0, $0x3;
	v22 =	vmul.f32 v22, v16;
	v14 =	vadd.f32 v14, v4  }
0x18c: {  	v15 =	vld [tilespmem:s7+$0x30];
	v13 =	vadd.f32 v13, v1;
	v8 =	vmax.f32 v8, $0.0e+00;
	v10 =	vmax.f32 v10, $0.0e+00  }
0x18d: {  	v17 =	vadd.f32 v17, v4;
	v8 =	vmul.f32 v8, v3;
	v10 =	vmul.f32 v10, v2  }
0x18e: {  	v23 =	vmul.f32 v23, v18;
	v12 =	vadd.f32 v12, v1;
	v22 =	vadd.f32 v22, v4  }
0x18f: {  	v14 =	vmax.f32 v14, $0.0e+00;
	v13 =	vmax.f32 v13, $0.0e+00;
	v8 =	vadd.f32 v10, v8;
	v10 =	vld [tilespmem:s7+$0x10]  }
0x190: {  	v24 =	vld [tilespmem:s7+$0xFFFFFFC0];
	v17 =	vmax.f32 v17, $0.0e+00;
	v14 =	vmul.f32 v14, v3;
	v13 =	vmul.f32 v13, v2  }
0x191: {  	v12 =	vmax.f32 v12, $0.0e+00;
	v15 =	vmul.f32 v15, v16;
	v16 =	vmul.f32 v17, v3;
	v17 =	vld [tilespmem:s7+$0xFFFFFFD0]  }
0x192: {  	vm8 =	vmmov $0x1fff;
	v25 =	vmul.f32 v12, v2;
	v12 =	vbroadcast v0, $0x2  }
0x193: {  	v15 =	vadd.f32 v15, v1;
	v13 =	vadd.f32 v13, v14;
	v14 =	vmax.f32 v22, $0.0e+00  }
0x194: {  	v16 =	vadd.f32 v25, v16;
	v14 =	vmul.f32 v14, v3;
	(xrf2) =	vadd.scan.msk.f32 $0xffff, v8;
	v10 =	vmul.f32 v10, v18  }
0x195: {  	v22 =	vld [tilespmem:s7+$0xFFFFFFA0];
	v8 =	vadd.f32 v23, v4;
	v23 =	vmul.f32 v24, v21;
	v15 =	vmax.f32 v15, $0.0e+00;
	(xrf2) =	vadd.scan.msk.f32 $0xffff, v13  }
0x196: {  	v15 =	vmul.f32 v15, v2;
	v17 =	vmul.f32 v17, v21;
	v18 =	vld [tilespmem:s7+$0xFFFFFFB0];
	v10 =	vadd.f32 v10, v1  }
0x197: {  	v24 =	vld [tilespmem:s7+$0xFFFFFF60];
	v13 =	vbroadcast v0, $0x0;
	v8 =	vmax.f32 v8, $0.0e+00;
	v23 =	vadd.f32 v23, v4  }
0x198: {  	v21 =	vld [tilespmem:s7+$0xFFFFFF70];
	(xrf2) =	vadd.scan.msk.f32 $0xffff, v16;
	v8 =	vmul.f32 v8, v3;
	v25 =	vadd.f32 v17, v1;
	v10 =	vmax.f32 v10, $0.0e+00  }
0x199: {  	v14 =	vadd.f32 v15, v14;
	v23 =	vmax.f32 v23, $0.0e+00;
	v10 =	vmul.f32 v10, v2  }
0x19a: {  	vm10 =	vmmov $0x3fff;
	v22 =	vmul.f32 v22, v20;
	v23 =	vmul.f32 v23, v3  }
0x19b: {  	v17 =	vld [tilespmem:s7+$0xFFFFFF40];
	v15 =	vmax.f32 v25, $0.0e+00;
	(xrf2) =	vadd.scan.msk.f32 $0xffff, v14;
	v20 =	vmul.f32 v18, v20;
	v10 =	vadd.f32 v10, v8  }
0x19c: {  	vm14 =	vmmov $0x7fff;
	v24 =	vmul.f32 v24, v19;
	v25 =	vmul.f32 v15, v2;
	v18 =	vld [tilespmem:s7+$0xFFFFFF50]  }
0x19d: {  	v26 =	vadd.f32 v22, v4;
	v21 =	vmul.f32 v21, v19;
	v15 =	vld [tilespmem:s7+$0xFFFFFF80];
	v27 =	vadd.f32 v20, v1  }
0x19e: {  	v14 =	vbroadcast v0, $0x1;
	v19 =	vld [tilespmem:s7+$0xFFFFFF00];
	v22 =	vadd.f32 v24, v4;
	v16 =	vadd.f32 v25, v23;
	v8, _, _ =	vpop (xrf2);
	(xrf2) =	vadd.scan.msk.f32 $0xffff, v10  }
0x19f: {  	s8 =	simm.s32 $0x40;
	v21 =	vadd.f32 v21, v1;
	v23 =	vmax.f32 v26, $0.0e+00;
	v20 =	vld [tilespmem:s7+$0xFFFFFF10];
	v24 =	vmax.f32 v27, $0.0e+00;
	v10, _, _ =	vpop (xrf2)  }
.LBB2_13:
0x1a0: {  	p0 =	sne.s32 s8, $0x9C0;
	v22 =	vmax.f32 v22, $0.0e+00;
	v23 =	vmul.f32 v23, v3;
	v24 =	vmul.f32 v24, v2  }
0x1a1: {  	v17 =	vmul.f32 v17, v12;
	v25 =	vld [tilespmem:s7+$0xFFFFFF20];
	v18 =	vmul.f32 v18, v12;
	v26 =	vmax.f32 v21, $0.0e+00;
	(xrf2) =	vadd.scan.msk.f32 $0xffff, v16  }
0x1a2: {  	v21 =	vmul.f32 v22, v3;
	v16 =	vld [tilespmem:s7+$0xFFFFFF30];
	v22 =	vmul.f32 v26, v2;
	v23 =	vadd.f32 v24, v23;
	v12, _, _ =	vpop (xrf2)  }
0x1a3: {  	v17 =	vadd.f32 v17, v4;
	v19 =	vmul.f32 v13, v19;
	v18 =	vadd.f32 v18, v1  }
0x1a4: {  	v15 =	vmul.f32 v15, v11;
	v20 =	vmul.f32 v20, v13;
	v21 =	vadd.f32 v22, v21;
	v22 =	vld [tilespmem:s7+$0xFFFFFFE0];
	(xrf2) =	vadd.scan.msk.f32 $0xffff, v23  }
0x1a5: {  	v17 =	vmax.f32 v17, $0.0e+00;
	v19 =	vadd.f32 v19, v4;
	v18 =	vmax.f32 v18, $0.0e+00;
	v23 =	vld [tilespmem:s7+$0xFFFFFF90];
	v13, _, _ =	vpop (xrf2)  }
0x1a6: {  	v17 =	vmul.f32 v17, v3;
	v20 =	vadd.f32 v20, v1;
	v18 =	vmul.f32 v18, v2  }
0x1a7: {  	v24 =	vmul.f32 v25, v14;
	v19 =	vmax.f32 v19, $0.0e+00;
	v14 =	vmul.f32 v16, v14;
	v16 =	vld [tilespmem:s7+$0x40];
	(xrf2) =	vadd.scan.msk.f32 $0xffff, v21  }
0x1a8: {  	v20 =	vmax.f32 v20, $0.0e+00;
	v19 =	vmul.f32 v19, v3;
	v17 =	vadd.f32 v18, v17;
	v18 =	vld [tilespmem:s7+$0xFFFFFFF0];
	v21, _, _ =	vpop (xrf2)  }
0x1a9: {  	v25 =	vadd.f32 v24, v4;
	v20 =	vmul.f32 v20, v2;
	v14 =	vadd.f32 v14, v1  }
0x1aa: {  	v15 =	vadd.f32 v15, v4;
	v22 =	vmul.f32 v22, v9;
	v11 =	vmul.f32 v23, v11;
	v23 =	vld [tilespmem:s7+$0xA0];
	(xrf2) =	vadd.scan.msk.f32 $0xffff, v17  }
0x1ab: {  	v17 =	vadd.f32 v20, v19;
	v19 =	vmax.f32 v25, $0.0e+00;
	v14 =	vmax.f32 v14, $0.0e+00;
	v20 =	vld [tilespmem:s7+$0x50];
	v24, _, _ =	vpop (xrf2)  }
0x1ac: {  	v25 =	vmul.f32 v19, v3;
	v14 =	vmul.f32 v14, v2;
	v11 =	vadd.f32 v11, v1  }
0x1ad: {  	v22 =	vadd.f32 v22, v4;
	v16 =	vmul.f32 v16, v7;
	v9 =	vmul.f32 v18, v9;
	v18 =	vld [tilespmem:s7+$0xE0];
	(xrf2) =	vadd.scan.msk.f32 $0xffff, v17  }
0x1ae: {  	v15 =	vmax.f32 v15, $0.0e+00;
	v14 =	vadd.f32 v14, v25;
	v11 =	vmax.f32 v11, $0.0e+00;
	v17 =	vld [tilespmem:s7+$0xB0];
	v19, _, _ =	vpop (xrf2)  }
0x1af: {  	v15 =	vmul.f32 v15, v3;
	v11 =	vmul.f32 v11, v2;
	v9 =	vadd.f32 v9, v1  }
0x1b0: {  	v16 =	vadd.f32 v16, v4;
	v7 =	vmul.f32 v20, v7;
	v20 =	vmul.f32 v23, v6;
	(xrf2) =	vadd.scan.msk.f32 $0xffff, v14  }
0x1b1: {  	v14 =	vmax.f32 v22, $0.0e+00;
	v11 =	vadd.f32 v11, v15;
	v9 =	vmax.f32 v9, $0.0e+00;
	v15 =	vld [tilespmem:s7+$0xF0];
	v22, _, _ =	vpop (xrf2)  }
0x1b2: {  	v23 =	vmul.f32 v14, v3;
	v9 =	vmul.f32 v9, v2;
	v7 =	vadd.f32 v7, v1  }
0x1b3: {  	v20 =	vadd.f32 v20, v4;
	v6 =	vmul.f32 v17, v6;
	v17 =	vmul.f32 v18, v5;
	(xrf2) =	vadd.scan.msk.f32 $0xffff, v11  }
0x1b4: {  	v11 =	vmax.f32 v16, $0.0e+00;
	v9 =	vadd.f32 v9, v23;
	v7 =	vmax.f32 v7, $0.0e+00;
	v14, _, _ =	vpop (xrf2)  }
0x1b5: {  	v18 =	vmul.f32 v11, v3;
	v7 =	vmul.f32 v7, v2;
	v6 =	vadd.f32 v6, v1  }
0x1b6: {  	v16 =	vadd.f32 v17, v4;
	v5 =	vmul.f32 v15, v5;
	(xrf2) =	vadd.scan.msk.f32 $0xffff, v9  }
0x1b7: {  	v9 =	vmax.f32 v20, $0.0e+00;
	v7 =	vadd.f32 v7, v18;
	v6 =	vmax.f32 v6, $0.0e+00;
	v11, _, _ =	vpop (xrf2)  }
0x1b8: {  	v17 =	vmul.f32 v9, v3;
	v6 =	vmul.f32 v6, v2  }
0x1b9: {  	v15 =	vmax.f32 v16, $0.0e+00;
	v5 =	vadd.f32 v5, v1;
	(xrf2) =	vadd.scan.msk.f32 $0xffff, v7  }
0x1ba: {  	v7 =	vmul.f32 v15, v3;
	v6 =	vadd.f32 v6, v17;
	v9, _, _ =	vpop (xrf2)  }
0x1bb: {  	v15 =	vbroadcast v11, $0xF;
	v5 =	vmax.f32 v5, $0.0e+00;
	v9 =	vbroadcast v9, $0xF  }
0x1bc: {  	v14 =	vbroadcast v14, $0xF;
	v5 =	vmul.f32 v5, v2;
	(xrf2) =	vadd.scan.msk.f32 $0xffff, v6  }
0x1bd: {  	v6 =	vsel vm13, v15, v9;
	v9 =	vbroadcast v22, $0xF;
	v11, _, _ =	vpop (xrf2)  }
0x1be: {  	v5 =	vadd.f32 v5, v7;
	v6 =	vsel vm12, v6, v14;
	v14 =	vbroadcast v11, $0xF  }
0x1bf: {  	v7 =	vbroadcast v19, $0xF;
	v6 =	vsel vm11, v6, v9  }
0x1c0: {  	v6 =	vsel vm9, v6, v14;
	v14 =	vbroadcast v24, $0xF;
	v11, _, _ =	vpop (xrf2);
	(xrf2) =	vadd.scan.msk.f32 $0xffff, v5  }
0x1c1: {  	v5 =	vsel vm6, v6, v7;
	v6 =	vbroadcast v11, $0xF  }
0x1c2: {  	v7 =	vbroadcast v21, $0xF;
	v5 =	vsel vm7, v5, v14  }
0x1c3: {  	v5 =	vsel vm5, v5, v6;
	v6 =	vbroadcast v13, $0xF;
	v9, _, _ =	vpop (xrf2)  }
0x1c4: {  	v5 =	vsel vm0, v5, v7;
	v7 =	vbroadcast v9, $0xF  }
0x1c5: {  	v5 =	vsel vm3, v5, v6;
	v6 =	vbroadcast v12, $0xF  }
0x1c6: {  	v5 =	vsel vm1, v5, v7;
	v7 =	vbroadcast v10, $0xF;
	v9, _, _ =	vpop (xrf2)  }
0x1c7: {  	v5 =	vsel vm2, v5, v6;
	v9 =	vbroadcast v9, $0xF  }
0x1c8: {  	v5 =	vsel vm4, v5, v7;
	v7 =	vbroadcast v8, $0xF  }
0x1c9: {  	v5 =	vsel vm8, v5, v9  }
0x1ca: {  	v5 =	vsel vm10, v5, v7;
	v6, _, _ =	vpop (xrf2)  }
0x1cb: {  	s9 =	sshra.s32 s8, $0x2;
	v5 =	vsel vm14, v5, v6  }
0x1cc: {  	v5 =	vmul.f32 v5, v0;
	v0 =	vld [tilespmem:s9+$0x14D00];
	_ =	sdelay $0x1  }
0x1cd: {  	s7 =	sadd.s32 $0x200, s7;
	[tilespmem:s6+$0x14F80] =	vst v5;
	s6 =	smov.u32 s9  }
0x1ce: {  	v8 =	vld [tilespmem:s7+$0xC0]  }
0x1cf: {  	v9 =	vld [tilespmem:s7+$0xD0]  }
0x1d0: {  	v5 =	vbroadcast v0, $0xF  }
0x1d1: {  	v6 =	vbroadcast v0, $0xD;
	v10 =	vbroadcast v0, $0xE  }
0x1d2: {  	v12 =	vbroadcast v0, $0xB;
	v13 =	vbroadcast v0, $0xC;
	v14 =	vld [tilespmem:s7+$0x80]  }
0x1d3: {  	v7 =	vbroadcast v0, $0xA;
	v15 =	vld [tilespmem:s7+$0x90];
	v8 =	vmul.f32 v8, v10  }
0x1d4: {  	v16 =	vbroadcast v0, $0x9;
	v17 =	vld [tilespmem:s7+$0x60];
	v10 =	vmul.f32 v9, v10  }
0x1d5: {  	v18 =	vbroadcast v0, $0x8;
	v9 =	vbroadcast v0, $0x7;
	v19 =	vld [tilespmem:s7+$0x70];
	v8 =	vadd.f32 v8, v4  }
0x1d6: {  	v20 =	vbroadcast v0, $0x5;
	v21 =	vbroadcast v0, $0x6;
	v10 =	vadd.f32 v10, v1  }
0x1d7: {  	v11 =	vbroadcast v0, $0x4;
	v14 =	vmul.f32 v14, v13;
	v8 =	vmax.f32 v8, $0.0e+00  }
0x1d8: {  	v22 =	vld [tilespmem:s7+$0x20];
	v13 =	vmul.f32 v15, v13;
	v10 =	vmax.f32 v10, $0.0e+00;
	v8 =	vmul.f32 v8, v3  }
0x1d9: {  	v15 =	vld [tilespmem:s7+$0x30];
	v17 =	vmul.f32 v17, v12;
	v14 =	vadd.f32 v14, v4;
	v10 =	vmul.f32 v10, v2  }
0x1da: {  	v23 =	vbroadcast v0, $0x3;
	v24 =	vld [tilespmem:s7+$0x0];
	v12 =	vmul.f32 v19, v12;
	v13 =	vadd.f32 v13, v1  }
0x1db: {  	v17 =	vadd.f32 v17, v4;
	v14 =	vmax.f32 v14, $0.0e+00;
	v8 =	vadd.f32 v10, v8  }
0x1dc: {  	v10 =	vld [tilespmem:s7+$0x10];
	v12 =	vadd.f32 v12, v1;
	v13 =	vmax.f32 v13, $0.0e+00;
	v14 =	vmul.f32 v14, v3  }
0x1dd: {  	v19 =	vld [tilespmem:s7+$0xFFFFFFC0];
	v22 =	vmul.f32 v22, v16;
	v17 =	vmax.f32 v17, $0.0e+00;
	v13 =	vmul.f32 v13, v2  }
0x1de: {  	v15 =	vmul.f32 v15, v16;
	v12 =	vmax.f32 v12, $0.0e+00;
	v16 =	vmul.f32 v17, v3  }
0x1df: {  	v17 =	vld [tilespmem:s7+$0xFFFFFFD0];
	v24 =	vmul.f32 v24, v18;
	v22 =	vadd.f32 v22, v4;
	v25 =	vmul.f32 v12, v2;
	(xrf2) =	vadd.scan.msk.f32 $0xffff, v8  }
0x1e0: {  	v12 =	vbroadcast v0, $0x2;
	v13 =	vadd.f32 v13, v14;
	v8 =	vadd.f32 v15, v1  }
0x1e1: {  	v14 =	vadd.f32 v24, v4;
	v15 =	vmax.f32 v22, $0.0e+00;
	v16 =	vadd.f32 v25, v16  }
0x1e2: {  	v10 =	vmul.f32 v10, v18;
	v22 =	vld [tilespmem:s7+$0xFFFFFFA0];
	v19 =	vmul.f32 v19, v21;
	v8 =	vmax.f32 v8, $0.0e+00;
	(xrf2) =	vadd.scan.msk.f32 $0xffff, v13  }
0x1e3: {  	v15 =	vmul.f32 v15, v3;
	v18 =	vld [tilespmem:s7+$0xFFFFFFB0];
	v14 =	vmax.f32 v14, $0.0e+00;
	v8 =	vmul.f32 v8, v2  }
0x1e4: {  	v10 =	vadd.f32 v10, v1;
	v24 =	vld [tilespmem:s7+$0xFFFFFF60];
	v19 =	vadd.f32 v19, v4;
	v17 =	vmul.f32 v17, v21  }
0x1e5: {  	v13 =	vbroadcast v0, $0x0;
	v14 =	vmul.f32 v14, v3;
	v21 =	vld [tilespmem:s7+$0xFFFFFF70];
	v8 =	vadd.f32 v8, v15;
	(xrf2) =	vadd.scan.msk.f32 $0xffff, v16  }
0x1e6: {  	v10 =	vmax.f32 v10, $0.0e+00;
	v15 =	vmax.f32 v19, $0.0e+00;
	v16 =	vadd.f32 v17, v1  }
0x1e7: {  	v10 =	vmul.f32 v10, v2;
	v25 =	vmul.f32 v15, v3  }
.Ltmp6:
0x1e8: {  	v19 =	vmul.f32 v22, v20;
	v17 =	vld [tilespmem:s7+$0xFFFFFF40];
	v20 =	vmul.f32 v18, v20;
	v15 =	vmax.f32 v16, $0.0e+00;
	(xrf2) =	vadd.scan.msk.f32 $0xffff, v8;
	(pc) =	sbr.rel @p0 .LBB2_13-.Ltmp6, $4  }
0x1e9: {  	v27 =	vadd.f32 v10, v14;
	v18 =	vld [tilespmem:s7+$0xFFFFFF50];
	v16 =	vmul.f32 v24, v23;
	v24 =	vmul.f32 v15, v2;
	v8, _, _ =	vpop (xrf2)  }
0x1ea: {  	v21 =	vmul.f32 v21, v23;
	v15 =	vld [tilespmem:s7+$0xFFFFFF80];
	v23 =	vadd.f32 v19, v4;
	v26 =	vadd.f32 v20, v1  }
0x1eb: {  	v14 =	vbroadcast v0, $0x1;
	v19 =	vld [tilespmem:s7+$0xFFFFFF00];
	v22 =	vadd.f32 v16, v4;
	v16 =	vadd.f32 v24, v25;
	(xrf2) =	vadd.scan.msk.f32 $0xffff, v27  }
0x1ec: {  	s8 =	sadd.s32 $0x40, s8;
	v20 =	vld [tilespmem:s7+$0xFFFFFF10];
	v21 =	vadd.f32 v21, v1;
	v23 =	vmax.f32 v23, $0.0e+00;
	v24 =	vmax.f32 v26, $0.0e+00;
	v10, _, _ =	vpop (xrf2)  }
0x1ed: {  	v25 =	vld [tilespmem:s7+$0xFFFFFF20]  }
0x1ee: {  	v22 =	vmax.f32 v22, $0.0e+00;
	v23 =	vmul.f32 v23, v3;
	v17 =	vmul.f32 v17, v12;
	v54 =	vld [tilespmem:s7+$0xFFFFFF30]  }
0x1ef: {  	v24 =	vmul.f32 v24, v2;
	v56 =	vld [tilespmem:s7+$0xFFFFFFE0];
	v52 =	vmul.f32 v18, v12;
	v53 =	vmax.f32 v21, $0.0e+00  }
0x1f0: {  	v57 =	vld [tilespmem:s7+$0xFFFFFF90];
	v22 =	vmul.f32 v22, v3;
	v18 =	vmul.f32 v53, v2;
	v17 =	vadd.f32 v17, v4  }
0x1f1: {  	v61 =	vld [tilespmem:s7+$0xFFFFFFF0];
	v23 =	vadd.f32 v24, v23;
	v15 =	vmul.f32 v15, v11;
	v19 =	vmul.f32 v13, v19  }
0x1f2: {  	v12 =	vadd.f32 v52, v1;
	v55 =	vmul.f32 v20, v13;
	v17 =	vmax.f32 v17, $0.0e+00  }
0x1f3: {  	v18 =	vadd.f32 v18, v22;
	v15 =	vadd.f32 v15, v4;
	v17 =	vmul.f32 v17, v3  }
0x1f4: {  	v19 =	vadd.f32 v19, v4;
	v58 =	vmul.f32 v25, v14;
	v59 =	vmul.f32 v54, v14  }
0x1f5: {  	v12 =	vmax.f32 v12, $0.0e+00;
	v62 =	vmul.f32 v57, v11;
	v20 =	vmul.f32 v56, v9  }
0x1f6: {  	v60 =	vld [tilespmem:s7+$0x40];
	v28 =	vmul.f32 v61, v9;
	v13 =	vadd.f32 v55, v1;
	v12 =	vmul.f32 v12, v2  }
0x1f7: {  	v19 =	vmax.f32 v19, $0.0e+00;
	v24 =	vadd.f32 v58, v4;
	v14 =	vadd.f32 v59, v1  }
0x1f8: {  	v26 =	vld [tilespmem:s7+$0x50];
	v11 =	vadd.f32 v62, v1;
	v13 =	vmax.f32 v13, $0.0e+00;
	v19 =	vmul.f32 v19, v3  }
0x1f9: {  	(xrf2) =	vadd.scan.msk.f32 $0xffff, v16;
	v33 =	vld [tilespmem:s7+$0xB0];
	v13 =	vmul.f32 v13, v2;
	v25 =	vmax.f32 v24, $0.0e+00;
	v14 =	vmax.f32 v14, $0.0e+00  }
0x1fa: {  	(xrf2) =	vadd.scan.msk.f32 $0xffff, v23;
	v12 =	vadd.f32 v12, v17;
	v16 =	vmul.f32 v25, v3;
	v14 =	vmul.f32 v14, v2  }
0x1fb: {  	v63 =	vld [tilespmem:s7+$0xA0];
	v29 =	vmul.f32 v60, v7;
	(xrf2) =	vadd.scan.msk.f32 $0xffff, v18;
	v32 =	vmax.f32 v15, $0.0e+00;
	v13 =	vadd.f32 v13, v19  }
0x1fc: {  	v30 =	vld [tilespmem:s7+$0xE0];
	v27 =	vadd.f32 v20, v4;
	v11 =	vmax.f32 v11, $0.0e+00;
	(xrf2) =	vadd.scan.msk.f32 $0xffff, v12;
	v31 =	vadd.f32 v14, v16  }
0x1fd: {  	v34 =	vmul.f32 v32, v3;
	v9 =	vadd.f32 v28, v1;
	v11 =	vmul.f32 v11, v2;
	(xrf2) =	vadd.scan.msk.f32 $0xffff, v13  }
0x1fe: {  	v36 =	vmul.f32 v26, v7;
	v42 =	vmul.f32 v33, v6;
	v35 =	vadd.f32 v29, v4;
	(xrf2) =	vadd.scan.msk.f32 $0xffff, v31  }
0x1ff: {  	v39 =	vld [tilespmem:s7+$0xF0];
	v38 =	vmax.f32 v27, $0.0e+00;
	v9 =	vmax.f32 v9, $0.0e+00;
	v11 =	vadd.f32 v11, v34  }
0x200: {  	v40, _, _ =	vpop (xrf2);
	v7 =	vadd.f32 v36, v1;
	v12 =	vmul.f32 v38, v3;
	v9 =	vmul.f32 v9, v2  }
0x201: {  	v37 =	vmul.f32 v63, v6;
	v41, _, _ =	vpop (xrf2);
	v43 =	vmul.f32 v30, v5;
	v6 =	vadd.f32 v42, v1;
	(xrf2) =	vadd.scan.msk.f32 $0xffff, v11  }
0x202: {  	v44, _, _ =	vpop (xrf2);
	v45 =	vmax.f32 v35, $0.0e+00;
	v7 =	vmax.f32 v7, $0.0e+00;
	v9 =	vadd.f32 v9, v12  }
0x203: {  	v46, _, _ =	vpop (xrf2);
	v7 =	vmul.f32 v7, v2;
	v16 =	vadd.f32 v37, v4;
	v12 =	vmul.f32 v45, v3  }
0x204: {  	v49 =	vmul.f32 v39, v5;
	v48 =	vadd.f32 v43, v4;
	v47, _, _ =	vpop (xrf2);
	(xrf2) =	vadd.scan.msk.f32 $0xffff, v9  }
0x205: {  	v6 =	vmax.f32 v6, $0.0e+00;
	v7 =	vadd.f32 v7, v12;
	v51 =	vmax.f32 v16, $0.0e+00;
	v50, _, _ =	vpop (xrf2)  }
0x206: {  	v6 =	vmul.f32 v6, v2;
	v12 =	vmul.f32 v51, v3;
	v52, _, _ =	vpop (xrf2)  }
0x207: {  	v4 =	vmax.f32 v48, $0.0e+00;
	(xrf2) =	vadd.scan.msk.f32 $0xffff, v7;
	v53, _, _ =	vpop (xrf2)  }
0x208: {  	v1 =	vadd.f32 v49, v1;
	v3 =	vmul.f32 v4, v3;
	v54 =	vadd.f32 v6, v12;
	v55, _, _ =	vpop (xrf2)  }
0x209: {  	v56 =	vbroadcast v53, $0xF;
	v4 =	vbroadcast v55, $0xF  }
0x20a: {  	v1 =	vmax.f32 v1, $0.0e+00;
	(xrf2) =	vadd.scan.msk.f32 $0xffff, v54;
	v57 =	vbroadcast v52, $0xF  }
0x20b: {  	v1 =	vmul.f32 v1, v2;
	v58 =	vbroadcast v50, $0xF;
	v59, _, _ =	vpop (xrf2);
	v2 =	vsel vm13, v56, v4  }
0x20c: {  	v5 =	vbroadcast v59, $0xF;
	v2 =	vsel vm12, v2, v57  }
0x20d: {  	v1 =	vadd.f32 v1, v3;
	v3 =	vbroadcast v47, $0xF;
	v2 =	vsel vm11, v2, v58  }
0x20e: {  	v60 =	vbroadcast v46, $0xF;
	v61, _, _ =	vpop (xrf2);
	v2 =	vsel vm9, v2, v5  }
0x20f: {  	(xrf2) =	vadd.scan.msk.f32 $0xffff, v1;
	v1 =	vsel vm6, v2, v3;
	v2 =	vbroadcast v61, $0xF  }
0x210: {  	v3 =	vbroadcast v44, $0xF;
	v1 =	vsel vm7, v1, v60  }
0x211: {  	v62, _, _ =	vpop (xrf2);
	v1 =	vsel vm5, v1, v2;
	v2 =	vbroadcast v41, $0xF  }
0x212: {  	v1 =	vsel vm0, v1, v3;
	v3 =	vbroadcast v62, $0xF  }
0x213: {  	v1 =	vsel vm3, v1, v2;
	v2 =	vbroadcast v40, $0xF  }
0x214: {  	v63, _, _ =	vpop (xrf2);
	v1 =	vsel vm1, v1, v3  }
0x215: {  	v3 =	vbroadcast v10, $0xF;
	v1 =	vsel vm2, v1, v2;
	v2 =	vbroadcast v63, $0xF;
	_ =	sdelay $0x1  }
0x216: {  	v1 =	vsel vm4, v1, v3;
	v3 =	vbroadcast v8, $0xF  }
0x217: {  	v1 =	vsel vm8, v1, v2  }
0x218: {  	v1 =	vsel vm10, v1, v3;
	v2, _, _ =	vpop (xrf2)  }
0x219: {  	v1 =	vsel vm14, v1, v2  }
0x21a: {  	s7 =	smul.u32 $0x280, s0;
	v0 =	vmul.f32 v1, v0;
	_ =	sdelay $0x1  }
0x21b: {  	s8 =	simm.s32 $0x14F80;
	s31 =	simm.s32 $0x4;
	s30 =	sadd.s32 s7, s4;
	[tilespmem:s6+$0x14F80] =	vst v0  }
0x21c: {  	[spmem:s30] =	stream.linear.scatter [tilespmem:s8], [sflag:$0x4], $0x280, $0x38;
	[tilespmem:$0x1F9D0] =	vst v63  }
0x21d: {  	_ =	swait.ge [sflag:s31], $0x280  }
0x21e: {  	[sflag:s31] =	ssyncset.done $0x0  }
0x21f: {  	s6 =	simm.s32 $0x17A40;
	v0 =	vimm.f32 $0.0e+00;
	[sflag:s31] =	ssyncadd.s32 $0xFFFFFD80  }
0x220: {  	[tilespmem:s6+$0xFFFFFFC0] =	vst v0  }
0x221: {  	[tilespmem:s6+$0x30] =	vst v0  }
0x222: {  	[tilespmem:s6+$0x20] =	vst v0  }
0x223: {  	[tilespmem:s6+$0x10] =	vst v0  }
0x224: {  	[tilespmem:s6+$0x0] =	vst v0  }
0x225: {  	[tilespmem:s6+$0xFFFFFFF0] =	vst v0  }
0x226: {  	s8 =	simm.s32 $0x0;
	[tilespmem:s6+$0xFFFFFFE0] =	vst v0  }
.LBB2_15:
0x227: {  	s8 =	sadd.s32 $0x8, s8;
	[tilespmem:s6+$0xFFFFFFD0] =	vst v0;
	s6 =	sadd.s32 $0x80, s6  }
0x228: {  	[tilespmem:s6+$0xFFFFFFC0] =	vst v0;
	p0 =	slt.u32 s8, $0x278  }
0x229: {  	[tilespmem:s6+$0x30] =	vst v0  }
.Ltmp7:
0x22a: {  	[tilespmem:s6+$0x20] =	vst v0;
	(pc) =	sbr.rel @p0 .LBB2_15-.Ltmp7, $4  }
0x22b: {  	[tilespmem:s6+$0x10] =	vst v0  }
0x22c: {  	[tilespmem:s6+$0x0] =	vst v0  }
0x22d: {  	[tilespmem:s6+$0xFFFFFFF0] =	vst v0  }
0x22e: {  	[tilespmem:s6+$0xFFFFFFE0] =	vst v0  }
0x22f: {  	[tilespmem:s6+$0xFFFFFFD0] =	vst v0;
	s6 =	simm.s32 $0x17A00;
	s9 =	simm.s32 $0x4  }
0x230: {  	[spmem:s5] =	stream.linear.scatter [tilespmem:s6], [sflag:$0x4], $0x280, $0x38;
	[tilespmem:$0x1F9D0] =	vst v63  }
0x231: {  	_ =	swait.ge [sflag:s9], $0x280  }
0x232: {  	[sflag:s9] =	ssyncset.done $0x0  }
0x233: {  	[sflag:s9] =	ssyncadd.s32 $0xFFFFFD80  }
0x234: {  	s8 =	simm.s32 $0x15200;
	[bflag:$0x0] =	sbarrier.arrive $0xFFFF  }
0x235: {  	[tilespmem:s8], [sflag:$0x4] =	stream.linear.gather [spmem:s4], $0x2800, $0x38;
	[tilespmem:$0x1F9D0] =	vst v63  }
0x236: {  	_ =	swait.ge [sflag:s9], $0x2800  }
0x237: {  	[sflag:s9] =	ssyncset.done $0x0  }
0x238: {  	s4 =	simm.s32 $0x0;
	[sflag:s9] =	ssyncadd.s32 $0xFFFFD800  }
.LBB2_17:
0x239: {  	s9 =	sshra.s32 s4, $0x2  }
0x23a: {  	v0 =	vld [tilespmem:s9+$0x0];
	_ =	sdelay $0x4  }
0x23b: {  	v1 =	vld [tilespmem:s9+$0x4E80];
	_ =	sdelay $0x2  }
0x23c: {  	v0 =	vld.idx.msk [tilespmem:v0+s8+$0x0], $0xffff;
	_ =	sdelay $0x4  }
0x23d: {  	[tilespmem:v1+s6+$0x0] =	vst.idx.add.f32.msk $0xffff, v0  }
0x23e: {  	v0 =	vld [tilespmem:s9+$0x10];
	_ =	sdelay $0x4  }
0x23f: {  	v1 =	vld [tilespmem:s9+$0x4E90];
	_ =	sdelay $0x2  }
0x240: {  	v0 =	vld.idx.msk [tilespmem:v0+s8+$0x0], $0xffff;
	_ =	sdelay $0x4  }
0x241: {  	[tilespmem:v1+s6+$0x0] =	vst.idx.add.f32.msk $0xffff, v0  }
0x242: {  	v0 =	vld [tilespmem:s9+$0x20];
	_ =	sdelay $0x4  }
0x243: {  	v1 =	vld [tilespmem:s9+$0x4EA0];
	_ =	sdelay $0x2  }
0x244: {  	v0 =	vld.idx.msk [tilespmem:v0+s8+$0x0], $0xffff;
	_ =	sdelay $0x4  }
0x245: {  	[tilespmem:v1+s6+$0x0] =	vst.idx.add.f32.msk $0xffff, v0  }
0x246: {  	v0 =	vld [tilespmem:s9+$0x30];
	_ =	sdelay $0x4  }
0x247: {  	v1 =	vld [tilespmem:s9+$0x4EB0];
	_ =	sdelay $0x2  }
0x248: {  	v0 =	vld.idx.msk [tilespmem:v0+s8+$0x0], $0xffff;
	_ =	sdelay $0x4  }
0x249: {  	[tilespmem:v1+s6+$0x0] =	vst.idx.add.f32.msk $0xffff, v0  }
0x24a: {  	v0 =	vld [tilespmem:s9+$0x40];
	_ =	sdelay $0x4  }
0x24b: {  	v1 =	vld [tilespmem:s9+$0x4EC0];
	_ =	sdelay $0x2  }
0x24c: {  	v0 =	vld.idx.msk [tilespmem:v0+s8+$0x0], $0xffff;
	_ =	sdelay $0x4  }
0x24d: {  	[tilespmem:v1+s6+$0x0] =	vst.idx.add.f32.msk $0xffff, v0  }
0x24e: {  	v0 =	vld [tilespmem:s9+$0x50];
	_ =	sdelay $0x4  }
0x24f: {  	v1 =	vld [tilespmem:s9+$0x4ED0];
	_ =	sdelay $0x2  }
0x250: {  	v0 =	vld.idx.msk [tilespmem:v0+s8+$0x0], $0xffff;
	_ =	sdelay $0x4  }
0x251: {  	[tilespmem:v1+s6+$0x0] =	vst.idx.add.f32.msk $0xffff, v0  }
0x252: {  	v0 =	vld [tilespmem:s9+$0x60];
	_ =	sdelay $0x4  }
0x253: {  	v1 =	vld [tilespmem:s9+$0x4EE0];
	_ =	sdelay $0x2  }
0x254: {  	v0 =	vld.idx.msk [tilespmem:v0+s8+$0x0], $0xffff;
	_ =	sdelay $0x4  }
0x255: {  	[tilespmem:v1+s6+$0x0] =	vst.idx.add.f32.msk $0xffff, v0  }
0x256: {  	v0 =	vld [tilespmem:s9+$0x70];
	_ =	sdelay $0x4  }
0x257: {  	v1 =	vld [tilespmem:s9+$0x4EF0];
	_ =	sdelay $0x2  }
0x258: {  	p0 =	sne.s32 s4, $0x13800;
	v0 =	vld.idx.msk [tilespmem:v0+s8+$0x0], $0xffff  }
.Ltmp8:
0x259: {  	_ = 	snop;
	(pc) =	sbr.rel @p0 .LBB2_17-.Ltmp8, $2  }
0x25a: {  	_ =	sdelay $0x2  }
0x25b: {  	s4 =	sadd.s32 $0x200, s4;
	[tilespmem:v1+s6+$0x0] =	vst.idx.add.f32.msk $0xffff, v0  }
0x25c: {  	s4 =	simm.s32 $0x280  }
0x25d: {  	s6 =	simm.s32 $0x1A200;
	s8 =	simm.s32 $0x17A00;
	s31 =	simm.s32 $0x4  }
0x25e: {  	[spmem:s3] =	stream.indirect.scatter.add.f32 [tilespmem:s8], [sflag:$0x4], $0x10, s6, s4, $0xb8;
	[tilespmem:$0x1F9D0] =	vst v63  }
0x25f: {  	_ =	swait.ge [sflag:s31], $0x2800  }
0x260: {  	[sflag:s31] =	ssyncset.done $0x0  }
0x261: {  	[sflag:s31] =	ssyncadd.s32 $0xFFFFD800  }
0x262: {  	[bflag:$0x0] =	sbarrier.arrive $0xFFFF  }
0x263: {  	[tilespmem:s8], [sflag:$0x4] =	stream.linear.gather [spmem:s5], $0x280, $0x38;
	[tilespmem:$0x1F9D0] =	vst v63  }
0x264: {  	_ =	swait.ge [sflag:s31], $0x280  }
0x265: {  	[sflag:s31] =	ssyncset.done $0x0  }
0x266: {  	s3 =	simm.s32 $0x14FA0;
	[sflag:s31] =	ssyncadd.s32 $0xFFFFFD80  }
0x267: {  	s4 =	simm.s32 $0x17A20;
	v1 =	vld [tilespmem:s3+$0xFFFFFFE0]  }
0x268: {  	v2 =	vld [tilespmem:s4+$0xFFFFFFE0]  }
0x269: {  	s5 =	simm.s32 $0x14D20  }
0x26a: {  	v3 =	vld [tilespmem:s5+$0xFFFFFFE0];
	_ =	sdelay $0x1  }
0x26b: {  	v0 =	vld [tilespmem:$0x1A4C0]  }
0x26c: {  	v1 =	vadd.f32 v1, v2;
	_ =	sdelay $0x1  }
0x26d: {  	v1 =	vmul.f32 v1, v3;
	_ =	sdelay $0x1  }
0x26e: {  	v1 =	vadd.f32 v1, v0;
	_ =	sdelay $0x1  }
0x26f: {  	[tilespmem:s3+$0xFFFFFFE0] =	vst v1;
	v1 =	vld [tilespmem:s3+$0xFFFFFFF0]  }
0x270: {  	v2 =	vld [tilespmem:s4+$0xFFFFFFF0];
	_ =	sdelay $0x1  }
0x271: {  	v3 =	vld [tilespmem:s5+$0xFFFFFFF0];
	_ =	sdelay $0x2  }
0x272: {  	v1 =	vadd.f32 v1, v2;
	_ =	sdelay $0x1  }
0x273: {  	v1 =	vmul.f32 v1, v3;
	_ =	sdelay $0x1  }
0x274: {  	v1 =	vadd.f32 v1, v0;
	_ =	sdelay $0x1  }
0x275: {  	[tilespmem:s3+$0xFFFFFFF0] =	vst v1;
	v1 =	vld [tilespmem:s3+$0x0]  }
0x276: {  	v2 =	vld [tilespmem:s4+$0x0];
	_ =	sdelay $0x1  }
0x277: {  	v3 =	vld [tilespmem:s5+$0x0];
	_ =	sdelay $0x2  }
0x278: {  	v1 =	vadd.f32 v1, v2;
	_ =	sdelay $0x1  }
0x279: {  	v1 =	vmul.f32 v1, v3;
	_ =	sdelay $0x1  }
0x27a: {  	v1 =	vadd.f32 v1, v0;
	_ =	sdelay $0x1  }
0x27b: {  	[tilespmem:s3+$0x0] =	vst v1;
	v1 =	vld [tilespmem:s3+$0x10]  }
0x27c: {  	v2 =	vld [tilespmem:s4+$0x10];
	_ =	sdelay $0x1  }
0x27d: {  	v3 =	vld [tilespmem:s5+$0x10];
	_ =	sdelay $0x2  }
0x27e: {  	v1 =	vadd.f32 v1, v2;
	_ =	sdelay $0x1  }
0x27f: {  	v1 =	vmul.f32 v1, v3;
	_ =	sdelay $0x1  }
0x280: {  	v1 =	vadd.f32 v1, v0  }
0x281: {  	s6 =	simm.s32 $0x0;
	s8 =	simm.s32 $0x14FE0  }
.LBB2_19:
0x282: {  	v2 =	vld [tilespmem:s8+$0xFFFFFFE0];
	[tilespmem:s3+$0x10] =	vst v1;
	s4 =	sadd.s32 $0x40, s4;
	s3 =	smov.u32 s8  }
0x283: {  	s6 =	sadd.s32 $0x4, s6;
	s5 =	sadd.s32 $0x40, s5;
	v1 =	vld [tilespmem:s4+$0xFFFFFFE0]  }
0x284: {  	p0 =	slt.u32 s6, $0x24;
	v3 =	vld [tilespmem:s5+$0xFFFFFFE0];
	_ =	sdelay $0x3  }
0x285: {  	v1 =	vadd.f32 v2, v1;
	_ =	sdelay $0x1  }
0x286: {  	v1 =	vmul.f32 v1, v3;
	_ =	sdelay $0x1  }
0x287: {  	v1 =	vadd.f32 v1, v0;
	_ =	sdelay $0x1  }
0x288: {  	[tilespmem:s8+$0xFFFFFFE0] =	vst v1;
	v1 =	vld [tilespmem:s8+$0xFFFFFFF0]  }
0x289: {  	v2 =	vld [tilespmem:s4+$0xFFFFFFF0];
	_ =	sdelay $0x1  }
0x28a: {  	v3 =	vld [tilespmem:s5+$0xFFFFFFF0];
	_ =	sdelay $0x2  }
0x28b: {  	v1 =	vadd.f32 v1, v2;
	_ =	sdelay $0x1  }
0x28c: {  	v1 =	vmul.f32 v1, v3;
	_ =	sdelay $0x1  }
0x28d: {  	v1 =	vadd.f32 v1, v0;
	_ =	sdelay $0x1  }
0x28e: {  	[tilespmem:s8+$0xFFFFFFF0] =	vst v1;
	v1 =	vld [tilespmem:s8+$0x0]  }
0x28f: {  	v2 =	vld [tilespmem:s4+$0x0];
	_ =	sdelay $0x1  }
0x290: {  	v3 =	vld [tilespmem:s5+$0x0];
	_ =	sdelay $0x2  }
0x291: {  	v1 =	vadd.f32 v1, v2;
	_ =	sdelay $0x1  }
0x292: {  	v1 =	vmul.f32 v1, v3;
	_ =	sdelay $0x1  }
0x293: {  	v1 =	vadd.f32 v1, v0;
	_ =	sdelay $0x1  }
0x294: {  	[tilespmem:s8+$0x0] =	vst v1;
	v1 =	vld [tilespmem:s8+$0x10]  }
0x295: {  	v2 =	vld [tilespmem:s4+$0x10]  }
0x296: {  	v3 =	vld [tilespmem:s5+$0x10];
	_ =	sdelay $0x3  }
0x297: {  	v1 =	vadd.f32 v1, v2  }
.Ltmp9:
0x298: {  	(pc) =	sbr.rel @p0 .LBB2_19-.Ltmp9, $3  }
0x299: {  	v1 =	vmul.f32 v1, v3;
	_ =	sdelay $0x1  }
0x29a: {  	v1 =	vadd.f32 v1, v0  }
0x29b: {  	s8 =	sadd.s32 $0x40, s8  }
0x29c: {  	s4 =	sshrl.u32 s7, $0x3;
	s29 =	simm.s32 $0x0  }
0x29d: {  	[tilespmem:s3+$0x10] =	vst v1;
	s30 =	simm.s32 $0x14F80;
	s31 =	simm.s32 $0x4;
	s2 =	sadd.s32 s2, s4  }
0x29e: {  	[hbm4b:s2+s29] =	stream.linear.scatter [tilespmem:s30], [sflag:$0x4], $0x280, $0x38;
	[tilespmem:$0x1F9D0] =	vst v63  }
0x29f: {  	_ =	swait.ge [sflag:s31], $0x280  }
0x2a0: {  	[sflag:s31] =	ssyncset.done $0x0  }
0x2a1: {  	[sflag:s31] =	ssyncadd.s32 $0xFFFFFD80  }
0x2a2: {  	_ =	sfence.sel $0x180000  }
0x2a3: {  	[bflag:$0x0] =	sbarrier.arrive $0xFFFF  }
0x2a4: {  	p0 =	sne.s32 s0, $0x0;
	_ =	strace $0x90000047  }
0x2a5: {  	s0 =	sadd.s32 @!p0 $0x100000, s1;
	[bflag:$0x2] =	sbarrier.arrive $0xFFFF  }
0x2a6: {  	[sflag:s0] =	ssyncadd.tile.s32 @!p0 $0x1;
	_ =	shalt  }
.Lfunc_end2:
_tile_overlayer_lowered:
.L_overlay_start_2:
0x2a7: {  	(tag) =	ssettag $0x2  }
0x2a8: {  	s0 =	rddreg [dreg:$0x0];
	s2 =	stileid.u32  }
0x2a9: {  	s1 =	rddreg [dreg:$0x1];
	p0 =	sne.s32 s2, $0x0  }
0x2aa: {  	s3 =	rddreg [dreg:$0x2];
	[bflag:$0x3] =	sbarrier.arrive $0xFFFF;
	s2 =	simm.s32 @!p0 $0x1C04  }
0x2ab: {  	[timem:s3], [sflag:s2] =	dma.local @!p0 [hbm:s0], s1  }
0x2ac: {  	s0 =	simm.s32 @!p0 $0x4  }
0x2ad: {  	_ =	swait.ge @!p0 [sflag:s0], s1  }
0x2ae: {  	s1 =	ssub.s32 @!p0 $0x0, s1;
	[sflag:s0] =	ssyncset.done @!p0 $0x0  }
0x2af: {  	[sflag:s0] =	ssyncadd.s32 @!p0 s1  }
0x2b0: {  	[bflag:$0x3] =	sbarrier.arrive $0xFFFF  }
0x2b1: {  	_ =	shalt  }

</sc_bundles>
